<compile_context>
chip_gen: v7x
topology: tpu7x:2x2x1
jax: 0.10.2.dev20260603
libtpu: 0.0.44.dev20260713+nightly
codegen_flags: <defaults>
</compile_context>

<pallas_src>
import functools

import jax
import jax.numpy as jnp
from jax import lax
from jax.experimental import pallas as pl
from jax.experimental.pallas import tpu as pltpu
from jax.experimental.pallas import tpu_sc as plsc

B = 4096
DPSI_THRESHOLD = 0.05
MSE_WEIGHT = 10.0
EPS = 1e-7
SQRT2 = 1.4142135623730951
LN2 = 0.6931471805599453

LANES = 16
NWORKERS = 32
ROWS_PER = B // NWORKERS
GROUPS = ROWS_PER // LANES
NCHUNK = B // LANES
BLK = 128
BLK_CH = BLK // LANES


def _ln(x):
    bits = lax.bitcast_convert_type(x, jnp.int32)
    e = ((bits >> 23) & 0xFF) - 127
    m = lax.bitcast_convert_type((bits & 0x7FFFFF) | 0x3F800000, jnp.float32)
    big = m > SQRT2
    m = jnp.where(big, m * 0.5, m)
    e = jnp.where(big, e + 1, e)
    z = (m - 1.0) / (m + 1.0)
    z2 = z * z
    p = z * (2.0 + z2 * (2.0 / 3.0 + z2 * (2.0 / 5.0 + z2 * (2.0 / 7.0))))
    return e.astype(jnp.float32) * LN2 + p


def _loss_body(pred_hbm, psi_hbm, ev_hbm, cf_hbm, out,
               pred_b, psi_b, ev_b, u_band, cf_v, bnd_v, stage_v, dma_sem):
    wid = lax.axis_index("s") * 2 + lax.axis_index("c")
    base = wid * ROWS_PER
    cbase = wid * GROUPS
    lane = lax.iota(jnp.int32, LANES)
    zero = jnp.zeros((LANES,), jnp.float32)

    c0 = pltpu.async_copy(cf_hbm, cf_v, dma_sem)
    c1 = pltpu.async_copy(pred_hbm.at[pl.ds(base, BLK)], pred_b.at[pl.ds(0, BLK)], dma_sem)
    c2 = pltpu.async_copy(psi_hbm.at[pl.ds(base, BLK)], psi_b.at[pl.ds(0, BLK)], dma_sem)
    c3 = pltpu.async_copy(ev_hbm.at[pl.ds(base, BLK)], ev_b.at[pl.ds(0, BLK)], dma_sem)
    c0.wait()
    c1.wait()
    c2.wait()
    c3.wait()

    ev_ghi = plsc.load_gather(ev_b, [jnp.minimum(lane, GROUPS - 1) * LANES + (LANES - 1)])
    c_hi = jnp.zeros((LANES,), jnp.int32)
    for k in (256, 128, 64, 32, 16, 8, 4, 2, 1):
        nhi = c_hi + k
        cmin = plsc.load_gather(cf_v, [jnp.minimum(nhi, NCHUNK) - 1])
        c_hi = jnp.where((nhi <= NCHUNK) & (cmin <= ev_ghi), nhi, c_hi)
    bnd_v[pl.ds(0, LANES)] = c_hi
    bnd_v[pl.ds(LANES, LANES)] = c_hi
    n_band = c_hi[GROUPS - 1] - cbase

    def blk_body(k, _):
        s = jnp.minimum(base + k * BLK, B - BLK)
        d = s - base
        b1 = pltpu.async_copy(pred_hbm.at[pl.ds(s, BLK)], pred_b.at[pl.ds(d, BLK)], dma_sem)
        b2 = pltpu.async_copy(psi_hbm.at[pl.ds(s, BLK)], psi_b.at[pl.ds(d, BLK)], dma_sem)
        b3 = pltpu.async_copy(ev_hbm.at[pl.ds(s, BLK)], ev_b.at[pl.ds(d, BLK)], dma_sem)
        b1.wait()
        b2.wait()
        b3.wait()
        return 0

    n_blk = (n_band + (BLK_CH - 1)) // BLK_CH
    lax.fori_loop(1, n_blk, blk_body, 0)

    def band_body(j, b_bce):
        cb = j * LANES
        x = pred_b[pl.ds(cb, LANES)]
        y = psi_b[pl.ds(cb, LANES)]
        p = jnp.clip(y, EPS, 1.0 - EPS)
        u_band[pl.ds(cb, LANES)] = x - _ln(p / (1.0 - p))
        terms = jnp.maximum(x, 0.0) - x * y + _ln(1.0 + jnp.exp(-jnp.abs(x)))
        keep = jnp.full((LANES,), j, jnp.int32) < GROUPS
        return b_bce + jnp.where(keep, terms, 0.0)

    acc_bce = lax.fori_loop(0, n_band, band_body, zero)

    def group_body(g, carry):
        gb = g * LANES
        y = psi_b[pl.ds(gb, LANES)]
        ev_r = ev_b[pl.ds(gb, LANES)]
        u_r = u_band[pl.ds(gb, LANES)]
        g_abs = cbase + g
        c_hi_g = bnd_v[pl.ds(g, LANES)][0]

        def chunk_body(c, acc):
            b_sq0, b_sq1, b_ct0, b_ct1 = acc
            wv = jnp.where(jnp.full((LANES,), c, jnp.int32) == g_abs, 1.0, 2.0)
            cb = (c - cbase) * LANES
            psi_c = psi_b[pl.ds(cb, LANES)]
            ev_c = ev_b[pl.ds(cb, LANES)]
            u_c = u_band[pl.ds(cb, LANES)]
            for s in range(LANES):
                idx = (lane + s) & (LANES - 1)
                u_x = u_c.at[idx].get(mode="promise_in_bounds")
                psi_x = psi_c.at[idx].get(mode="promise_in_bounds")
                ev_x = ev_c.at[idx].get(mode="promise_in_bounds")
                m = (ev_x == ev_r) & (jnp.abs(psi_x - y) >= DPSI_THRESHOLD)
                d = u_x - u_r
                sq = jnp.where(m, wv * (d * d), 0.0)
                ct = jnp.where(m, wv, 0.0)
                if s % 2 == 0:
                    b_sq0 = b_sq0 + sq
                    b_ct0 = b_ct0 + ct
                else:
                    b_sq1 = b_sq1 + sq
                    b_ct1 = b_ct1 + ct
            return (b_sq0, b_sq1, b_ct0, b_ct1)

        return lax.fori_loop(g_abs, c_hi_g, chunk_body, carry)

    acc = lax.fori_loop(0, GROUPS, group_body, (zero, zero, zero, zero))

    stage_v[pl.ds(0, LANES)] = acc_bce
    stage_v[pl.ds(LANES, LANES)] = acc[0] + acc[1]
    stage_v[pl.ds(2 * LANES, LANES)] = acc[2] + acc[3]
    pltpu.sync_copy(stage_v, out.at[wid])


_loss = functools.partial(
    pl.kernel,
    mesh=plsc.VectorSubcoreMesh(core_axis_name="c", subcore_axis_name="s"),
    compiler_params=pltpu.CompilerParams(needs_layout_passes=False),
    out_type=jax.ShapeDtypeStruct((NWORKERS, 3 * LANES), jnp.float32),
    scratch_types=[
        pltpu.VMEM((B,), jnp.float32),
        pltpu.VMEM((B,), jnp.float32),
        pltpu.VMEM((B,), jnp.int32),
        pltpu.VMEM((B,), jnp.float32),
        pltpu.VMEM((NCHUNK,), jnp.int32),
        pltpu.VMEM((2 * LANES,), jnp.int32),
        pltpu.VMEM((3 * LANES,), jnp.float32),
        pltpu.SemaphoreType.DMA,
    ],
)(_loss_body)


def kernel(pred_psi_val, psi_val, event_id, use_BCE_loss_only):
    ev = event_id.astype(jnp.int32)
    cf = ev[::LANES]
    parts = _loss(pred_psi_val, psi_val, ev, cf)
    r = jnp.sum(parts.reshape(NWORKERS, 3, LANES), axis=(0, 2))
    bce = r[0] / B
    cnt = r[2]
    pairwise_mse = r[1] / jnp.maximum(cnt, 1.0)
    full_loss = bce + jnp.where(cnt > 0, pairwise_mse * MSE_WEIGHT, 0.0)
    return jnp.where(use_BCE_loss_only != 0, bce, full_loss)

# --- scband reference (transcript-rebuilt; emitter-appended) ---
"""Pipeline reference for scband-pairwise-mseloss-and-bcewith-logits-loss-85100482003007 (READ-ONLY COPY).

The authoritative reference and input builder live on the scoring server;
editing this copy changes nothing except your own understanding.
"""

import jax, jax.numpy as jnp
import numpy as np

B = 4096
N_EVENTS = 512
DPSI_THRESHOLD = 0.05
MSE_WEIGHT = 10.0


def setup_inputs(seed: int = 0) -> dict:
    key = jax.random.key(seed)
    k1, k2, k3 = jax.random.split(key, 3)
    pred_psi_val = jax.random.normal(k1, (B,), dtype=jnp.float32)
    psi_val = jax.random.uniform(k2, (B,), dtype=jnp.float32)
    event_id = jnp.sort(jax.random.randint(k3, (B,), 0, N_EVENTS)).astype(jnp.int32)
    use_BCE_loss_only = 0
    return {
        "pred_psi_val": pred_psi_val,
        "psi_val": psi_val,
        "event_id": event_id,
        "use_BCE_loss_only": use_BCE_loss_only,
    }


def _bce_with_logits(x, y):
    # numerically stable BCE-with-logits, mean reduction (matches F.binary_cross_entropy_with_logits)
    return jnp.mean(jnp.maximum(x, 0.0) - x * y + jnp.log1p(jnp.exp(-jnp.abs(x))))


def reference(pred_psi_val, psi_val, event_id, use_BCE_loss_only):
    x = pred_psi_val.reshape(-1)
    y = psi_val.reshape(-1)
    loss = _bce_with_logits(x, y)
    eps = 1e-07
    ori_psi_val = psi_val
    p = jnp.clip(psi_val, eps, 1.0 - eps)  # torch.special.logit(psi, eps) clamps input
    psi_logit = jnp.log(p) - jnp.log1p(-p)
    pred_diff = pred_psi_val[:, None] - pred_psi_val[None, :]
    true_diff = psi_logit[:, None] - psi_logit[None, :]
    ori_true_diff = ori_psi_val[:, None] - ori_psi_val[None, :]
    same_event = event_id[:, None] == event_id[None, :]
    valid_pairs = jnp.abs(ori_true_diff) >= DPSI_THRESHOLD
    w = (same_event & valid_pairs).astype(jnp.float32)
    cnt = jnp.sum(w)
    sq = (pred_diff - true_diff) ** 2
    # masked mean == F.mse_loss over the boolean-selected pairs
    pairwise_mse = jnp.sum(sq * w) / jnp.maximum(cnt, 1.0)
    full_loss = loss + jnp.where(cnt > 0, pairwise_mse * MSE_WEIGHT, 0.0)
    return jnp.where(use_BCE_loss_only != 0, loss, full_loss)

if __name__ == "__main__":
    import jax
    _d = setup_inputs()
    print(jax.jit(kernel)(*tuple(_d.values())))

</pallas_src>

<mosaic_0001>
#map = affine_map<(d0, d1) -> (0)>
#map1 = affine_map<(d0, d1) -> (0, 0)>
module attributes {stable_mosaic.version = 14 : i64} {
  func.func @_loss_body(%arg0: i32, %arg1: i32, %arg2: memref<4096xf32, #tpu.memory_space<hbm>>, %arg3: memref<4096xf32, #tpu.memory_space<hbm>>, %arg4: memref<4096xi32, #tpu.memory_space<hbm>>, %arg5: memref<256xi32, #tpu.memory_space<hbm>>, %arg6: memref<32x48xf32, #tpu.memory_space<hbm>>, %arg7: memref<4096xf32, #tpu.memory_space<vmem>>, %arg8: memref<4096xf32, #tpu.memory_space<vmem>>, %arg9: memref<4096xi32, #tpu.memory_space<vmem>>, %arg10: memref<4096xf32, #tpu.memory_space<vmem>>, %arg11: memref<256xi32, #tpu.memory_space<vmem>>, %arg12: memref<32xi32, #tpu.memory_space<vmem>>, %arg13: memref<48xf32, #tpu.memory_space<vmem>>, %arg14: memref<!tpu.dma_semaphore, #tpu.memory_space<semaphore_mem>>) attributes {dimension_semantics = [#tpu.dimension_semantics<core_parallel>, #tpu.dimension_semantics<subcore_parallel>], iteration_bounds = array<i64: 2, 16>, scalar_prefetch = 0 : i64, scratch_operands = 8 : i64, tpu.core_type = #tpu.core_type<sc_vector_subcore>, window_params = [{transform_indices = #map}, {transform_indices = #map}, {transform_indices = #map}, {transform_indices = #map}, {transform_indices = #map1}]} {
    %mul3A = arith.constant 2 : i32
    %mul3A_0 = arith.muli %arg1, %mul3A : i32
    %add3A = arith.addi %mul3A_0, %arg0 : i32
    %mul3A_1 = arith.constant 128 : i32
    %mul3A_2 = arith.muli %add3A, %mul3A_1 : i32
    %mul3A_3 = arith.constant 8 : i32
    %mul3A_4 = arith.muli %add3A, %mul3A_3 : i32
    %iota3A = tpu.iota {dimensions = array<i32: 0>} : vector<16xi32>
    %broadcast_in_dim3A = arith.constant 0.000000e+00 : f32
    %broadcast_in_dim3A_5 = vector.broadcast %broadcast_in_dim3A : f32 to vector<16xf32>
    tpu.enqueue_dma source(%arg5 : memref<256xi32, #tpu.memory_space<hbm>>) target(%arg11 : memref<256xi32, #tpu.memory_space<vmem>>) target_semaphore(%arg14 : memref<!tpu.dma_semaphore, #tpu.memory_space<semaphore_mem>>)
    %dma_start3A = arith.constant 0 : i32
    %dma_start3A_6 = tpu.memref_slice %arg7[%dma_start3A] : memref<4096xf32, #tpu.memory_space<vmem>> -> memref<128xf32, #tpu.memory_space<vmem>>
    %dma_start3A_7 = tpu.memref_slice %arg2[%mul3A_2] : memref<4096xf32, #tpu.memory_space<hbm>> -> memref<128xf32, #tpu.memory_space<hbm>>
    %dma_start3A_8 = arith.constant 0 : i32
    %dma_start3A_9 = tpu.memref_slice %arg7[%dma_start3A_8] : memref<4096xf32, #tpu.memory_space<vmem>> -> memref<128xf32, #tpu.memory_space<vmem>>
    %dma_start3A_10 = tpu.memref_slice %arg2[%mul3A_2] : memref<4096xf32, #tpu.memory_space<hbm>> -> memref<128xf32, #tpu.memory_space<hbm>>
    tpu.enqueue_dma source(%dma_start3A_10 : memref<128xf32, #tpu.memory_space<hbm>>) target(%dma_start3A_9 : memref<128xf32, #tpu.memory_space<vmem>>) target_semaphore(%arg14 : memref<!tpu.dma_semaphore, #tpu.memory_space<semaphore_mem>>)
    %dma_start3A_11 = arith.constant 0 : i32
    %dma_start3A_12 = tpu.memref_slice %arg8[%dma_start3A_11] : memref<4096xf32, #tpu.memory_space<vmem>> -> memref<128xf32, #tpu.memory_space<vmem>>
    %dma_start3A_13 = tpu.memref_slice %arg3[%mul3A_2] : memref<4096xf32, #tpu.memory_space<hbm>> -> memref<128xf32, #tpu.memory_space<hbm>>
    %dma_start3A_14 = arith.constant 0 : i32
    %dma_start3A_15 = tpu.memref_slice %arg8[%dma_start3A_14] : memref<4096xf32, #tpu.memory_space<vmem>> -> memref<128xf32, #tpu.memory_space<vmem>>
    %dma_start3A_16 = tpu.memref_slice %arg3[%mul3A_2] : memref<4096xf32, #tpu.memory_space<hbm>> -> memref<128xf32, #tpu.memory_space<hbm>>
    tpu.enqueue_dma source(%dma_start3A_16 : memref<128xf32, #tpu.memory_space<hbm>>) target(%dma_start3A_15 : memref<128xf32, #tpu.memory_space<vmem>>) target_semaphore(%arg14 : memref<!tpu.dma_semaphore, #tpu.memory_space<semaphore_mem>>)
    %dma_start3A_17 = arith.constant 0 : i32
    %dma_start3A_18 = tpu.memref_slice %arg9[%dma_start3A_17] : memref<4096xi32, #tpu.memory_space<vmem>> -> memref<128xi32, #tpu.memory_space<vmem>>
    %dma_start3A_19 = tpu.memref_slice %arg4[%mul3A_2] : memref<4096xi32, #tpu.memory_space<hbm>> -> memref<128xi32, #tpu.memory_space<hbm>>
    %dma_start3A_20 = arith.constant 0 : i32
    %dma_start3A_21 = tpu.memref_slice %arg9[%dma_start3A_20] : memref<4096xi32, #tpu.memory_space<vmem>> -> memref<128xi32, #tpu.memory_space<vmem>>
    %dma_start3A_22 = tpu.memref_slice %arg4[%mul3A_2] : memref<4096xi32, #tpu.memory_space<hbm>> -> memref<128xi32, #tpu.memory_space<hbm>>
    tpu.enqueue_dma source(%dma_start3A_22 : memref<128xi32, #tpu.memory_space<hbm>>) target(%dma_start3A_21 : memref<128xi32, #tpu.memory_space<vmem>>) target_semaphore(%arg14 : memref<!tpu.dma_semaphore, #tpu.memory_space<semaphore_mem>>)
    tpu.wait_dma2 semaphore(%arg14 : memref<!tpu.dma_semaphore, #tpu.memory_space<semaphore_mem>>) src(%arg5 : memref<256xi32, #tpu.memory_space<hbm>>) dst(%arg11 : memref<256xi32, #tpu.memory_space<vmem>>)
    %dma_wait3A = arith.constant 0 : i32
    %dma_wait3A_23 = tpu.memref_slice %arg7[%dma_wait3A] : memref<4096xf32, #tpu.memory_space<vmem>> -> memref<128xf32, #tpu.memory_space<vmem>>
    %dma_wait3A_24 = tpu.memref_slice %arg2[%mul3A_2] : memref<4096xf32, #tpu.memory_space<hbm>> -> memref<128xf32, #tpu.memory_space<hbm>>
    %dma_wait3A_25 = arith.constant 0 : i32
    %dma_wait3A_26 = tpu.memref_slice %arg7[%dma_wait3A_25] : memref<4096xf32, #tpu.memory_space<vmem>> -> memref<128xf32, #tpu.memory_space<vmem>>
    %dma_wait3A_27 = tpu.memref_slice %arg2[%mul3A_2] : memref<4096xf32, #tpu.memory_space<hbm>> -> memref<128xf32, #tpu.memory_space<hbm>>
    tpu.wait_dma2 semaphore(%arg14 : memref<!tpu.dma_semaphore, #tpu.memory_space<semaphore_mem>>) src(%dma_wait3A_27 : memref<128xf32, #tpu.memory_space<hbm>>) dst(%dma_wait3A_26 : memref<128xf32, #tpu.memory_space<vmem>>)
    %dma_wait3A_28 = arith.constant 0 : i32
    %dma_wait3A_29 = tpu.memref_slice %arg8[%dma_wait3A_28] : memref<4096xf32, #tpu.memory_space<vmem>> -> memref<128xf32, #tpu.memory_space<vmem>>
    %dma_wait3A_30 = tpu.memref_slice %arg3[%mul3A_2] : memref<4096xf32, #tpu.memory_space<hbm>> -> memref<128xf32, #tpu.memory_space<hbm>>
    %dma_wait3A_31 = arith.constant 0 : i32
    %dma_wait3A_32 = tpu.memref_slice %arg8[%dma_wait3A_31] : memref<4096xf32, #tpu.memory_space<vmem>> -> memref<128xf32, #tpu.memory_space<vmem>>
    %dma_wait3A_33 = tpu.memref_slice %arg3[%mul3A_2] : memref<4096xf32, #tpu.memory_space<hbm>> -> memref<128xf32, #tpu.memory_space<hbm>>
    tpu.wait_dma2 semaphore(%arg14 : memref<!tpu.dma_semaphore, #tpu.memory_space<semaphore_mem>>) src(%dma_wait3A_33 : memref<128xf32, #tpu.memory_space<hbm>>) dst(%dma_wait3A_32 : memref<128xf32, #tpu.memory_space<vmem>>)
    %dma_wait3A_34 = arith.constant 0 : i32
    %dma_wait3A_35 = tpu.memref_slice %arg9[%dma_wait3A_34] : memref<4096xi32, #tpu.memory_space<vmem>> -> memref<128xi32, #tpu.memory_space<vmem>>
    %dma_wait3A_36 = tpu.memref_slice %arg4[%mul3A_2] : memref<4096xi32, #tpu.memory_space<hbm>> -> memref<128xi32, #tpu.memory_space<hbm>>
    %dma_wait3A_37 = arith.constant 0 : i32
    %dma_wait3A_38 = tpu.memref_slice %arg9[%dma_wait3A_37] : memref<4096xi32, #tpu.memory_space<vmem>> -> memref<128xi32, #tpu.memory_space<vmem>>
    %dma_wait3A_39 = tpu.memref_slice %arg4[%mul3A_2] : memref<4096xi32, #tpu.memory_space<hbm>> -> memref<128xi32, #tpu.memory_space<hbm>>
    tpu.wait_dma2 semaphore(%arg14 : memref<!tpu.dma_semaphore, #tpu.memory_space<semaphore_mem>>) src(%dma_wait3A_39 : memref<128xi32, #tpu.memory_space<hbm>>) dst(%dma_wait3A_38 : memref<128xi32, #tpu.memory_space<vmem>>)
    %min3A = arith.constant 7 : i32
    %min3A_40 = vector.broadcast %min3A : i32 to vector<16xi32>
    %min3A_41 = arith.minsi %iota3A, %min3A_40 : vector<16xi32>
    %mul3A_42 = arith.constant 16 : i32
    %mul3A_43 = vector.broadcast %mul3A_42 : i32 to vector<16xi32>
    %mul3A_44 = arith.muli %min3A_41, %mul3A_43 : vector<16xi32>
    %add3A_45 = arith.constant 15 : i32
    %add3A_46 = vector.broadcast %add3A_45 : i32 to vector<16xi32>
    %add3A_47 = arith.addi %mul3A_44, %add3A_46 : vector<16xi32>
    %gather3A = tpu.vector_load_idx %arg9[%add3A_47] : memref<4096xi32, #tpu.memory_space<vmem>>[vector<16xi32>], vector<16xi32>,
    %broadcast_in_dim3A_48 = arith.constant 0 : i32
    %broadcast_in_dim3A_49 = vector.broadcast %broadcast_in_dim3A_48 : i32 to vector<16xi32>
    %add3A_50 = arith.constant 256 : i32
    %add3A_51 = vector.broadcast %add3A_50 : i32 to vector<16xi32>
    %add3A_52 = arith.addi %broadcast_in_dim3A_49, %add3A_51 : vector<16xi32>
    %min3A_53 = arith.constant 256 : i32
    %min3A_54 = vector.broadcast %min3A_53 : i32 to vector<16xi32>
    %min3A_55 = arith.minsi %add3A_52, %min3A_54 : vector<16xi32>
    %sub3A = arith.constant 1 : i32
    %sub3A_56 = vector.broadcast %sub3A : i32 to vector<16xi32>
    %sub3A_57 = arith.subi %min3A_55, %sub3A_56 : vector<16xi32>
    %gather3A_58 = tpu.vector_load_idx %arg11[%sub3A_57] : memref<256xi32, #tpu.memory_space<vmem>>[vector<16xi32>], vector<16xi32>,
    %le3A = arith.constant 256 : i32
    %le3A_59 = vector.broadcast %le3A : i32 to vector<16xi32>
    %le3A_60 = arith.cmpi sle, %add3A_52, %le3A_59 : vector<16xi32>
    %le3A_61 = arith.cmpi sle, %gather3A_58, %gather3A : vector<16xi32>
    %and3A = arith.andi %le3A_60, %le3A_61 : vector<16xi1>
    %select_n3A = arith.select %and3A, %add3A_52, %broadcast_in_dim3A_49 : vector<16xi1>, vector<16xi32>
    %add3A_62 = arith.constant 128 : i32
    %add3A_63 = vector.broadcast %add3A_62 : i32 to vector<16xi32>
    %add3A_64 = arith.addi %select_n3A, %add3A_63 : vector<16xi32>
    %min3A_65 = arith.constant 256 : i32
    %min3A_66 = vector.broadcast %min3A_65 : i32 to vector<16xi32>
    %min3A_67 = arith.minsi %add3A_64, %min3A_66 : vector<16xi32>
    %sub3A_68 = arith.constant 1 : i32
    %sub3A_69 = vector.broadcast %sub3A_68 : i32 to vector<16xi32>
    %sub3A_70 = arith.subi %min3A_67, %sub3A_69 : vector<16xi32>
    %gather3A_71 = tpu.vector_load_idx %arg11[%sub3A_70] : memref<256xi32, #tpu.memory_space<vmem>>[vector<16xi32>], vector<16xi32>,
    %le3A_72 = arith.constant 256 : i32
    %le3A_73 = vector.broadcast %le3A_72 : i32 to vector<16xi32>
    %le3A_74 = arith.cmpi sle, %add3A_64, %le3A_73 : vector<16xi32>
    %le3A_75 = arith.cmpi sle, %gather3A_71, %gather3A : vector<16xi32>
    %and3A_76 = arith.andi %le3A_74, %le3A_75 : vector<16xi1>
    %select_n3A_77 = arith.select %and3A_76, %add3A_64, %select_n3A : vector<16xi1>, vector<16xi32>
    %add3A_78 = arith.constant 64 : i32
    %add3A_79 = vector.broadcast %add3A_78 : i32 to vector<16xi32>
    %add3A_80 = arith.addi %select_n3A_77, %add3A_79 : vector<16xi32>
    %min3A_81 = arith.constant 256 : i32
    %min3A_82 = vector.broadcast %min3A_81 : i32 to vector<16xi32>
    %min3A_83 = arith.minsi %add3A_80, %min3A_82 : vector<16xi32>
    %sub3A_84 = arith.constant 1 : i32
    %sub3A_85 = vector.broadcast %sub3A_84 : i32 to vector<16xi32>
    %sub3A_86 = arith.subi %min3A_83, %sub3A_85 : vector<16xi32>
    %gather3A_87 = tpu.vector_load_idx %arg11[%sub3A_86] : memref<256xi32, #tpu.memory_space<vmem>>[vector<16xi32>], vector<16xi32>,
    %le3A_88 = arith.constant 256 : i32
    %le3A_89 = vector.broadcast %le3A_88 : i32 to vector<16xi32>
    %le3A_90 = arith.cmpi sle, %add3A_80, %le3A_89 : vector<16xi32>
    %le3A_91 = arith.cmpi sle, %gather3A_87, %gather3A : vector<16xi32>
    %and3A_92 = arith.andi %le3A_90, %le3A_91 : vector<16xi1>
    %select_n3A_93 = arith.select %and3A_92, %add3A_80, %select_n3A_77 : vector<16xi1>, vector<16xi32>
    %add3A_94 = arith.constant 32 : i32
    %add3A_95 = vector.broadcast %add3A_94 : i32 to vector<16xi32>
    %add3A_96 = arith.addi %select_n3A_93, %add3A_95 : vector<16xi32>
    %min3A_97 = arith.constant 256 : i32
    %min3A_98 = vector.broadcast %min3A_97 : i32 to vector<16xi32>
    %min3A_99 = arith.minsi %add3A_96, %min3A_98 : vector<16xi32>
    %sub3A_100 = arith.constant 1 : i32
    %sub3A_101 = vector.broadcast %sub3A_100 : i32 to vector<16xi32>
    %sub3A_102 = arith.subi %min3A_99, %sub3A_101 : vector<16xi32>
    %gather3A_103 = tpu.vector_load_idx %arg11[%sub3A_102] : memref<256xi32, #tpu.memory_space<vmem>>[vector<16xi32>], vector<16xi32>,
    %le3A_104 = arith.constant 256 : i32
    %le3A_105 = vector.broadcast %le3A_104 : i32 to vector<16xi32>
    %le3A_106 = arith.cmpi sle, %add3A_96, %le3A_105 : vector<16xi32>
    %le3A_107 = arith.cmpi sle, %gather3A_103, %gather3A : vector<16xi32>
    %and3A_108 = arith.andi %le3A_106, %le3A_107 : vector<16xi1>
    %select_n3A_109 = arith.select %and3A_108, %add3A_96, %select_n3A_93 : vector<16xi1>, vector<16xi32>
    %add3A_110 = arith.constant 16 : i32
    %add3A_111 = vector.broadcast %add3A_110 : i32 to vector<16xi32>
    %add3A_112 = arith.addi %select_n3A_109, %add3A_111 : vector<16xi32>
    %min3A_113 = arith.constant 256 : i32
    %min3A_114 = vector.broadcast %min3A_113 : i32 to vector<16xi32>
    %min3A_115 = arith.minsi %add3A_112, %min3A_114 : vector<16xi32>
    %sub3A_116 = arith.constant 1 : i32
    %sub3A_117 = vector.broadcast %sub3A_116 : i32 to vector<16xi32>
    %sub3A_118 = arith.subi %min3A_115, %sub3A_117 : vector<16xi32>
    %gather3A_119 = tpu.vector_load_idx %arg11[%sub3A_118] : memref<256xi32, #tpu.memory_space<vmem>>[vector<16xi32>], vector<16xi32>,
    %le3A_120 = arith.constant 256 : i32
    %le3A_121 = vector.broadcast %le3A_120 : i32 to vector<16xi32>
    %le3A_122 = arith.cmpi sle, %add3A_112, %le3A_121 : vector<16xi32>
    %le3A_123 = arith.cmpi sle, %gather3A_119, %gather3A : vector<16xi32>
    %and3A_124 = arith.andi %le3A_122, %le3A_123 : vector<16xi1>
    %select_n3A_125 = arith.select %and3A_124, %add3A_112, %select_n3A_109 : vector<16xi1>, vector<16xi32>
    %add3A_126 = arith.constant 8 : i32
    %add3A_127 = vector.broadcast %add3A_126 : i32 to vector<16xi32>
    %add3A_128 = arith.addi %select_n3A_125, %add3A_127 : vector<16xi32>
    %min3A_129 = arith.constant 256 : i32
    %min3A_130 = vector.broadcast %min3A_129 : i32 to vector<16xi32>
    %min3A_131 = arith.minsi %add3A_128, %min3A_130 : vector<16xi32>
    %sub3A_132 = arith.constant 1 : i32
    %sub3A_133 = vector.broadcast %sub3A_132 : i32 to vector<16xi32>
    %sub3A_134 = arith.subi %min3A_131, %sub3A_133 : vector<16xi32>
    %gather3A_135 = tpu.vector_load_idx %arg11[%sub3A_134] : memref<256xi32, #tpu.memory_space<vmem>>[vector<16xi32>], vector<16xi32>,
    %le3A_136 = arith.constant 256 : i32
    %le3A_137 = vector.broadcast %le3A_136 : i32 to vector<16xi32>
    %le3A_138 = arith.cmpi sle, %add3A_128, %le3A_137 : vector<16xi32>
    %le3A_139 = arith.cmpi sle, %gather3A_135, %gather3A : vector<16xi32>
    %and3A_140 = arith.andi %le3A_138, %le3A_139 : vector<16xi1>
    %select_n3A_141 = arith.select %and3A_140, %add3A_128, %select_n3A_125 : vector<16xi1>, vector<16xi32>
    %add3A_142 = arith.constant 4 : i32
    %add3A_143 = vector.broadcast %add3A_142 : i32 to vector<16xi32>
    %add3A_144 = arith.addi %select_n3A_141, %add3A_143 : vector<16xi32>
    %min3A_145 = arith.constant 256 : i32
    %min3A_146 = vector.broadcast %min3A_145 : i32 to vector<16xi32>
    %min3A_147 = arith.minsi %add3A_144, %min3A_146 : vector<16xi32>
    %sub3A_148 = arith.constant 1 : i32
    %sub3A_149 = vector.broadcast %sub3A_148 : i32 to vector<16xi32>
    %sub3A_150 = arith.subi %min3A_147, %sub3A_149 : vector<16xi32>
    %gather3A_151 = tpu.vector_load_idx %arg11[%sub3A_150] : memref<256xi32, #tpu.memory_space<vmem>>[vector<16xi32>], vector<16xi32>,
    %le3A_152 = arith.constant 256 : i32
    %le3A_153 = vector.broadcast %le3A_152 : i32 to vector<16xi32>
    %le3A_154 = arith.cmpi sle, %add3A_144, %le3A_153 : vector<16xi32>
    %le3A_155 = arith.cmpi sle, %gather3A_151, %gather3A : vector<16xi32>
    %and3A_156 = arith.andi %le3A_154, %le3A_155 : vector<16xi1>
    %select_n3A_157 = arith.select %and3A_156, %add3A_144, %select_n3A_141 : vector<16xi1>, vector<16xi32>
    %add3A_158 = arith.constant 2 : i32
    %add3A_159 = vector.broadcast %add3A_158 : i32 to vector<16xi32>
    %add3A_160 = arith.addi %select_n3A_157, %add3A_159 : vector<16xi32>
    %min3A_161 = arith.constant 256 : i32
    %min3A_162 = vector.broadcast %min3A_161 : i32 to vector<16xi32>
    %min3A_163 = arith.minsi %add3A_160, %min3A_162 : vector<16xi32>
    %sub3A_164 = arith.constant 1 : i32
    %sub3A_165 = vector.broadcast %sub3A_164 : i32 to vector<16xi32>
    %sub3A_166 = arith.subi %min3A_163, %sub3A_165 : vector<16xi32>
    %gather3A_167 = tpu.vector_load_idx %arg11[%sub3A_166] : memref<256xi32, #tpu.memory_space<vmem>>[vector<16xi32>], vector<16xi32>,
    %le3A_168 = arith.constant 256 : i32
    %le3A_169 = vector.broadcast %le3A_168 : i32 to vector<16xi32>
    %le3A_170 = arith.cmpi sle, %add3A_160, %le3A_169 : vector<16xi32>
    %le3A_171 = arith.cmpi sle, %gather3A_167, %gather3A : vector<16xi32>
    %and3A_172 = arith.andi %le3A_170, %le3A_171 : vector<16xi1>
    %select_n3A_173 = arith.select %and3A_172, %add3A_160, %select_n3A_157 : vector<16xi1>, vector<16xi32>
    %add3A_174 = arith.constant 1 : i32
    %add3A_175 = vector.broadcast %add3A_174 : i32 to vector<16xi32>
    %add3A_176 = arith.addi %select_n3A_173, %add3A_175 : vector<16xi32>
    %min3A_177 = arith.constant 256 : i32
    %min3A_178 = vector.broadcast %min3A_177 : i32 to vector<16xi32>
    %min3A_179 = arith.minsi %add3A_176, %min3A_178 : vector<16xi32>
    %sub3A_180 = arith.constant 1 : i32
    %sub3A_181 = vector.broadcast %sub3A_180 : i32 to vector<16xi32>
    %sub3A_182 = arith.subi %min3A_179, %sub3A_181 : vector<16xi32>
    %gather3A_183 = tpu.vector_load_idx %arg11[%sub3A_182] : memref<256xi32, #tpu.memory_space<vmem>>[vector<16xi32>], vector<16xi32>,
    %le3A_184 = arith.constant 256 : i32
    %le3A_185 = vector.broadcast %le3A_184 : i32 to vector<16xi32>
    %le3A_186 = arith.cmpi sle, %add3A_176, %le3A_185 : vector<16xi32>
    %le3A_187 = arith.cmpi sle, %gather3A_183, %gather3A : vector<16xi32>
    %and3A_188 = arith.andi %le3A_186, %le3A_187 : vector<16xi1>
    %select_n3A_189 = arith.select %and3A_188, %add3A_176, %select_n3A_173 : vector<16xi1>, vector<16xi32>
    %swap3A = arith.constant 0 : index
    %swap3A_190 = tpu.vector_load %arg12[%swap3A] {strides = array<i32>} : memref<32xi32, #tpu.memory_space<vmem>>, vector<16xi32>,
    tpu.vector_store %arg12[%swap3A], %select_n3A_189 {strides = array<i32>} : memref<32xi32, #tpu.memory_space<vmem>>, vector<16xi32>,
    %swap3A_191 = arith.constant 16 : index
    %swap3A_192 = tpu.vector_load %arg12[%swap3A_191] {strides = array<i32>} : memref<32xi32, #tpu.memory_space<vmem>>, vector<16xi32>,
    tpu.vector_store %arg12[%swap3A_191], %select_n3A_189 {strides = array<i32>} : memref<32xi32, #tpu.memory_space<vmem>>, vector<16xi32>,
    %slice3A = vector.extract_strided_slice %select_n3A_189 {offsets = [7], sizes = [1], strides = [1]} : vector<16xi32> to vector<1xi32>
    %squeeze3A = vector.extract %slice3A[0] : i32 from vector<1xi32>
    %sub3A_193 = arith.subi %squeeze3A, %mul3A_4 : i32
    %add3A_194 = arith.constant 7 : i32
    %add3A_195 = arith.addi %sub3A_193, %add3A_194 : i32
    %jit3A = arith.constant 8 : i32
    %div3A = arith.divsi %add3A_195, %jit3A : i32
    %sign3A = arith.constant 0 : i32
    %sign3A_196 = arith.cmpi sgt, %add3A_195, %sign3A : i32
    %sign3A_197 = arith.extui %sign3A_196 : i1 to i32
    %sign3A_198 = arith.constant 0 : i32
    %sign3A_199 = arith.cmpi slt, %add3A_195, %sign3A_198 : i32
    %sign3A_200 = arith.extui %sign3A_199 : i1 to i32
    %sign3A_201 = arith.subi %sign3A_197, %sign3A_200 : i32
    %sign3A_202 = arith.constant 0 : i32
    %sign3A_203 = arith.cmpi sgt, %jit3A, %sign3A_202 : i32
    %sign3A_204 = arith.extui %sign3A_203 : i1 to i32
    %sign3A_205 = arith.constant 0 : i32
    %sign3A_206 = arith.cmpi slt, %jit3A, %sign3A_205 : i32
    %sign3A_207 = arith.extui %sign3A_206 : i1 to i32
    %sign3A_208 = arith.subi %sign3A_204, %sign3A_207 : i32
    %ne3A = arith.cmpi ne, %sign3A_201, %sign3A_208 : i32
    %rem3A = arith.remsi %add3A_195, %jit3A : i32
    %ne3A_209 = arith.constant 0 : i32
    %ne3A_210 = arith.cmpi ne, %rem3A, %ne3A_209 : i32
    %and3A_211 = arith.andi %ne3A, %ne3A_210 : i1
    %sub3A_212 = arith.constant 1 : i32
    %sub3A_213 = arith.subi %div3A, %sub3A_212 : i32
    %select_n3A_214 = arith.select %and3A_211, %sub3A_213, %div3A : i32
    %while3A = arith.constant 1 : i32
    %while3A_215 = arith.constant 0 : i32
    %while3A_216 = arith.subi %select_n3A_214, %while3A : i32
    %while3A_217 = arith.addi %while3A, %while3A_216 : i32
    %while3A_218 = arith.constant 1 : i32
    %while3A_219 = arith.divsi %while3A_216, %while3A_218 : i32
    %while3A_220 = arith.muli %while3A_219, %while3A_218 : i32
    %while3A_221 = arith.addi %while3A, %while3A_220 : i32
    %while3A_222 = arith.constant 1 : i32
    %while3A_223 = scf.for %while3A_250 = %while3A to %while3A_221 step %while3A_222 iter_args(%while3A_251 = %while3A_215) -> (i32)  : i32 {
      %mul3A_252 = arith.constant 128 : i32
      %mul3A_253 = arith.muli %while3A_250, %mul3A_252 : i32
      %add3A_254 = arith.addi %mul3A_2, %mul3A_253 : i32
      %min3A_255 = arith.constant 3968 : i32
      %min3A_256 = arith.minsi %add3A_254, %min3A_255 : i32
      %sub3A_257 = arith.subi %min3A_256, %mul3A_2 : i32
      %dma_start3A_258 = tpu.memref_slice %arg7[%sub3A_257] : memref<4096xf32, #tpu.memory_space<vmem>> -> memref<128xf32, #tpu.memory_space<vmem>>
      %dma_start3A_259 = tpu.memref_slice %arg2[%min3A_256] : memref<4096xf32, #tpu.memory_space<hbm>> -> memref<128xf32, #tpu.memory_space<hbm>>
      %dma_start3A_260 = tpu.memref_slice %arg7[%sub3A_257] : memref<4096xf32, #tpu.memory_space<vmem>> -> memref<128xf32, #tpu.memory_space<vmem>>
      %dma_start3A_261 = tpu.memref_slice %arg2[%min3A_256] : memref<4096xf32, #tpu.memory_space<hbm>> -> memref<128xf32, #tpu.memory_space<hbm>>
      tpu.enqueue_dma source(%dma_start3A_261 : memref<128xf32, #tpu.memory_space<hbm>>) target(%dma_start3A_260 : memref<128xf32, #tpu.memory_space<vmem>>) target_semaphore(%arg14 : memref<!tpu.dma_semaphore, #tpu.memory_space<semaphore_mem>>)
      %dma_start3A_262 = tpu.memref_slice %arg8[%sub3A_257] : memref<4096xf32, #tpu.memory_space<vmem>> -> memref<128xf32, #tpu.memory_space<vmem>>
      %dma_start3A_263 = tpu.memref_slice %arg3[%min3A_256] : memref<4096xf32, #tpu.memory_space<hbm>> -> memref<128xf32, #tpu.memory_space<hbm>>
      %dma_start3A_264 = tpu.memref_slice %arg8[%sub3A_257] : memref<4096xf32, #tpu.memory_space<vmem>> -> memref<128xf32, #tpu.memory_space<vmem>>
      %dma_start3A_265 = tpu.memref_slice %arg3[%min3A_256] : memref<4096xf32, #tpu.memory_space<hbm>> -> memref<128xf32, #tpu.memory_space<hbm>>
      tpu.enqueue_dma source(%dma_start3A_265 : memref<128xf32, #tpu.memory_space<hbm>>) target(%dma_start3A_264 : memref<128xf32, #tpu.memory_space<vmem>>) target_semaphore(%arg14 : memref<!tpu.dma_semaphore, #tpu.memory_space<semaphore_mem>>)
      %dma_start3A_266 = tpu.memref_slice %arg9[%sub3A_257] : memref<4096xi32, #tpu.memory_space<vmem>> -> memref<128xi32, #tpu.memory_space<vmem>>
      %dma_start3A_267 = tpu.memref_slice %arg4[%min3A_256] : memref<4096xi32, #tpu.memory_space<hbm>> -> memref<128xi32, #tpu.memory_space<hbm>>
      %dma_start3A_268 = tpu.memref_slice %arg9[%sub3A_257] : memref<4096xi32, #tpu.memory_space<vmem>> -> memref<128xi32, #tpu.memory_space<vmem>>
      %dma_start3A_269 = tpu.memref_slice %arg4[%min3A_256] : memref<4096xi32, #tpu.memory_space<hbm>> -> memref<128xi32, #tpu.memory_space<hbm>>
      tpu.enqueue_dma source(%dma_start3A_269 : memref<128xi32, #tpu.memory_space<hbm>>) target(%dma_start3A_268 : memref<128xi32, #tpu.memory_space<vmem>>) target_semaphore(%arg14 : memref<!tpu.dma_semaphore, #tpu.memory_space<semaphore_mem>>)
      %dma_wait3A_270 = tpu.memref_slice %arg7[%sub3A_257] : memref<4096xf32, #tpu.memory_space<vmem>> -> memref<128xf32, #tpu.memory_space<vmem>>
      %dma_wait3A_271 = tpu.memref_slice %arg2[%min3A_256] : memref<4096xf32, #tpu.memory_space<hbm>> -> memref<128xf32, #tpu.memory_space<hbm>>
      %dma_wait3A_272 = tpu.memref_slice %arg7[%sub3A_257] : memref<4096xf32, #tpu.memory_space<vmem>> -> memref<128xf32, #tpu.memory_space<vmem>>
      %dma_wait3A_273 = tpu.memref_slice %arg2[%min3A_256] : memref<4096xf32, #tpu.memory_space<hbm>> -> memref<128xf32, #tpu.memory_space<hbm>>
      tpu.wait_dma2 semaphore(%arg14 : memref<!tpu.dma_semaphore, #tpu.memory_space<semaphore_mem>>) src(%dma_wait3A_273 : memref<128xf32, #tpu.memory_space<hbm>>) dst(%dma_wait3A_272 : memref<128xf32, #tpu.memory_space<vmem>>)
      %dma_wait3A_274 = tpu.memref_slice %arg8[%sub3A_257] : memref<4096xf32, #tpu.memory_space<vmem>> -> memref<128xf32, #tpu.memory_space<vmem>>
      %dma_wait3A_275 = tpu.memref_slice %arg3[%min3A_256] : memref<4096xf32, #tpu.memory_space<hbm>> -> memref<128xf32, #tpu.memory_space<hbm>>
      %dma_wait3A_276 = tpu.memref_slice %arg8[%sub3A_257] : memref<4096xf32, #tpu.memory_space<vmem>> -> memref<128xf32, #tpu.memory_space<vmem>>
      %dma_wait3A_277 = tpu.memref_slice %arg3[%min3A_256] : memref<4096xf32, #tpu.memory_space<hbm>> -> memref<128xf32, #tpu.memory_space<hbm>>
      tpu.wait_dma2 semaphore(%arg14 : memref<!tpu.dma_semaphore, #tpu.memory_space<semaphore_mem>>) src(%dma_wait3A_277 : memref<128xf32, #tpu.memory_space<hbm>>) dst(%dma_wait3A_276 : memref<128xf32, #tpu.memory_space<vmem>>)
      %dma_wait3A_278 = tpu.memref_slice %arg9[%sub3A_257] : memref<4096xi32, #tpu.memory_space<vmem>> -> memref<128xi32, #tpu.memory_space<vmem>>
      %dma_wait3A_279 = tpu.memref_slice %arg4[%min3A_256] : memref<4096xi32, #tpu.memory_space<hbm>> -> memref<128xi32, #tpu.memory_space<hbm>>
      %dma_wait3A_280 = tpu.memref_slice %arg9[%sub3A_257] : memref<4096xi32, #tpu.memory_space<vmem>> -> memref<128xi32, #tpu.memory_space<vmem>>
      %dma_wait3A_281 = tpu.memref_slice %arg4[%min3A_256] : memref<4096xi32, #tpu.memory_space<hbm>> -> memref<128xi32, #tpu.memory_space<hbm>>
      tpu.wait_dma2 semaphore(%arg14 : memref<!tpu.dma_semaphore, #tpu.memory_space<semaphore_mem>>) src(%dma_wait3A_281 : memref<128xi32, #tpu.memory_space<hbm>>) dst(%dma_wait3A_280 : memref<128xi32, #tpu.memory_space<vmem>>)
      %while3A_282 = arith.constant 0 : i32
      scf.yield %while3A_282 : i32
    }
    %while3A_224 = arith.constant 1 : i32
    %while3A_225 = scf.for %while3A_250 = %while3A_221 to %while3A_217 step %while3A_224 iter_args(%while3A_251 = %while3A_223) -> (i32)  : i32 {
      %mul3A_252 = arith.constant 128 : i32
      %mul3A_253 = arith.muli %while3A_250, %mul3A_252 : i32
      %add3A_254 = arith.addi %mul3A_2, %mul3A_253 : i32
      %min3A_255 = arith.constant 3968 : i32
      %min3A_256 = arith.minsi %add3A_254, %min3A_255 : i32
      %sub3A_257 = arith.subi %min3A_256, %mul3A_2 : i32
      %dma_start3A_258 = tpu.memref_slice %arg7[%sub3A_257] : memref<4096xf32, #tpu.memory_space<vmem>> -> memref<128xf32, #tpu.memory_space<vmem>>
      %dma_start3A_259 = tpu.memref_slice %arg2[%min3A_256] : memref<4096xf32, #tpu.memory_space<hbm>> -> memref<128xf32, #tpu.memory_space<hbm>>
      %dma_start3A_260 = tpu.memref_slice %arg7[%sub3A_257] : memref<4096xf32, #tpu.memory_space<vmem>> -> memref<128xf32, #tpu.memory_space<vmem>>
      %dma_start3A_261 = tpu.memref_slice %arg2[%min3A_256] : memref<4096xf32, #tpu.memory_space<hbm>> -> memref<128xf32, #tpu.memory_space<hbm>>
      tpu.enqueue_dma source(%dma_start3A_261 : memref<128xf32, #tpu.memory_space<hbm>>) target(%dma_start3A_260 : memref<128xf32, #tpu.memory_space<vmem>>) target_semaphore(%arg14 : memref<!tpu.dma_semaphore, #tpu.memory_space<semaphore_mem>>)
      %dma_start3A_262 = tpu.memref_slice %arg8[%sub3A_257] : memref<4096xf32, #tpu.memory_space<vmem>> -> memref<128xf32, #tpu.memory_space<vmem>>
      %dma_start3A_263 = tpu.memref_slice %arg3[%min3A_256] : memref<4096xf32, #tpu.memory_space<hbm>> -> memref<128xf32, #tpu.memory_space<hbm>>
      %dma_start3A_264 = tpu.memref_slice %arg8[%sub3A_257] : memref<4096xf32, #tpu.memory_space<vmem>> -> memref<128xf32, #tpu.memory_space<vmem>>
      %dma_start3A_265 = tpu.memref_slice %arg3[%min3A_256] : memref<4096xf32, #tpu.memory_space<hbm>> -> memref<128xf32, #tpu.memory_space<hbm>>
      tpu.enqueue_dma source(%dma_start3A_265 : memref<128xf32, #tpu.memory_space<hbm>>) target(%dma_start3A_264 : memref<128xf32, #tpu.memory_space<vmem>>) target_semaphore(%arg14 : memref<!tpu.dma_semaphore, #tpu.memory_space<semaphore_mem>>)
      %dma_start3A_266 = tpu.memref_slice %arg9[%sub3A_257] : memref<4096xi32, #tpu.memory_space<vmem>> -> memref<128xi32, #tpu.memory_space<vmem>>
      %dma_start3A_267 = tpu.memref_slice %arg4[%min3A_256] : memref<4096xi32, #tpu.memory_space<hbm>> -> memref<128xi32, #tpu.memory_space<hbm>>
      %dma_start3A_268 = tpu.memref_slice %arg9[%sub3A_257] : memref<4096xi32, #tpu.memory_space<vmem>> -> memref<128xi32, #tpu.memory_space<vmem>>
      %dma_start3A_269 = tpu.memref_slice %arg4[%min3A_256] : memref<4096xi32, #tpu.memory_space<hbm>> -> memref<128xi32, #tpu.memory_space<hbm>>
      tpu.enqueue_dma source(%dma_start3A_269 : memref<128xi32, #tpu.memory_space<hbm>>) target(%dma_start3A_268 : memref<128xi32, #tpu.memory_space<vmem>>) target_semaphore(%arg14 : memref<!tpu.dma_semaphore, #tpu.memory_space<semaphore_mem>>)
      %dma_wait3A_270 = tpu.memref_slice %arg7[%sub3A_257] : memref<4096xf32, #tpu.memory_space<vmem>> -> memref<128xf32, #tpu.memory_space<vmem>>
      %dma_wait3A_271 = tpu.memref_slice %arg2[%min3A_256] : memref<4096xf32, #tpu.memory_space<hbm>> -> memref<128xf32, #tpu.memory_space<hbm>>
      %dma_wait3A_272 = tpu.memref_slice %arg7[%sub3A_257] : memref<4096xf32, #tpu.memory_space<vmem>> -> memref<128xf32, #tpu.memory_space<vmem>>
      %dma_wait3A_273 = tpu.memref_slice %arg2[%min3A_256] : memref<4096xf32, #tpu.memory_space<hbm>> -> memref<128xf32, #tpu.memory_space<hbm>>
      tpu.wait_dma2 semaphore(%arg14 : memref<!tpu.dma_semaphore, #tpu.memory_space<semaphore_mem>>) src(%dma_wait3A_273 : memref<128xf32, #tpu.memory_space<hbm>>) dst(%dma_wait3A_272 : memref<128xf32, #tpu.memory_space<vmem>>)
      %dma_wait3A_274 = tpu.memref_slice %arg8[%sub3A_257] : memref<4096xf32, #tpu.memory_space<vmem>> -> memref<128xf32, #tpu.memory_space<vmem>>
      %dma_wait3A_275 = tpu.memref_slice %arg3[%min3A_256] : memref<4096xf32, #tpu.memory_space<hbm>> -> memref<128xf32, #tpu.memory_space<hbm>>
      %dma_wait3A_276 = tpu.memref_slice %arg8[%sub3A_257] : memref<4096xf32, #tpu.memory_space<vmem>> -> memref<128xf32, #tpu.memory_space<vmem>>
      %dma_wait3A_277 = tpu.memref_slice %arg3[%min3A_256] : memref<4096xf32, #tpu.memory_space<hbm>> -> memref<128xf32, #tpu.memory_space<hbm>>
      tpu.wait_dma2 semaphore(%arg14 : memref<!tpu.dma_semaphore, #tpu.memory_space<semaphore_mem>>) src(%dma_wait3A_277 : memref<128xf32, #tpu.memory_space<hbm>>) dst(%dma_wait3A_276 : memref<128xf32, #tpu.memory_space<vmem>>)
      %dma_wait3A_278 = tpu.memref_slice %arg9[%sub3A_257] : memref<4096xi32, #tpu.memory_space<vmem>> -> memref<128xi32, #tpu.memory_space<vmem>>
      %dma_wait3A_279 = tpu.memref_slice %arg4[%min3A_256] : memref<4096xi32, #tpu.memory_space<hbm>> -> memref<128xi32, #tpu.memory_space<hbm>>
      %dma_wait3A_280 = tpu.memref_slice %arg9[%sub3A_257] : memref<4096xi32, #tpu.memory_space<vmem>> -> memref<128xi32, #tpu.memory_space<vmem>>
      %dma_wait3A_281 = tpu.memref_slice %arg4[%min3A_256] : memref<4096xi32, #tpu.memory_space<hbm>> -> memref<128xi32, #tpu.memory_space<hbm>>
      tpu.wait_dma2 semaphore(%arg14 : memref<!tpu.dma_semaphore, #tpu.memory_space<semaphore_mem>>) src(%dma_wait3A_281 : memref<128xi32, #tpu.memory_space<hbm>>) dst(%dma_wait3A_280 : memref<128xi32, #tpu.memory_space<vmem>>)
      %while3A_282 = arith.constant 0 : i32
      scf.yield %while3A_282 : i32
    }
    %while3A_226 = arith.constant 0 : i32
    %while3A_227 = arith.subi %sub3A_193, %while3A_226 : i32
    %while3A_228 = arith.addi %while3A_226, %while3A_227 : i32
    %while3A_229 = arith.constant 1 : i32
    %while3A_230 = arith.divsi %while3A_227, %while3A_229 : i32
    %while3A_231 = arith.muli %while3A_230, %while3A_229 : i32
    %while3A_232 = arith.addi %while3A_226, %while3A_231 : i32
    %while3A_233 = arith.constant 1 : i32
    %while3A_234 = scf.for %while3A_250 = %while3A_226 to %while3A_232 step %while3A_233 iter_args(%while3A_251 = %broadcast_in_dim3A_5) -> (vector<16xf32>)  : i32 {
      %mul3A_252 = arith.constant 16 : i32
      %mul3A_253 = arith.muli %while3A_250, %mul3A_252 : i32
      %get3A = arith.index_cast %mul3A_253 : i32 to index
      %get3A_254 = tpu.vector_load %arg7[%get3A] {strides = array<i32>} : memref<4096xf32, #tpu.memory_space<vmem>>, vector<16xf32>,
      %get3A_255 = arith.index_cast %mul3A_253 : i32 to index
      %get3A_256 = tpu.vector_load %arg8[%get3A_255] {strides = array<i32>} : memref<4096xf32, #tpu.memory_space<vmem>>, vector<16xf32>,
      %jit3A_257 = arith.constant 1.000000e-07 : f32
      %jit3A_258 = arith.constant 0.99999988 : f32
      %max3A = vector.broadcast %jit3A_257 : f32 to vector<16xf32>
      %max3A_259 = arith.maximumf %max3A, %get3A_256 : vector<16xf32>
      %min3A_260 = vector.broadcast %jit3A_258 : f32 to vector<16xf32>
      %min3A_261 = arith.minimumf %min3A_260, %max3A_259 : vector<16xf32>
      %sub3A_262 = arith.constant 1.000000e+00 : f32
      %sub3A_263 = vector.broadcast %sub3A_262 : f32 to vector<16xf32>
      %sub3A_264 = arith.subf %sub3A_263, %min3A_261 : vector<16xf32>
      %div3A_265 = arith.divf %min3A_261, %sub3A_264 : vector<16xf32>
      %bitcast_convert_type3A = tpu.bitcast %div3A_265 : vector<16xf32> -> vector<16xi32>
      %shift_right_arithmetic3A = arith.constant 23 : i32
      %shift_right_arithmetic3A_266 = vector.broadcast %shift_right_arithmetic3A : i32 to vector<16xi32>
      %shift_right_arithmetic3A_267 = arith.shrsi %bitcast_convert_type3A, %shift_right_arithmetic3A_266 : vector<16xi32>
      %and3A_268 = arith.constant 255 : i32
      %and3A_269 = vector.broadcast %and3A_268 : i32 to vector<16xi32>
      %and3A_270 = arith.andi %shift_right_arithmetic3A_267, %and3A_269 : vector<16xi32>
      %sub3A_271 = arith.constant 127 : i32
      %sub3A_272 = vector.broadcast %sub3A_271 : i32 to vector<16xi32>
      %sub3A_273 = arith.subi %and3A_270, %sub3A_272 : vector<16xi32>
      %and3A_274 = arith.constant 8388607 : i32
      %and3A_275 = vector.broadcast %and3A_274 : i32 to vector<16xi32>
      %and3A_276 = arith.andi %bitcast_convert_type3A, %and3A_275 : vector<16xi32>
      %or3A = arith.constant 1065353216 : i32
      %or3A_277 = vector.broadcast %or3A : i32 to vector<16xi32>
      %or3A_278 = arith.ori %and3A_276, %or3A_277 : vector<16xi32>
      %bitcast_convert_type3A_279 = tpu.bitcast %or3A_278 : vector<16xi32> -> vector<16xf32>
      %gt3A = arith.constant 1.41421354 : f32
      %gt3A_280 = vector.broadcast %gt3A : f32 to vector<16xf32>
      %gt3A_281 = arith.cmpf ogt, %bitcast_convert_type3A_279, %gt3A_280 : vector<16xf32>
      %mul3A_282 = arith.constant 5.000000e-01 : f32
      %mul3A_283 = vector.broadcast %mul3A_282 : f32 to vector<16xf32>
      %mul3A_284 = arith.mulf %bitcast_convert_type3A_279, %mul3A_283 : vector<16xf32>
      %select_n3A_285 = arith.select %gt3A_281, %mul3A_284, %bitcast_convert_type3A_279 : vector<16xi1>, vector<16xf32>
      %add3A_286 = arith.constant 1 : i32
      %add3A_287 = vector.broadcast %add3A_286 : i32 to vector<16xi32>
      %add3A_288 = arith.addi %sub3A_273, %add3A_287 : vector<16xi32>
      %select_n3A_289 = arith.select %gt3A_281, %add3A_288, %sub3A_273 : vector<16xi1>, vector<16xi32>
      %sub3A_290 = arith.constant 1.000000e+00 : f32
      %sub3A_291 = vector.broadcast %sub3A_290 : f32 to vector<16xf32>
      %sub3A_292 = arith.subf %select_n3A_285, %sub3A_291 : vector<16xf32>
      %add3A_293 = arith.constant 1.000000e+00 : f32
      %add3A_294 = vector.broadcast %add3A_293 : f32 to vector<16xf32>
      %add3A_295 = arith.addf %select_n3A_285, %add3A_294 : vector<16xf32>
      %div3A_296 = arith.divf %sub3A_292, %add3A_295 : vector<16xf32>
      %mul3A_297 = arith.mulf %div3A_296, %div3A_296 : vector<16xf32>
      %mul3A_298 = arith.constant 0.285714298 : f32
      %mul3A_299 = vector.broadcast %mul3A_298 : f32 to vector<16xf32>
      %mul3A_300 = arith.mulf %mul3A_297, %mul3A_299 : vector<16xf32>
      %add3A_301 = arith.constant 4.000000e-01 : f32
      %add3A_302 = vector.broadcast %add3A_301 : f32 to vector<16xf32>
      %add3A_303 = arith.addf %add3A_302, %mul3A_300 : vector<16xf32>
      %mul3A_304 = arith.mulf %mul3A_297, %add3A_303 : vector<16xf32>
      %add3A_305 = arith.constant 0.666666686 : f32
      %add3A_306 = vector.broadcast %add3A_305 : f32 to vector<16xf32>
      %add3A_307 = arith.addf %add3A_306, %mul3A_304 : vector<16xf32>
      %mul3A_308 = arith.mulf %mul3A_297, %add3A_307 : vector<16xf32>
      %add3A_309 = arith.constant 2.000000e+00 : f32
      %add3A_310 = vector.broadcast %add3A_309 : f32 to vector<16xf32>
      %add3A_311 = arith.addf %add3A_310, %mul3A_308 : vector<16xf32>
      %mul3A_312 = arith.mulf %div3A_296, %add3A_311 : vector<16xf32>
      %convert_element_type3A = arith.sitofp %select_n3A_289 : vector<16xi32> to vector<16xf32>
      %mul3A_313 = arith.constant 0.693147182 : f32
      %mul3A_314 = vector.broadcast %mul3A_313 : f32 to vector<16xf32>
      %mul3A_315 = arith.mulf %convert_element_type3A, %mul3A_314 : vector<16xf32>
      %add3A_316 = arith.addf %mul3A_315, %mul3A_312 : vector<16xf32>
      %sub3A_317 = arith.subf %get3A_254, %add3A_316 : vector<16xf32>
      %swap3A_318 = arith.index_cast %mul3A_253 : i32 to index
      %swap3A_319 = tpu.vector_load %arg10[%swap3A_318] {strides = array<i32>} : memref<4096xf32, #tpu.memory_space<vmem>>, vector<16xf32>,
      tpu.vector_store %arg10[%swap3A_318], %sub3A_317 {strides = array<i32>} : memref<4096xf32, #tpu.memory_space<vmem>>, vector<16xf32>,
      %max3A_320 = arith.constant 0.000000e+00 : f32
      %max3A_321 = vector.broadcast %max3A_320 : f32 to vector<16xf32>
      %max3A_322 = arith.maximumf %get3A_254, %max3A_321 : vector<16xf32>
      %mul3A_323 = arith.mulf %get3A_254, %get3A_256 : vector<16xf32>
      %sub3A_324 = arith.subf %max3A_322, %mul3A_323 : vector<16xf32>
      %abs3A = math.absf %get3A_254 : vector<16xf32>
      %neg3A = arith.constant 0.000000e+00 : f32
      %neg3A_325 = vector.broadcast %neg3A : f32 to vector<16xf32>
      %neg3A_326 = arith.subf %neg3A_325, %abs3A : vector<16xf32>
      %exp3A = math.exp %neg3A_326 : vector<16xf32>
      %add3A_327 = arith.constant 1.000000e+00 : f32
      %add3A_328 = vector.broadcast %add3A_327 : f32 to vector<16xf32>
      %add3A_329 = arith.addf %add3A_328, %exp3A : vector<16xf32>
      %bitcast_convert_type3A_330 = tpu.bitcast %add3A_329 : vector<16xf32> -> vector<16xi32>
      %shift_right_arithmetic3A_331 = arith.constant 23 : i32
      %shift_right_arithmetic3A_332 = vector.broadcast %shift_right_arithmetic3A_331 : i32 to vector<16xi32>
      %shift_right_arithmetic3A_333 = arith.shrsi %bitcast_convert_type3A_330, %shift_right_arithmetic3A_332 : vector<16xi32>
      %and3A_334 = arith.constant 255 : i32
      %and3A_335 = vector.broadcast %and3A_334 : i32 to vector<16xi32>
      %and3A_336 = arith.andi %shift_right_arithmetic3A_333, %and3A_335 : vector<16xi32>
      %sub3A_337 = arith.constant 127 : i32
      %sub3A_338 = vector.broadcast %sub3A_337 : i32 to vector<16xi32>
      %sub3A_339 = arith.subi %and3A_336, %sub3A_338 : vector<16xi32>
      %and3A_340 = arith.constant 8388607 : i32
      %and3A_341 = vector.broadcast %and3A_340 : i32 to vector<16xi32>
      %and3A_342 = arith.andi %bitcast_convert_type3A_330, %and3A_341 : vector<16xi32>
      %or3A_343 = arith.constant 1065353216 : i32
      %or3A_344 = vector.broadcast %or3A_343 : i32 to vector<16xi32>
      %or3A_345 = arith.ori %and3A_342, %or3A_344 : vector<16xi32>
      %bitcast_convert_type3A_346 = tpu.bitcast %or3A_345 : vector<16xi32> -> vector<16xf32>
      %gt3A_347 = arith.constant 1.41421354 : f32
      %gt3A_348 = vector.broadcast %gt3A_347 : f32 to vector<16xf32>
      %gt3A_349 = arith.cmpf ogt, %bitcast_convert_type3A_346, %gt3A_348 : vector<16xf32>
      %mul3A_350 = arith.constant 5.000000e-01 : f32
      %mul3A_351 = vector.broadcast %mul3A_350 : f32 to vector<16xf32>
      %mul3A_352 = arith.mulf %bitcast_convert_type3A_346, %mul3A_351 : vector<16xf32>
      %select_n3A_353 = arith.select %gt3A_349, %mul3A_352, %bitcast_convert_type3A_346 : vector<16xi1>, vector<16xf32>
      %add3A_354 = arith.constant 1 : i32
      %add3A_355 = vector.broadcast %add3A_354 : i32 to vector<16xi32>
      %add3A_356 = arith.addi %sub3A_339, %add3A_355 : vector<16xi32>
      %select_n3A_357 = arith.select %gt3A_349, %add3A_356, %sub3A_339 : vector<16xi1>, vector<16xi32>
      %sub3A_358 = arith.constant 1.000000e+00 : f32
      %sub3A_359 = vector.broadcast %sub3A_358 : f32 to vector<16xf32>
      %sub3A_360 = arith.subf %select_n3A_353, %sub3A_359 : vector<16xf32>
      %add3A_361 = arith.constant 1.000000e+00 : f32
      %add3A_362 = vector.broadcast %add3A_361 : f32 to vector<16xf32>
      %add3A_363 = arith.addf %select_n3A_353, %add3A_362 : vector<16xf32>
      %div3A_364 = arith.divf %sub3A_360, %add3A_363 : vector<16xf32>
      %mul3A_365 = arith.mulf %div3A_364, %div3A_364 : vector<16xf32>
      %mul3A_366 = arith.constant 0.285714298 : f32
      %mul3A_367 = vector.broadcast %mul3A_366 : f32 to vector<16xf32>
      %mul3A_368 = arith.mulf %mul3A_365, %mul3A_367 : vector<16xf32>
      %add3A_369 = arith.constant 4.000000e-01 : f32
      %add3A_370 = vector.broadcast %add3A_369 : f32 to vector<16xf32>
      %add3A_371 = arith.addf %add3A_370, %mul3A_368 : vector<16xf32>
      %mul3A_372 = arith.mulf %mul3A_365, %add3A_371 : vector<16xf32>
      %add3A_373 = arith.constant 0.666666686 : f32
      %add3A_374 = vector.broadcast %add3A_373 : f32 to vector<16xf32>
      %add3A_375 = arith.addf %add3A_374, %mul3A_372 : vector<16xf32>
      %mul3A_376 = arith.mulf %mul3A_365, %add3A_375 : vector<16xf32>
      %add3A_377 = arith.constant 2.000000e+00 : f32
      %add3A_378 = vector.broadcast %add3A_377 : f32 to vector<16xf32>
      %add3A_379 = arith.addf %add3A_378, %mul3A_376 : vector<16xf32>
      %mul3A_380 = arith.mulf %div3A_364, %add3A_379 : vector<16xf32>
      %convert_element_type3A_381 = arith.sitofp %select_n3A_357 : vector<16xi32> to vector<16xf32>
      %mul3A_382 = arith.constant 0.693147182 : f32
      %mul3A_383 = vector.broadcast %mul3A_382 : f32 to vector<16xf32>
      %mul3A_384 = arith.mulf %convert_element_type3A_381, %mul3A_383 : vector<16xf32>
      %add3A_385 = arith.addf %mul3A_384, %mul3A_380 : vector<16xf32>
      %add3A_386 = arith.addf %sub3A_324, %add3A_385 : vector<16xf32>
      %broadcast_in_dim3A_387 = vector.broadcast %while3A_250 : i32 to vector<16xi32>
      %lt3A = arith.constant 8 : i32
      %lt3A_388 = vector.broadcast %lt3A : i32 to vector<16xi32>
      %lt3A_389 = arith.cmpi slt, %broadcast_in_dim3A_387, %lt3A_388 : vector<16xi32>
      %jit3A_390 = arith.constant 0.000000e+00 : f32
      %broadcast_in_dim3A_391 = vector.broadcast %jit3A_390 : f32 to vector<16xf32>
      %select_n3A_392 = arith.select %lt3A_389, %add3A_386, %broadcast_in_dim3A_391 : vector<16xi1>, vector<16xf32>
      %add3A_393 = arith.addf %while3A_251, %select_n3A_392 : vector<16xf32>
      scf.yield %add3A_393 : vector<16xf32>
    }
    %while3A_235 = arith.constant 1 : i32
    %while3A_236 = scf.for %while3A_250 = %while3A_232 to %while3A_228 step %while3A_235 iter_args(%while3A_251 = %while3A_234) -> (vector<16xf32>)  : i32 {
      %mul3A_252 = arith.constant 16 : i32
      %mul3A_253 = arith.muli %while3A_250, %mul3A_252 : i32
      %get3A = arith.index_cast %mul3A_253 : i32 to index
      %get3A_254 = tpu.vector_load %arg7[%get3A] {strides = array<i32>} : memref<4096xf32, #tpu.memory_space<vmem>>, vector<16xf32>,
      %get3A_255 = arith.index_cast %mul3A_253 : i32 to index
      %get3A_256 = tpu.vector_load %arg8[%get3A_255] {strides = array<i32>} : memref<4096xf32, #tpu.memory_space<vmem>>, vector<16xf32>,
      %jit3A_257 = arith.constant 1.000000e-07 : f32
      %jit3A_258 = arith.constant 0.99999988 : f32
      %max3A = vector.broadcast %jit3A_257 : f32 to vector<16xf32>
      %max3A_259 = arith.maximumf %max3A, %get3A_256 : vector<16xf32>
      %min3A_260 = vector.broadcast %jit3A_258 : f32 to vector<16xf32>
      %min3A_261 = arith.minimumf %min3A_260, %max3A_259 : vector<16xf32>
      %sub3A_262 = arith.constant 1.000000e+00 : f32
      %sub3A_263 = vector.broadcast %sub3A_262 : f32 to vector<16xf32>
      %sub3A_264 = arith.subf %sub3A_263, %min3A_261 : vector<16xf32>
      %div3A_265 = arith.divf %min3A_261, %sub3A_264 : vector<16xf32>
      %bitcast_convert_type3A = tpu.bitcast %div3A_265 : vector<16xf32> -> vector<16xi32>
      %shift_right_arithmetic3A = arith.constant 23 : i32
      %shift_right_arithmetic3A_266 = vector.broadcast %shift_right_arithmetic3A : i32 to vector<16xi32>
      %shift_right_arithmetic3A_267 = arith.shrsi %bitcast_convert_type3A, %shift_right_arithmetic3A_266 : vector<16xi32>
      %and3A_268 = arith.constant 255 : i32
      %and3A_269 = vector.broadcast %and3A_268 : i32 to vector<16xi32>
      %and3A_270 = arith.andi %shift_right_arithmetic3A_267, %and3A_269 : vector<16xi32>
      %sub3A_271 = arith.constant 127 : i32
      %sub3A_272 = vector.broadcast %sub3A_271 : i32 to vector<16xi32>
      %sub3A_273 = arith.subi %and3A_270, %sub3A_272 : vector<16xi32>
      %and3A_274 = arith.constant 8388607 : i32
      %and3A_275 = vector.broadcast %and3A_274 : i32 to vector<16xi32>
      %and3A_276 = arith.andi %bitcast_convert_type3A, %and3A_275 : vector<16xi32>
      %or3A = arith.constant 1065353216 : i32
      %or3A_277 = vector.broadcast %or3A : i32 to vector<16xi32>
      %or3A_278 = arith.ori %and3A_276, %or3A_277 : vector<16xi32>
      %bitcast_convert_type3A_279 = tpu.bitcast %or3A_278 : vector<16xi32> -> vector<16xf32>
      %gt3A = arith.constant 1.41421354 : f32
      %gt3A_280 = vector.broadcast %gt3A : f32 to vector<16xf32>
      %gt3A_281 = arith.cmpf ogt, %bitcast_convert_type3A_279, %gt3A_280 : vector<16xf32>
      %mul3A_282 = arith.constant 5.000000e-01 : f32
      %mul3A_283 = vector.broadcast %mul3A_282 : f32 to vector<16xf32>
      %mul3A_284 = arith.mulf %bitcast_convert_type3A_279, %mul3A_283 : vector<16xf32>
      %select_n3A_285 = arith.select %gt3A_281, %mul3A_284, %bitcast_convert_type3A_279 : vector<16xi1>, vector<16xf32>
      %add3A_286 = arith.constant 1 : i32
      %add3A_287 = vector.broadcast %add3A_286 : i32 to vector<16xi32>
      %add3A_288 = arith.addi %sub3A_273, %add3A_287 : vector<16xi32>
      %select_n3A_289 = arith.select %gt3A_281, %add3A_288, %sub3A_273 : vector<16xi1>, vector<16xi32>
      %sub3A_290 = arith.constant 1.000000e+00 : f32
      %sub3A_291 = vector.broadcast %sub3A_290 : f32 to vector<16xf32>
      %sub3A_292 = arith.subf %select_n3A_285, %sub3A_291 : vector<16xf32>
      %add3A_293 = arith.constant 1.000000e+00 : f32
      %add3A_294 = vector.broadcast %add3A_293 : f32 to vector<16xf32>
      %add3A_295 = arith.addf %select_n3A_285, %add3A_294 : vector<16xf32>
      %div3A_296 = arith.divf %sub3A_292, %add3A_295 : vector<16xf32>
      %mul3A_297 = arith.mulf %div3A_296, %div3A_296 : vector<16xf32>
      %mul3A_298 = arith.constant 0.285714298 : f32
      %mul3A_299 = vector.broadcast %mul3A_298 : f32 to vector<16xf32>
      %mul3A_300 = arith.mulf %mul3A_297, %mul3A_299 : vector<16xf32>
      %add3A_301 = arith.constant 4.000000e-01 : f32
      %add3A_302 = vector.broadcast %add3A_301 : f32 to vector<16xf32>
      %add3A_303 = arith.addf %add3A_302, %mul3A_300 : vector<16xf32>
      %mul3A_304 = arith.mulf %mul3A_297, %add3A_303 : vector<16xf32>
      %add3A_305 = arith.constant 0.666666686 : f32
      %add3A_306 = vector.broadcast %add3A_305 : f32 to vector<16xf32>
      %add3A_307 = arith.addf %add3A_306, %mul3A_304 : vector<16xf32>
      %mul3A_308 = arith.mulf %mul3A_297, %add3A_307 : vector<16xf32>
      %add3A_309 = arith.constant 2.000000e+00 : f32
      %add3A_310 = vector.broadcast %add3A_309 : f32 to vector<16xf32>
      %add3A_311 = arith.addf %add3A_310, %mul3A_308 : vector<16xf32>
      %mul3A_312 = arith.mulf %div3A_296, %add3A_311 : vector<16xf32>
      %convert_element_type3A = arith.sitofp %select_n3A_289 : vector<16xi32> to vector<16xf32>
      %mul3A_313 = arith.constant 0.693147182 : f32
      %mul3A_314 = vector.broadcast %mul3A_313 : f32 to vector<16xf32>
      %mul3A_315 = arith.mulf %convert_element_type3A, %mul3A_314 : vector<16xf32>
      %add3A_316 = arith.addf %mul3A_315, %mul3A_312 : vector<16xf32>
      %sub3A_317 = arith.subf %get3A_254, %add3A_316 : vector<16xf32>
      %swap3A_318 = arith.index_cast %mul3A_253 : i32 to index
      %swap3A_319 = tpu.vector_load %arg10[%swap3A_318] {strides = array<i32>} : memref<4096xf32, #tpu.memory_space<vmem>>, vector<16xf32>,
      tpu.vector_store %arg10[%swap3A_318], %sub3A_317 {strides = array<i32>} : memref<4096xf32, #tpu.memory_space<vmem>>, vector<16xf32>,
      %max3A_320 = arith.constant 0.000000e+00 : f32
      %max3A_321 = vector.broadcast %max3A_320 : f32 to vector<16xf32>
      %max3A_322 = arith.maximumf %get3A_254, %max3A_321 : vector<16xf32>
      %mul3A_323 = arith.mulf %get3A_254, %get3A_256 : vector<16xf32>
      %sub3A_324 = arith.subf %max3A_322, %mul3A_323 : vector<16xf32>
      %abs3A = math.absf %get3A_254 : vector<16xf32>
      %neg3A = arith.constant 0.000000e+00 : f32
      %neg3A_325 = vector.broadcast %neg3A : f32 to vector<16xf32>
      %neg3A_326 = arith.subf %neg3A_325, %abs3A : vector<16xf32>
      %exp3A = math.exp %neg3A_326 : vector<16xf32>
      %add3A_327 = arith.constant 1.000000e+00 : f32
      %add3A_328 = vector.broadcast %add3A_327 : f32 to vector<16xf32>
      %add3A_329 = arith.addf %add3A_328, %exp3A : vector<16xf32>
      %bitcast_convert_type3A_330 = tpu.bitcast %add3A_329 : vector<16xf32> -> vector<16xi32>
      %shift_right_arithmetic3A_331 = arith.constant 23 : i32
      %shift_right_arithmetic3A_332 = vector.broadcast %shift_right_arithmetic3A_331 : i32 to vector<16xi32>
      %shift_right_arithmetic3A_333 = arith.shrsi %bitcast_convert_type3A_330, %shift_right_arithmetic3A_332 : vector<16xi32>
      %and3A_334 = arith.constant 255 : i32
      %and3A_335 = vector.broadcast %and3A_334 : i32 to vector<16xi32>
      %and3A_336 = arith.andi %shift_right_arithmetic3A_333, %and3A_335 : vector<16xi32>
      %sub3A_337 = arith.constant 127 : i32
      %sub3A_338 = vector.broadcast %sub3A_337 : i32 to vector<16xi32>
      %sub3A_339 = arith.subi %and3A_336, %sub3A_338 : vector<16xi32>
      %and3A_340 = arith.constant 8388607 : i32
      %and3A_341 = vector.broadcast %and3A_340 : i32 to vector<16xi32>
      %and3A_342 = arith.andi %bitcast_convert_type3A_330, %and3A_341 : vector<16xi32>
      %or3A_343 = arith.constant 1065353216 : i32
      %or3A_344 = vector.broadcast %or3A_343 : i32 to vector<16xi32>
      %or3A_345 = arith.ori %and3A_342, %or3A_344 : vector<16xi32>
      %bitcast_convert_type3A_346 = tpu.bitcast %or3A_345 : vector<16xi32> -> vector<16xf32>
      %gt3A_347 = arith.constant 1.41421354 : f32
      %gt3A_348 = vector.broadcast %gt3A_347 : f32 to vector<16xf32>
      %gt3A_349 = arith.cmpf ogt, %bitcast_convert_type3A_346, %gt3A_348 : vector<16xf32>
      %mul3A_350 = arith.constant 5.000000e-01 : f32
      %mul3A_351 = vector.broadcast %mul3A_350 : f32 to vector<16xf32>
      %mul3A_352 = arith.mulf %bitcast_convert_type3A_346, %mul3A_351 : vector<16xf32>
      %select_n3A_353 = arith.select %gt3A_349, %mul3A_352, %bitcast_convert_type3A_346 : vector<16xi1>, vector<16xf32>
      %add3A_354 = arith.constant 1 : i32
      %add3A_355 = vector.broadcast %add3A_354 : i32 to vector<16xi32>
      %add3A_356 = arith.addi %sub3A_339, %add3A_355 : vector<16xi32>
      %select_n3A_357 = arith.select %gt3A_349, %add3A_356, %sub3A_339 : vector<16xi1>, vector<16xi32>
      %sub3A_358 = arith.constant 1.000000e+00 : f32
      %sub3A_359 = vector.broadcast %sub3A_358 : f32 to vector<16xf32>
      %sub3A_360 = arith.subf %select_n3A_353, %sub3A_359 : vector<16xf32>
      %add3A_361 = arith.constant 1.000000e+00 : f32
      %add3A_362 = vector.broadcast %add3A_361 : f32 to vector<16xf32>
      %add3A_363 = arith.addf %select_n3A_353, %add3A_362 : vector<16xf32>
      %div3A_364 = arith.divf %sub3A_360, %add3A_363 : vector<16xf32>
      %mul3A_365 = arith.mulf %div3A_364, %div3A_364 : vector<16xf32>
      %mul3A_366 = arith.constant 0.285714298 : f32
      %mul3A_367 = vector.broadcast %mul3A_366 : f32 to vector<16xf32>
      %mul3A_368 = arith.mulf %mul3A_365, %mul3A_367 : vector<16xf32>
      %add3A_369 = arith.constant 4.000000e-01 : f32
      %add3A_370 = vector.broadcast %add3A_369 : f32 to vector<16xf32>
      %add3A_371 = arith.addf %add3A_370, %mul3A_368 : vector<16xf32>
      %mul3A_372 = arith.mulf %mul3A_365, %add3A_371 : vector<16xf32>
      %add3A_373 = arith.constant 0.666666686 : f32
      %add3A_374 = vector.broadcast %add3A_373 : f32 to vector<16xf32>
      %add3A_375 = arith.addf %add3A_374, %mul3A_372 : vector<16xf32>
      %mul3A_376 = arith.mulf %mul3A_365, %add3A_375 : vector<16xf32>
      %add3A_377 = arith.constant 2.000000e+00 : f32
      %add3A_378 = vector.broadcast %add3A_377 : f32 to vector<16xf32>
      %add3A_379 = arith.addf %add3A_378, %mul3A_376 : vector<16xf32>
      %mul3A_380 = arith.mulf %div3A_364, %add3A_379 : vector<16xf32>
      %convert_element_type3A_381 = arith.sitofp %select_n3A_357 : vector<16xi32> to vector<16xf32>
      %mul3A_382 = arith.constant 0.693147182 : f32
      %mul3A_383 = vector.broadcast %mul3A_382 : f32 to vector<16xf32>
      %mul3A_384 = arith.mulf %convert_element_type3A_381, %mul3A_383 : vector<16xf32>
      %add3A_385 = arith.addf %mul3A_384, %mul3A_380 : vector<16xf32>
      %add3A_386 = arith.addf %sub3A_324, %add3A_385 : vector<16xf32>
      %broadcast_in_dim3A_387 = vector.broadcast %while3A_250 : i32 to vector<16xi32>
      %lt3A = arith.constant 8 : i32
      %lt3A_388 = vector.broadcast %lt3A : i32 to vector<16xi32>
      %lt3A_389 = arith.cmpi slt, %broadcast_in_dim3A_387, %lt3A_388 : vector<16xi32>
      %jit3A_390 = arith.constant 0.000000e+00 : f32
      %broadcast_in_dim3A_391 = vector.broadcast %jit3A_390 : f32 to vector<16xf32>
      %select_n3A_392 = arith.select %lt3A_389, %add3A_386, %broadcast_in_dim3A_391 : vector<16xi1>, vector<16xf32>
      %add3A_393 = arith.addf %while3A_251, %select_n3A_392 : vector<16xf32>
      scf.yield %add3A_393 : vector<16xf32>
    }
    %scan3A = arith.constant 0 : i32
    %scan3A_237 = arith.constant 8 : i32
    %scan3A_238 = arith.addi %scan3A, %scan3A_237 : i32
    %scan3A_239 = arith.constant 1 : i32
    %scan3A_240:4 = scf.for %scan3A_250 = %scan3A to %scan3A_238 step %scan3A_239 iter_args(%scan3A_251 = %broadcast_in_dim3A_5, %scan3A_252 = %broadcast_in_dim3A_5, %scan3A_253 = %broadcast_in_dim3A_5, %scan3A_254 = %broadcast_in_dim3A_5) -> (vector<16xf32>, vector<16xf32>, vector<16xf32>, vector<16xf32>)  : i32 {
      %mul3A_255 = arith.constant 16 : i32
      %mul3A_256 = arith.muli %scan3A_250, %mul3A_255 : i32
      %get3A = arith.index_cast %mul3A_256 : i32 to index
      %get3A_257 = tpu.vector_load %arg8[%get3A] {strides = array<i32>} : memref<4096xf32, #tpu.memory_space<vmem>>, vector<16xf32>,
      %get3A_258 = arith.index_cast %mul3A_256 : i32 to index
      %get3A_259 = tpu.vector_load %arg9[%get3A_258] {strides = array<i32>} : memref<4096xi32, #tpu.memory_space<vmem>>, vector<16xi32>,
      %get3A_260 = arith.index_cast %mul3A_256 : i32 to index
      %get3A_261 = tpu.vector_load %arg10[%get3A_260] {strides = array<i32>} : memref<4096xf32, #tpu.memory_space<vmem>>, vector<16xf32>,
      %add3A_262 = arith.addi %mul3A_4, %scan3A_250 : i32
      %get3A_263 = arith.index_cast %scan3A_250 : i32 to index
      %get3A_264 = tpu.vector_load %arg12[%get3A_263] {strides = array<i32>} : memref<32xi32, #tpu.memory_space<vmem>>, vector<16xi32>,
      %slice3A_265 = vector.extract_strided_slice %get3A_264 {offsets = [0], sizes = [1], strides = [1]} : vector<16xi32> to vector<1xi32>
      %squeeze3A_266 = vector.extract %slice3A_265[0] : i32 from vector<1xi32>
      %while3A_267 = arith.subi %squeeze3A_266, %add3A_262 : i32
      %while3A_268 = arith.addi %add3A_262, %while3A_267 : i32
      %while3A_269 = arith.constant 1 : i32
      %while3A_270 = arith.divsi %while3A_267, %while3A_269 : i32
      %while3A_271 = arith.muli %while3A_270, %while3A_269 : i32
      %while3A_272 = arith.addi %add3A_262, %while3A_271 : i32
      %while3A_273 = arith.constant 1 : i32
      %while3A_274:4 = scf.for %while3A_277 = %add3A_262 to %while3A_272 step %while3A_273 iter_args(%while3A_278 = %scan3A_251, %while3A_279 = %scan3A_252, %while3A_280 = %scan3A_253, %while3A_281 = %scan3A_254) -> (vector<16xf32>, vector<16xf32>, vector<16xf32>, vector<16xf32>)  : i32 {
        %broadcast_in_dim3A_282 = vector.broadcast %while3A_277 : i32 to vector<16xi32>
        %eq3A = vector.broadcast %add3A_262 : i32 to vector<16xi32>
        %eq3A_283 = arith.cmpi eq, %broadcast_in_dim3A_282, %eq3A : vector<16xi32>
        %jit3A_284 = arith.constant 1.000000e+00 : f32
        %jit3A_285 = arith.constant 2.000000e+00 : f32
        %broadcast_in_dim3A_286 = vector.broadcast %jit3A_284 : f32 to vector<16xf32>
        %broadcast_in_dim3A_287 = vector.broadcast %jit3A_285 : f32 to vector<16xf32>
        %select_n3A_288 = arith.select %eq3A_283, %broadcast_in_dim3A_286, %broadcast_in_dim3A_287 : vector<16xi1>, vector<16xf32>
        %sub3A_289 = arith.subi %while3A_277, %mul3A_4 : i32
        %mul3A_290 = arith.constant 16 : i32
        %mul3A_291 = arith.muli %sub3A_289, %mul3A_290 : i32
        %get3A_292 = arith.index_cast %mul3A_291 : i32 to index
        %get3A_293 = tpu.vector_load %arg8[%get3A_292] {strides = array<i32>} : memref<4096xf32, #tpu.memory_space<vmem>>, vector<16xf32>,
        %get3A_294 = arith.index_cast %mul3A_291 : i32 to index
        %get3A_295 = tpu.vector_load %arg9[%get3A_294] {strides = array<i32>} : memref<4096xi32, #tpu.memory_space<vmem>>, vector<16xi32>,
        %get3A_296 = arith.index_cast %mul3A_291 : i32 to index
        %get3A_297 = tpu.vector_load %arg10[%get3A_296] {strides = array<i32>} : memref<4096xf32, #tpu.memory_space<vmem>>, vector<16xf32>,
        %add3A_298 = arith.constant 0 : i32
        %add3A_299 = vector.broadcast %add3A_298 : i32 to vector<16xi32>
        %add3A_300 = arith.addi %iota3A, %add3A_299 : vector<16xi32>
        %and3A_301 = arith.constant 15 : i32
        %and3A_302 = vector.broadcast %and3A_301 : i32 to vector<16xi32>
        %and3A_303 = arith.andi %add3A_300, %and3A_302 : vector<16xi32>
        %lt3A = arith.constant 0 : i32
        %lt3A_304 = vector.broadcast %lt3A : i32 to vector<16xi32>
        %lt3A_305 = arith.cmpi slt, %and3A_303, %lt3A_304 : vector<16xi32>
        %add3A_306 = arith.constant 16 : i32
        %add3A_307 = vector.broadcast %add3A_306 : i32 to vector<16xi32>
        %add3A_308 = arith.addi %and3A_303, %add3A_307 : vector<16xi32>
        %select_n3A_309 = arith.select %lt3A_305, %add3A_308, %and3A_303 : vector<16xi1>, vector<16xi32>
        %broadcast_in_dim3A_310 = vector.shape_cast %select_n3A_309 : vector<16xi32> to vector<16x1xi32>
        %gather3A_311 = vector.shape_cast %broadcast_in_dim3A_310 : vector<16x1xi32> to vector<16xi32>
        %gather3A_312 = tpu.dynamic_gather %get3A_297[%gather3A_311] in [0] : vector<16xf32>, vector<16xi32> -> vector<16xf32>
        %lt3A_313 = arith.constant 0 : i32
        %lt3A_314 = vector.broadcast %lt3A_313 : i32 to vector<16xi32>
        %lt3A_315 = arith.cmpi slt, %and3A_303, %lt3A_314 : vector<16xi32>
        %add3A_316 = arith.constant 16 : i32
        %add3A_317 = vector.broadcast %add3A_316 : i32 to vector<16xi32>
        %add3A_318 = arith.addi %and3A_303, %add3A_317 : vector<16xi32>
        %select_n3A_319 = arith.select %lt3A_315, %add3A_318, %and3A_303 : vector<16xi1>, vector<16xi32>
        %broadcast_in_dim3A_320 = vector.shape_cast %select_n3A_319 : vector<16xi32> to vector<16x1xi32>
        %gather3A_321 = vector.shape_cast %broadcast_in_dim3A_320 : vector<16x1xi32> to vector<16xi32>
        %gather3A_322 = tpu.dynamic_gather %get3A_293[%gather3A_321] in [0] : vector<16xf32>, vector<16xi32> -> vector<16xf32>
        %lt3A_323 = arith.constant 0 : i32
        %lt3A_324 = vector.broadcast %lt3A_323 : i32 to vector<16xi32>
        %lt3A_325 = arith.cmpi slt, %and3A_303, %lt3A_324 : vector<16xi32>
        %add3A_326 = arith.constant 16 : i32
        %add3A_327 = vector.broadcast %add3A_326 : i32 to vector<16xi32>
        %add3A_328 = arith.addi %and3A_303, %add3A_327 : vector<16xi32>
        %select_n3A_329 = arith.select %lt3A_325, %add3A_328, %and3A_303 : vector<16xi1>, vector<16xi32>
        %broadcast_in_dim3A_330 = vector.shape_cast %select_n3A_329 : vector<16xi32> to vector<16x1xi32>
        %gather3A_331 = vector.shape_cast %broadcast_in_dim3A_330 : vector<16x1xi32> to vector<16xi32>
        %gather3A_332 = tpu.dynamic_gather %get3A_295[%gather3A_331] in [0] : vector<16xi32>, vector<16xi32> -> vector<16xi32>
        %eq3A_333 = arith.cmpi eq, %gather3A_332, %get3A_259 : vector<16xi32>
        %sub3A_334 = arith.subf %gather3A_322, %get3A_257 : vector<16xf32>
        %abs3A = math.absf %sub3A_334 : vector<16xf32>
        %ge3A = arith.constant 5.000000e-02 : f32
        %ge3A_335 = vector.broadcast %ge3A : f32 to vector<16xf32>
        %ge3A_336 = arith.cmpf oge, %abs3A, %ge3A_335 : vector<16xf32>
        %and3A_337 = arith.andi %eq3A_333, %ge3A_336 : vector<16xi1>
        %sub3A_338 = arith.subf %gather3A_312, %get3A_261 : vector<16xf32>
        %mul3A_339 = arith.mulf %sub3A_338, %sub3A_338 : vector<16xf32>
        %mul3A_340 = arith.mulf %select_n3A_288, %mul3A_339 : vector<16xf32>
        %jit3A_341 = arith.constant 0.000000e+00 : f32
        %broadcast_in_dim3A_342 = vector.broadcast %jit3A_341 : f32 to vector<16xf32>
        %select_n3A_343 = arith.select %and3A_337, %mul3A_340, %broadcast_in_dim3A_342 : vector<16xi1>, vector<16xf32>
        %jit3A_344 = arith.constant 0.000000e+00 : f32
        %broadcast_in_dim3A_345 = vector.broadcast %jit3A_344 : f32 to vector<16xf32>
        %select_n3A_346 = arith.select %and3A_337, %select_n3A_288, %broadcast_in_dim3A_345 : vector<16xi1>, vector<16xf32>
        %add3A_347 = arith.addf %while3A_278, %select_n3A_343 : vector<16xf32>
        %add3A_348 = arith.addf %while3A_280, %select_n3A_346 : vector<16xf32>
        %add3A_349 = arith.constant 1 : i32
        %add3A_350 = vector.broadcast %add3A_349 : i32 to vector<16xi32>
        %add3A_351 = arith.addi %iota3A, %add3A_350 : vector<16xi32>
        %and3A_352 = arith.constant 15 : i32
        %and3A_353 = vector.broadcast %and3A_352 : i32 to vector<16xi32>
        %and3A_354 = arith.andi %add3A_351, %and3A_353 : vector<16xi32>
        %lt3A_355 = arith.constant 0 : i32
        %lt3A_356 = vector.broadcast %lt3A_355 : i32 to vector<16xi32>
        %lt3A_357 = arith.cmpi slt, %and3A_354, %lt3A_356 : vector<16xi32>
        %add3A_358 = arith.constant 16 : i32
        %add3A_359 = vector.broadcast %add3A_358 : i32 to vector<16xi32>
        %add3A_360 = arith.addi %and3A_354, %add3A_359 : vector<16xi32>
        %select_n3A_361 = arith.select %lt3A_357, %add3A_360, %and3A_354 : vector<16xi1>, vector<16xi32>
        %broadcast_in_dim3A_362 = vector.shape_cast %select_n3A_361 : vector<16xi32> to vector<16x1xi32>
        %gather3A_363 = vector.shape_cast %broadcast_in_dim3A_362 : vector<16x1xi32> to vector<16xi32>
        %gather3A_364 = tpu.dynamic_gather %get3A_297[%gather3A_363] in [0] : vector<16xf32>, vector<16xi32> -> vector<16xf32>
        %lt3A_365 = arith.constant 0 : i32
        %lt3A_366 = vector.broadcast %lt3A_365 : i32 to vector<16xi32>
        %lt3A_367 = arith.cmpi slt, %and3A_354, %lt3A_366 : vector<16xi32>
        %add3A_368 = arith.constant 16 : i32
        %add3A_369 = vector.broadcast %add3A_368 : i32 to vector<16xi32>
        %add3A_370 = arith.addi %and3A_354, %add3A_369 : vector<16xi32>
        %select_n3A_371 = arith.select %lt3A_367, %add3A_370, %and3A_354 : vector<16xi1>, vector<16xi32>
        %broadcast_in_dim3A_372 = vector.shape_cast %select_n3A_371 : vector<16xi32> to vector<16x1xi32>
        %gather3A_373 = vector.shape_cast %broadcast_in_dim3A_372 : vector<16x1xi32> to vector<16xi32>
        %gather3A_374 = tpu.dynamic_gather %get3A_293[%gather3A_373] in [0] : vector<16xf32>, vector<16xi32> -> vector<16xf32>
        %lt3A_375 = arith.constant 0 : i32
        %lt3A_376 = vector.broadcast %lt3A_375 : i32 to vector<16xi32>
        %lt3A_377 = arith.cmpi slt, %and3A_354, %lt3A_376 : vector<16xi32>
        %add3A_378 = arith.constant 16 : i32
        %add3A_379 = vector.broadcast %add3A_378 : i32 to vector<16xi32>
        %add3A_380 = arith.addi %and3A_354, %add3A_379 : vector<16xi32>
        %select_n3A_381 = arith.select %lt3A_377, %add3A_380, %and3A_354 : vector<16xi1>, vector<16xi32>
        %broadcast_in_dim3A_382 = vector.shape_cast %select_n3A_381 : vector<16xi32> to vector<16x1xi32>
        %gather3A_383 = vector.shape_cast %broadcast_in_dim3A_382 : vector<16x1xi32> to vector<16xi32>
        %gather3A_384 = tpu.dynamic_gather %get3A_295[%gather3A_383] in [0] : vector<16xi32>, vector<16xi32> -> vector<16xi32>
        %eq3A_385 = arith.cmpi eq, %gather3A_384, %get3A_259 : vector<16xi32>
        %sub3A_386 = arith.subf %gather3A_374, %get3A_257 : vector<16xf32>
        %abs3A_387 = math.absf %sub3A_386 : vector<16xf32>
        %ge3A_388 = arith.constant 5.000000e-02 : f32
        %ge3A_389 = vector.broadcast %ge3A_388 : f32 to vector<16xf32>
        %ge3A_390 = arith.cmpf oge, %abs3A_387, %ge3A_389 : vector<16xf32>
        %and3A_391 = arith.andi %eq3A_385, %ge3A_390 : vector<16xi1>
        %sub3A_392 = arith.subf %gather3A_364, %get3A_261 : vector<16xf32>
        %mul3A_393 = arith.mulf %sub3A_392, %sub3A_392 : vector<16xf32>
        %mul3A_394 = arith.mulf %select_n3A_288, %mul3A_393 : vector<16xf32>
        %jit3A_395 = arith.constant 0.000000e+00 : f32
        %broadcast_in_dim3A_396 = vector.broadcast %jit3A_395 : f32 to vector<16xf32>
        %select_n3A_397 = arith.select %and3A_391, %mul3A_394, %broadcast_in_dim3A_396 : vector<16xi1>, vector<16xf32>
        %jit3A_398 = arith.constant 0.000000e+00 : f32
        %broadcast_in_dim3A_399 = vector.broadcast %jit3A_398 : f32 to vector<16xf32>
        %select_n3A_400 = arith.select %and3A_391, %select_n3A_288, %broadcast_in_dim3A_399 : vector<16xi1>, vector<16xf32>
        %add3A_401 = arith.addf %while3A_279, %select_n3A_397 : vector<16xf32>
        %add3A_402 = arith.addf %while3A_281, %select_n3A_400 : vector<16xf32>
        %add3A_403 = arith.constant 2 : i32
        %add3A_404 = vector.broadcast %add3A_403 : i32 to vector<16xi32>
        %add3A_405 = arith.addi %iota3A, %add3A_404 : vector<16xi32>
        %and3A_406 = arith.constant 15 : i32
        %and3A_407 = vector.broadcast %and3A_406 : i32 to vector<16xi32>
        %and3A_408 = arith.andi %add3A_405, %and3A_407 : vector<16xi32>
        %lt3A_409 = arith.constant 0 : i32
        %lt3A_410 = vector.broadcast %lt3A_409 : i32 to vector<16xi32>
        %lt3A_411 = arith.cmpi slt, %and3A_408, %lt3A_410 : vector<16xi32>
        %add3A_412 = arith.constant 16 : i32
        %add3A_413 = vector.broadcast %add3A_412 : i32 to vector<16xi32>
        %add3A_414 = arith.addi %and3A_408, %add3A_413 : vector<16xi32>
        %select_n3A_415 = arith.select %lt3A_411, %add3A_414, %and3A_408 : vector<16xi1>, vector<16xi32>
        %broadcast_in_dim3A_416 = vector.shape_cast %select_n3A_415 : vector<16xi32> to vector<16x1xi32>
        %gather3A_417 = vector.shape_cast %broadcast_in_dim3A_416 : vector<16x1xi32> to vector<16xi32>
        %gather3A_418 = tpu.dynamic_gather %get3A_297[%gather3A_417] in [0] : vector<16xf32>, vector<16xi32> -> vector<16xf32>
        %lt3A_419 = arith.constant 0 : i32
        %lt3A_420 = vector.broadcast %lt3A_419 : i32 to vector<16xi32>
        %lt3A_421 = arith.cmpi slt, %and3A_408, %lt3A_420 : vector<16xi32>
        %add3A_422 = arith.constant 16 : i32
        %add3A_423 = vector.broadcast %add3A_422 : i32 to vector<16xi32>
        %add3A_424 = arith.addi %and3A_408, %add3A_423 : vector<16xi32>
        %select_n3A_425 = arith.select %lt3A_421, %add3A_424, %and3A_408 : vector<16xi1>, vector<16xi32>
        %broadcast_in_dim3A_426 = vector.shape_cast %select_n3A_425 : vector<16xi32> to vector<16x1xi32>
        %gather3A_427 = vector.shape_cast %broadcast_in_dim3A_426 : vector<16x1xi32> to vector<16xi32>
        %gather3A_428 = tpu.dynamic_gather %get3A_293[%gather3A_427] in [0] : vector<16xf32>, vector<16xi32> -> vector<16xf32>
        %lt3A_429 = arith.constant 0 : i32
        %lt3A_430 = vector.broadcast %lt3A_429 : i32 to vector<16xi32>
        %lt3A_431 = arith.cmpi slt, %and3A_408, %lt3A_430 : vector<16xi32>
        %add3A_432 = arith.constant 16 : i32
        %add3A_433 = vector.broadcast %add3A_432 : i32 to vector<16xi32>
        %add3A_434 = arith.addi %and3A_408, %add3A_433 : vector<16xi32>
        %select_n3A_435 = arith.select %lt3A_431, %add3A_434, %and3A_408 : vector<16xi1>, vector<16xi32>
        %broadcast_in_dim3A_436 = vector.shape_cast %select_n3A_435 : vector<16xi32> to vector<16x1xi32>
        %gather3A_437 = vector.shape_cast %broadcast_in_dim3A_436 : vector<16x1xi32> to vector<16xi32>
        %gather3A_438 = tpu.dynamic_gather %get3A_295[%gather3A_437] in [0] : vector<16xi32>, vector<16xi32> -> vector<16xi32>
        %eq3A_439 = arith.cmpi eq, %gather3A_438, %get3A_259 : vector<16xi32>
        %sub3A_440 = arith.subf %gather3A_428, %get3A_257 : vector<16xf32>
        %abs3A_441 = math.absf %sub3A_440 : vector<16xf32>
        %ge3A_442 = arith.constant 5.000000e-02 : f32
        %ge3A_443 = vector.broadcast %ge3A_442 : f32 to vector<16xf32>
        %ge3A_444 = arith.cmpf oge, %abs3A_441, %ge3A_443 : vector<16xf32>
        %and3A_445 = arith.andi %eq3A_439, %ge3A_444 : vector<16xi1>
        %sub3A_446 = arith.subf %gather3A_418, %get3A_261 : vector<16xf32>
        %mul3A_447 = arith.mulf %sub3A_446, %sub3A_446 : vector<16xf32>
        %mul3A_448 = arith.mulf %select_n3A_288, %mul3A_447 : vector<16xf32>
        %jit3A_449 = arith.constant 0.000000e+00 : f32
        %broadcast_in_dim3A_450 = vector.broadcast %jit3A_449 : f32 to vector<16xf32>
        %select_n3A_451 = arith.select %and3A_445, %mul3A_448, %broadcast_in_dim3A_450 : vector<16xi1>, vector<16xf32>
        %jit3A_452 = arith.constant 0.000000e+00 : f32
        %broadcast_in_dim3A_453 = vector.broadcast %jit3A_452 : f32 to vector<16xf32>
        %select_n3A_454 = arith.select %and3A_445, %select_n3A_288, %broadcast_in_dim3A_453 : vector<16xi1>, vector<16xf32>
        %add3A_455 = arith.addf %add3A_347, %select_n3A_451 : vector<16xf32>
        %add3A_456 = arith.addf %add3A_348, %select_n3A_454 : vector<16xf32>
        %add3A_457 = arith.constant 3 : i32
        %add3A_458 = vector.broadcast %add3A_457 : i32 to vector<16xi32>
        %add3A_459 = arith.addi %iota3A, %add3A_458 : vector<16xi32>
        %and3A_460 = arith.constant 15 : i32
        %and3A_461 = vector.broadcast %and3A_460 : i32 to vector<16xi32>
        %and3A_462 = arith.andi %add3A_459, %and3A_461 : vector<16xi32>
        %lt3A_463 = arith.constant 0 : i32
        %lt3A_464 = vector.broadcast %lt3A_463 : i32 to vector<16xi32>
        %lt3A_465 = arith.cmpi slt, %and3A_462, %lt3A_464 : vector<16xi32>
        %add3A_466 = arith.constant 16 : i32
        %add3A_467 = vector.broadcast %add3A_466 : i32 to vector<16xi32>
        %add3A_468 = arith.addi %and3A_462, %add3A_467 : vector<16xi32>
        %select_n3A_469 = arith.select %lt3A_465, %add3A_468, %and3A_462 : vector<16xi1>, vector<16xi32>
        %broadcast_in_dim3A_470 = vector.shape_cast %select_n3A_469 : vector<16xi32> to vector<16x1xi32>
        %gather3A_471 = vector.shape_cast %broadcast_in_dim3A_470 : vector<16x1xi32> to vector<16xi32>
        %gather3A_472 = tpu.dynamic_gather %get3A_297[%gather3A_471] in [0] : vector<16xf32>, vector<16xi32> -> vector<16xf32>
        %lt3A_473 = arith.constant 0 : i32
        %lt3A_474 = vector.broadcast %lt3A_473 : i32 to vector<16xi32>
        %lt3A_475 = arith.cmpi slt, %and3A_462, %lt3A_474 : vector<16xi32>
        %add3A_476 = arith.constant 16 : i32
        %add3A_477 = vector.broadcast %add3A_476 : i32 to vector<16xi32>
        %add3A_478 = arith.addi %and3A_462, %add3A_477 : vector<16xi32>
        %select_n3A_479 = arith.select %lt3A_475, %add3A_478, %and3A_462 : vector<16xi1>, vector<16xi32>
        %broadcast_in_dim3A_480 = vector.shape_cast %select_n3A_479 : vector<16xi32> to vector<16x1xi32>
        %gather3A_481 = vector.shape_cast %broadcast_in_dim3A_480 : vector<16x1xi32> to vector<16xi32>
        %gather3A_482 = tpu.dynamic_gather %get3A_293[%gather3A_481] in [0] : vector<16xf32>, vector<16xi32> -> vector<16xf32>
        %lt3A_483 = arith.constant 0 : i32
        %lt3A_484 = vector.broadcast %lt3A_483 : i32 to vector<16xi32>
        %lt3A_485 = arith.cmpi slt, %and3A_462, %lt3A_484 : vector<16xi32>
        %add3A_486 = arith.constant 16 : i32
        %add3A_487 = vector.broadcast %add3A_486 : i32 to vector<16xi32>
        %add3A_488 = arith.addi %and3A_462, %add3A_487 : vector<16xi32>
        %select_n3A_489 = arith.select %lt3A_485, %add3A_488, %and3A_462 : vector<16xi1>, vector<16xi32>
        %broadcast_in_dim3A_490 = vector.shape_cast %select_n3A_489 : vector<16xi32> to vector<16x1xi32>
        %gather3A_491 = vector.shape_cast %broadcast_in_dim3A_490 : vector<16x1xi32> to vector<16xi32>
        %gather3A_492 = tpu.dynamic_gather %get3A_295[%gather3A_491] in [0] : vector<16xi32>, vector<16xi32> -> vector<16xi32>
        %eq3A_493 = arith.cmpi eq, %gather3A_492, %get3A_259 : vector<16xi32>
        %sub3A_494 = arith.subf %gather3A_482, %get3A_257 : vector<16xf32>
        %abs3A_495 = math.absf %sub3A_494 : vector<16xf32>
        %ge3A_496 = arith.constant 5.000000e-02 : f32
        %ge3A_497 = vector.broadcast %ge3A_496 : f32 to vector<16xf32>
        %ge3A_498 = arith.cmpf oge, %abs3A_495, %ge3A_497 : vector<16xf32>
        %and3A_499 = arith.andi %eq3A_493, %ge3A_498 : vector<16xi1>
        %sub3A_500 = arith.subf %gather3A_472, %get3A_261 : vector<16xf32>
        %mul3A_501 = arith.mulf %sub3A_500, %sub3A_500 : vector<16xf32>
        %mul3A_502 = arith.mulf %select_n3A_288, %mul3A_501 : vector<16xf32>
        %jit3A_503 = arith.constant 0.000000e+00 : f32
        %broadcast_in_dim3A_504 = vector.broadcast %jit3A_503 : f32 to vector<16xf32>
        %select_n3A_505 = arith.select %and3A_499, %mul3A_502, %broadcast_in_dim3A_504 : vector<16xi1>, vector<16xf32>
        %jit3A_506 = arith.constant 0.000000e+00 : f32
        %broadcast_in_dim3A_507 = vector.broadcast %jit3A_506 : f32 to vector<16xf32>
        %select_n3A_508 = arith.select %and3A_499, %select_n3A_288, %broadcast_in_dim3A_507 : vector<16xi1>, vector<16xf32>
        %add3A_509 = arith.addf %add3A_401, %select_n3A_505 : vector<16xf32>
        %add3A_510 = arith.addf %add3A_402, %select_n3A_508 : vector<16xf32>
        %add3A_511 = arith.constant 4 : i32
        %add3A_512 = vector.broadcast %add3A_511 : i32 to vector<16xi32>
        %add3A_513 = arith.addi %iota3A, %add3A_512 : vector<16xi32>
        %and3A_514 = arith.constant 15 : i32
        %and3A_515 = vector.broadcast %and3A_514 : i32 to vector<16xi32>
        %and3A_516 = arith.andi %add3A_513, %and3A_515 : vector<16xi32>
        %lt3A_517 = arith.constant 0 : i32
        %lt3A_518 = vector.broadcast %lt3A_517 : i32 to vector<16xi32>
        %lt3A_519 = arith.cmpi slt, %and3A_516, %lt3A_518 : vector<16xi32>
        %add3A_520 = arith.constant 16 : i32
        %add3A_521 = vector.broadcast %add3A_520 : i32 to vector<16xi32>
        %add3A_522 = arith.addi %and3A_516, %add3A_521 : vector<16xi32>
        %select_n3A_523 = arith.select %lt3A_519, %add3A_522, %and3A_516 : vector<16xi1>, vector<16xi32>
        %broadcast_in_dim3A_524 = vector.shape_cast %select_n3A_523 : vector<16xi32> to vector<16x1xi32>
        %gather3A_525 = vector.shape_cast %broadcast_in_dim3A_524 : vector<16x1xi32> to vector<16xi32>
        %gather3A_526 = tpu.dynamic_gather %get3A_297[%gather3A_525] in [0] : vector<16xf32>, vector<16xi32> -> vector<16xf32>
        %lt3A_527 = arith.constant 0 : i32
        %lt3A_528 = vector.broadcast %lt3A_527 : i32 to vector<16xi32>
        %lt3A_529 = arith.cmpi slt, %and3A_516, %lt3A_528 : vector<16xi32>
        %add3A_530 = arith.constant 16 : i32
        %add3A_531 = vector.broadcast %add3A_530 : i32 to vector<16xi32>
        %add3A_532 = arith.addi %and3A_516, %add3A_531 : vector<16xi32>
        %select_n3A_533 = arith.select %lt3A_529, %add3A_532, %and3A_516 : vector<16xi1>, vector<16xi32>
        %broadcast_in_dim3A_534 = vector.shape_cast %select_n3A_533 : vector<16xi32> to vector<16x1xi32>
        %gather3A_535 = vector.shape_cast %broadcast_in_dim3A_534 : vector<16x1xi32> to vector<16xi32>
        %gather3A_536 = tpu.dynamic_gather %get3A_293[%gather3A_535] in [0] : vector<16xf32>, vector<16xi32> -> vector<16xf32>
        %lt3A_537 = arith.constant 0 : i32
        %lt3A_538 = vector.broadcast %lt3A_537 : i32 to vector<16xi32>
        %lt3A_539 = arith.cmpi slt, %and3A_516, %lt3A_538 : vector<16xi32>
        %add3A_540 = arith.constant 16 : i32
        %add3A_541 = vector.broadcast %add3A_540 : i32 to vector<16xi32>
        %add3A_542 = arith.addi %and3A_516, %add3A_541 : vector<16xi32>
        %select_n3A_543 = arith.select %lt3A_539, %add3A_542, %and3A_516 : vector<16xi1>, vector<16xi32>
        %broadcast_in_dim3A_544 = vector.shape_cast %select_n3A_543 : vector<16xi32> to vector<16x1xi32>
        %gather3A_545 = vector.shape_cast %broadcast_in_dim3A_544 : vector<16x1xi32> to vector<16xi32>
        %gather3A_546 = tpu.dynamic_gather %get3A_295[%gather3A_545] in [0] : vector<16xi32>, vector<16xi32> -> vector<16xi32>
        %eq3A_547 = arith.cmpi eq, %gather3A_546, %get3A_259 : vector<16xi32>
        %sub3A_548 = arith.subf %gather3A_536, %get3A_257 : vector<16xf32>
        %abs3A_549 = math.absf %sub3A_548 : vector<16xf32>
        %ge3A_550 = arith.constant 5.000000e-02 : f32
        %ge3A_551 = vector.broadcast %ge3A_550 : f32 to vector<16xf32>
        %ge3A_552 = arith.cmpf oge, %abs3A_549, %ge3A_551 : vector<16xf32>
        %and3A_553 = arith.andi %eq3A_547, %ge3A_552 : vector<16xi1>
        %sub3A_554 = arith.subf %gather3A_526, %get3A_261 : vector<16xf32>
        %mul3A_555 = arith.mulf %sub3A_554, %sub3A_554 : vector<16xf32>
        %mul3A_556 = arith.mulf %select_n3A_288, %mul3A_555 : vector<16xf32>
        %jit3A_557 = arith.constant 0.000000e+00 : f32
        %broadcast_in_dim3A_558 = vector.broadcast %jit3A_557 : f32 to vector<16xf32>
        %select_n3A_559 = arith.select %and3A_553, %mul3A_556, %broadcast_in_dim3A_558 : vector<16xi1>, vector<16xf32>
        %jit3A_560 = arith.constant 0.000000e+00 : f32
        %broadcast_in_dim3A_561 = vector.broadcast %jit3A_560 : f32 to vector<16xf32>
        %select_n3A_562 = arith.select %and3A_553, %select_n3A_288, %broadcast_in_dim3A_561 : vector<16xi1>, vector<16xf32>
        %add3A_563 = arith.addf %add3A_455, %select_n3A_559 : vector<16xf32>
        %add3A_564 = arith.addf %add3A_456, %select_n3A_562 : vector<16xf32>
        %add3A_565 = arith.constant 5 : i32
        %add3A_566 = vector.broadcast %add3A_565 : i32 to vector<16xi32>
        %add3A_567 = arith.addi %iota3A, %add3A_566 : vector<16xi32>
        %and3A_568 = arith.constant 15 : i32
        %and3A_569 = vector.broadcast %and3A_568 : i32 to vector<16xi32>
        %and3A_570 = arith.andi %add3A_567, %and3A_569 : vector<16xi32>
        %lt3A_571 = arith.constant 0 : i32
        %lt3A_572 = vector.broadcast %lt3A_571 : i32 to vector<16xi32>
        %lt3A_573 = arith.cmpi slt, %and3A_570, %lt3A_572 : vector<16xi32>
        %add3A_574 = arith.constant 16 : i32
        %add3A_575 = vector.broadcast %add3A_574 : i32 to vector<16xi32>
        %add3A_576 = arith.addi %and3A_570, %add3A_575 : vector<16xi32>
        %select_n3A_577 = arith.select %lt3A_573, %add3A_576, %and3A_570 : vector<16xi1>, vector<16xi32>
        %broadcast_in_dim3A_578 = vector.shape_cast %select_n3A_577 : vector<16xi32> to vector<16x1xi32>
        %gather3A_579 = vector.shape_cast %broadcast_in_dim3A_578 : vector<16x1xi32> to vector<16xi32>
        %gather3A_580 = tpu.dynamic_gather %get3A_297[%gather3A_579] in [0] : vector<16xf32>, vector<16xi32> -> vector<16xf32>
        %lt3A_581 = arith.constant 0 : i32
        %lt3A_582 = vector.broadcast %lt3A_581 : i32 to vector<16xi32>
        %lt3A_583 = arith.cmpi slt, %and3A_570, %lt3A_582 : vector<16xi32>
        %add3A_584 = arith.constant 16 : i32
        %add3A_585 = vector.broadcast %add3A_584 : i32 to vector<16xi32>
        %add3A_586 = arith.addi %and3A_570, %add3A_585 : vector<16xi32>
        %select_n3A_587 = arith.select %lt3A_583, %add3A_586, %and3A_570 : vector<16xi1>, vector<16xi32>
        %broadcast_in_dim3A_588 = vector.shape_cast %select_n3A_587 : vector<16xi32> to vector<16x1xi32>
        %gather3A_589 = vector.shape_cast %broadcast_in_dim3A_588 : vector<16x1xi32> to vector<16xi32>
        %gather3A_590 = tpu.dynamic_gather %get3A_293[%gather3A_589] in [0] : vector<16xf32>, vector<16xi32> -> vector<16xf32>
        %lt3A_591 = arith.constant 0 : i32
        %lt3A_592 = vector.broadcast %lt3A_591 : i32 to vector<16xi32>
        %lt3A_593 = arith.cmpi slt, %and3A_570, %lt3A_592 : vector<16xi32>
        %add3A_594 = arith.constant 16 : i32
        %add3A_595 = vector.broadcast %add3A_594 : i32 to vector<16xi32>
        %add3A_596 = arith.addi %and3A_570, %add3A_595 : vector<16xi32>
        %select_n3A_597 = arith.select %lt3A_593, %add3A_596, %and3A_570 : vector<16xi1>, vector<16xi32>
        %broadcast_in_dim3A_598 = vector.shape_cast %select_n3A_597 : vector<16xi32> to vector<16x1xi32>
        %gather3A_599 = vector.shape_cast %broadcast_in_dim3A_598 : vector<16x1xi32> to vector<16xi32>
        %gather3A_600 = tpu.dynamic_gather %get3A_295[%gather3A_599] in [0] : vector<16xi32>, vector<16xi32> -> vector<16xi32>
        %eq3A_601 = arith.cmpi eq, %gather3A_600, %get3A_259 : vector<16xi32>
        %sub3A_602 = arith.subf %gather3A_590, %get3A_257 : vector<16xf32>
        %abs3A_603 = math.absf %sub3A_602 : vector<16xf32>
        %ge3A_604 = arith.constant 5.000000e-02 : f32
        %ge3A_605 = vector.broadcast %ge3A_604 : f32 to vector<16xf32>
        %ge3A_606 = arith.cmpf oge, %abs3A_603, %ge3A_605 : vector<16xf32>
        %and3A_607 = arith.andi %eq3A_601, %ge3A_606 : vector<16xi1>
        %sub3A_608 = arith.subf %gather3A_580, %get3A_261 : vector<16xf32>
        %mul3A_609 = arith.mulf %sub3A_608, %sub3A_608 : vector<16xf32>
        %mul3A_610 = arith.mulf %select_n3A_288, %mul3A_609 : vector<16xf32>
        %jit3A_611 = arith.constant 0.000000e+00 : f32
        %broadcast_in_dim3A_612 = vector.broadcast %jit3A_611 : f32 to vector<16xf32>
        %select_n3A_613 = arith.select %and3A_607, %mul3A_610, %broadcast_in_dim3A_612 : vector<16xi1>, vector<16xf32>
        %jit3A_614 = arith.constant 0.000000e+00 : f32
        %broadcast_in_dim3A_615 = vector.broadcast %jit3A_614 : f32 to vector<16xf32>
        %select_n3A_616 = arith.select %and3A_607, %select_n3A_288, %broadcast_in_dim3A_615 : vector<16xi1>, vector<16xf32>
        %add3A_617 = arith.addf %add3A_509, %select_n3A_613 : vector<16xf32>
        %add3A_618 = arith.addf %add3A_510, %select_n3A_616 : vector<16xf32>
        %add3A_619 = arith.constant 6 : i32
        %add3A_620 = vector.broadcast %add3A_619 : i32 to vector<16xi32>
        %add3A_621 = arith.addi %iota3A, %add3A_620 : vector<16xi32>
        %and3A_622 = arith.constant 15 : i32
        %and3A_623 = vector.broadcast %and3A_622 : i32 to vector<16xi32>
        %and3A_624 = arith.andi %add3A_621, %and3A_623 : vector<16xi32>
        %lt3A_625 = arith.constant 0 : i32
        %lt3A_626 = vector.broadcast %lt3A_625 : i32 to vector<16xi32>
        %lt3A_627 = arith.cmpi slt, %and3A_624, %lt3A_626 : vector<16xi32>
        %add3A_628 = arith.constant 16 : i32
        %add3A_629 = vector.broadcast %add3A_628 : i32 to vector<16xi32>
        %add3A_630 = arith.addi %and3A_624, %add3A_629 : vector<16xi32>
        %select_n3A_631 = arith.select %lt3A_627, %add3A_630, %and3A_624 : vector<16xi1>, vector<16xi32>
        %broadcast_in_dim3A_632 = vector.shape_cast %select_n3A_631 : vector<16xi32> to vector<16x1xi32>
        %gather3A_633 = vector.shape_cast %broadcast_in_dim3A_632 : vector<16x1xi32> to vector<16xi32>
        %gather3A_634 = tpu.dynamic_gather %get3A_297[%gather3A_633] in [0] : vector<16xf32>, vector<16xi32> -> vector<16xf32>
        %lt3A_635 = arith.constant 0 : i32
        %lt3A_636 = vector.broadcast %lt3A_635 : i32 to vector<16xi32>
        %lt3A_637 = arith.cmpi slt, %and3A_624, %lt3A_636 : vector<16xi32>
        %add3A_638 = arith.constant 16 : i32
        %add3A_639 = vector.broadcast %add3A_638 : i32 to vector<16xi32>
        %add3A_640 = arith.addi %and3A_624, %add3A_639 : vector<16xi32>
        %select_n3A_641 = arith.select %lt3A_637, %add3A_640, %and3A_624 : vector<16xi1>, vector<16xi32>
        %broadcast_in_dim3A_642 = vector.shape_cast %select_n3A_641 : vector<16xi32> to vector<16x1xi32>
        %gather3A_643 = vector.shape_cast %broadcast_in_dim3A_642 : vector<16x1xi32> to vector<16xi32>
        %gather3A_644 = tpu.dynamic_gather %get3A_293[%gather3A_643] in [0] : vector<16xf32>, vector<16xi32> -> vector<16xf32>
        %lt3A_645 = arith.constant 0 : i32
        %lt3A_646 = vector.broadcast %lt3A_645 : i32 to vector<16xi32>
        %lt3A_647 = arith.cmpi slt, %and3A_624, %lt3A_646 : vector<16xi32>
        %add3A_648 = arith.constant 16 : i32
        %add3A_649 = vector.broadcast %add3A_648 : i32 to vector<16xi32>
        %add3A_650 = arith.addi %and3A_624, %add3A_649 : vector<16xi32>
        %select_n3A_651 = arith.select %lt3A_647, %add3A_650, %and3A_624 : vector<16xi1>, vector<16xi32>
        %broadcast_in_dim3A_652 = vector.shape_cast %select_n3A_651 : vector<16xi32> to vector<16x1xi32>
        %gather3A_653 = vector.shape_cast %broadcast_in_dim3A_652 : vector<16x1xi32> to vector<16xi32>
        %gather3A_654 = tpu.dynamic_gather %get3A_295[%gather3A_653] in [0] : vector<16xi32>, vector<16xi32> -> vector<16xi32>
        %eq3A_655 = arith.cmpi eq, %gather3A_654, %get3A_259 : vector<16xi32>
        %sub3A_656 = arith.subf %gather3A_644, %get3A_257 : vector<16xf32>
        %abs3A_657 = math.absf %sub3A_656 : vector<16xf32>
        %ge3A_658 = arith.constant 5.000000e-02 : f32
        %ge3A_659 = vector.broadcast %ge3A_658 : f32 to vector<16xf32>
        %ge3A_660 = arith.cmpf oge, %abs3A_657, %ge3A_659 : vector<16xf32>
        %and3A_661 = arith.andi %eq3A_655, %ge3A_660 : vector<16xi1>
        %sub3A_662 = arith.subf %gather3A_634, %get3A_261 : vector<16xf32>
        %mul3A_663 = arith.mulf %sub3A_662, %sub3A_662 : vector<16xf32>
        %mul3A_664 = arith.mulf %select_n3A_288, %mul3A_663 : vector<16xf32>
        %jit3A_665 = arith.constant 0.000000e+00 : f32
        %broadcast_in_dim3A_666 = vector.broadcast %jit3A_665 : f32 to vector<16xf32>
        %select_n3A_667 = arith.select %and3A_661, %mul3A_664, %broadcast_in_dim3A_666 : vector<16xi1>, vector<16xf32>
        %jit3A_668 = arith.constant 0.000000e+00 : f32
        %broadcast_in_dim3A_669 = vector.broadcast %jit3A_668 : f32 to vector<16xf32>
        %select_n3A_670 = arith.select %and3A_661, %select_n3A_288, %broadcast_in_dim3A_669 : vector<16xi1>, vector<16xf32>
        %add3A_671 = arith.addf %add3A_563, %select_n3A_667 : vector<16xf32>
        %add3A_672 = arith.addf %add3A_564, %select_n3A_670 : vector<16xf32>
        %add3A_673 = arith.constant 7 : i32
        %add3A_674 = vector.broadcast %add3A_673 : i32 to vector<16xi32>
        %add3A_675 = arith.addi %iota3A, %add3A_674 : vector<16xi32>
        %and3A_676 = arith.constant 15 : i32
        %and3A_677 = vector.broadcast %and3A_676 : i32 to vector<16xi32>
        %and3A_678 = arith.andi %add3A_675, %and3A_677 : vector<16xi32>
        %lt3A_679 = arith.constant 0 : i32
        %lt3A_680 = vector.broadcast %lt3A_679 : i32 to vector<16xi32>
        %lt3A_681 = arith.cmpi slt, %and3A_678, %lt3A_680 : vector<16xi32>
        %add3A_682 = arith.constant 16 : i32
        %add3A_683 = vector.broadcast %add3A_682 : i32 to vector<16xi32>
        %add3A_684 = arith.addi %and3A_678, %add3A_683 : vector<16xi32>
        %select_n3A_685 = arith.select %lt3A_681, %add3A_684, %and3A_678 : vector<16xi1>, vector<16xi32>
        %broadcast_in_dim3A_686 = vector.shape_cast %select_n3A_685 : vector<16xi32> to vector<16x1xi32>
        %gather3A_687 = vector.shape_cast %broadcast_in_dim3A_686 : vector<16x1xi32> to vector<16xi32>
        %gather3A_688 = tpu.dynamic_gather %get3A_297[%gather3A_687] in [0] : vector<16xf32>, vector<16xi32> -> vector<16xf32>
        %lt3A_689 = arith.constant 0 : i32
        %lt3A_690 = vector.broadcast %lt3A_689 : i32 to vector<16xi32>
        %lt3A_691 = arith.cmpi slt, %and3A_678, %lt3A_690 : vector<16xi32>
        %add3A_692 = arith.constant 16 : i32
        %add3A_693 = vector.broadcast %add3A_692 : i32 to vector<16xi32>
        %add3A_694 = arith.addi %and3A_678, %add3A_693 : vector<16xi32>
        %select_n3A_695 = arith.select %lt3A_691, %add3A_694, %and3A_678 : vector<16xi1>, vector<16xi32>
        %broadcast_in_dim3A_696 = vector.shape_cast %select_n3A_695 : vector<16xi32> to vector<16x1xi32>
        %gather3A_697 = vector.shape_cast %broadcast_in_dim3A_696 : vector<16x1xi32> to vector<16xi32>
        %gather3A_698 = tpu.dynamic_gather %get3A_293[%gather3A_697] in [0] : vector<16xf32>, vector<16xi32> -> vector<16xf32>
        %lt3A_699 = arith.constant 0 : i32
        %lt3A_700 = vector.broadcast %lt3A_699 : i32 to vector<16xi32>
        %lt3A_701 = arith.cmpi slt, %and3A_678, %lt3A_700 : vector<16xi32>
        %add3A_702 = arith.constant 16 : i32
        %add3A_703 = vector.broadcast %add3A_702 : i32 to vector<16xi32>
        %add3A_704 = arith.addi %and3A_678, %add3A_703 : vector<16xi32>
        %select_n3A_705 = arith.select %lt3A_701, %add3A_704, %and3A_678 : vector<16xi1>, vector<16xi32>
        %broadcast_in_dim3A_706 = vector.shape_cast %select_n3A_705 : vector<16xi32> to vector<16x1xi32>
        %gather3A_707 = vector.shape_cast %broadcast_in_dim3A_706 : vector<16x1xi32> to vector<16xi32>
        %gather3A_708 = tpu.dynamic_gather %get3A_295[%gather3A_707] in [0] : vector<16xi32>, vector<16xi32> -> vector<16xi32>
        %eq3A_709 = arith.cmpi eq, %gather3A_708, %get3A_259 : vector<16xi32>
        %sub3A_710 = arith.subf %gather3A_698, %get3A_257 : vector<16xf32>
        %abs3A_711 = math.absf %sub3A_710 : vector<16xf32>
        %ge3A_712 = arith.constant 5.000000e-02 : f32
        %ge3A_713 = vector.broadcast %ge3A_712 : f32 to vector<16xf32>
        %ge3A_714 = arith.cmpf oge, %abs3A_711, %ge3A_713 : vector<16xf32>
        %and3A_715 = arith.andi %eq3A_709, %ge3A_714 : vector<16xi1>
        %sub3A_716 = arith.subf %gather3A_688, %get3A_261 : vector<16xf32>
        %mul3A_717 = arith.mulf %sub3A_716, %sub3A_716 : vector<16xf32>
        %mul3A_718 = arith.mulf %select_n3A_288, %mul3A_717 : vector<16xf32>
        %jit3A_719 = arith.constant 0.000000e+00 : f32
        %broadcast_in_dim3A_720 = vector.broadcast %jit3A_719 : f32 to vector<16xf32>
        %select_n3A_721 = arith.select %and3A_715, %mul3A_718, %broadcast_in_dim3A_720 : vector<16xi1>, vector<16xf32>
        %jit3A_722 = arith.constant 0.000000e+00 : f32
        %broadcast_in_dim3A_723 = vector.broadcast %jit3A_722 : f32 to vector<16xf32>
        %select_n3A_724 = arith.select %and3A_715, %select_n3A_288, %broadcast_in_dim3A_723 : vector<16xi1>, vector<16xf32>
        %add3A_725 = arith.addf %add3A_617, %select_n3A_721 : vector<16xf32>
        %add3A_726 = arith.addf %add3A_618, %select_n3A_724 : vector<16xf32>
        %add3A_727 = arith.constant 8 : i32
        %add3A_728 = vector.broadcast %add3A_727 : i32 to vector<16xi32>
        %add3A_729 = arith.addi %iota3A, %add3A_728 : vector<16xi32>
        %and3A_730 = arith.constant 15 : i32
        %and3A_731 = vector.broadcast %and3A_730 : i32 to vector<16xi32>
        %and3A_732 = arith.andi %add3A_729, %and3A_731 : vector<16xi32>
        %lt3A_733 = arith.constant 0 : i32
        %lt3A_734 = vector.broadcast %lt3A_733 : i32 to vector<16xi32>
        %lt3A_735 = arith.cmpi slt, %and3A_732, %lt3A_734 : vector<16xi32>
        %add3A_736 = arith.constant 16 : i32
        %add3A_737 = vector.broadcast %add3A_736 : i32 to vector<16xi32>
        %add3A_738 = arith.addi %and3A_732, %add3A_737 : vector<16xi32>
        %select_n3A_739 = arith.select %lt3A_735, %add3A_738, %and3A_732 : vector<16xi1>, vector<16xi32>
        %broadcast_in_dim3A_740 = vector.shape_cast %select_n3A_739 : vector<16xi32> to vector<16x1xi32>
        %gather3A_741 = vector.shape_cast %broadcast_in_dim3A_740 : vector<16x1xi32> to vector<16xi32>
        %gather3A_742 = tpu.dynamic_gather %get3A_297[%gather3A_741] in [0] : vector<16xf32>, vector<16xi32> -> vector<16xf32>
        %lt3A_743 = arith.constant 0 : i32
        %lt3A_744 = vector.broadcast %lt3A_743 : i32 to vector<16xi32>
        %lt3A_745 = arith.cmpi slt, %and3A_732, %lt3A_744 : vector<16xi32>
        %add3A_746 = arith.constant 16 : i32
        %add3A_747 = vector.broadcast %add3A_746 : i32 to vector<16xi32>
        %add3A_748 = arith.addi %and3A_732, %add3A_747 : vector<16xi32>
        %select_n3A_749 = arith.select %lt3A_745, %add3A_748, %and3A_732 : vector<16xi1>, vector<16xi32>
        %broadcast_in_dim3A_750 = vector.shape_cast %select_n3A_749 : vector<16xi32> to vector<16x1xi32>
        %gather3A_751 = vector.shape_cast %broadcast_in_dim3A_750 : vector<16x1xi32> to vector<16xi32>
        %gather3A_752 = tpu.dynamic_gather %get3A_293[%gather3A_751] in [0] : vector<16xf32>, vector<16xi32> -> vector<16xf32>
        %lt3A_753 = arith.constant 0 : i32
        %lt3A_754 = vector.broadcast %lt3A_753 : i32 to vector<16xi32>
        %lt3A_755 = arith.cmpi slt, %and3A_732, %lt3A_754 : vector<16xi32>
        %add3A_756 = arith.constant 16 : i32
        %add3A_757 = vector.broadcast %add3A_756 : i32 to vector<16xi32>
        %add3A_758 = arith.addi %and3A_732, %add3A_757 : vector<16xi32>
        %select_n3A_759 = arith.select %lt3A_755, %add3A_758, %and3A_732 : vector<16xi1>, vector<16xi32>
        %broadcast_in_dim3A_760 = vector.shape_cast %select_n3A_759 : vector<16xi32> to vector<16x1xi32>
        %gather3A_761 = vector.shape_cast %broadcast_in_dim3A_760 : vector<16x1xi32> to vector<16xi32>
        %gather3A_762 = tpu.dynamic_gather %get3A_295[%gather3A_761] in [0] : vector<16xi32>, vector<16xi32> -> vector<16xi32>
        %eq3A_763 = arith.cmpi eq, %gather3A_762, %get3A_259 : vector<16xi32>
        %sub3A_764 = arith.subf %gather3A_752, %get3A_257 : vector<16xf32>
        %abs3A_765 = math.absf %sub3A_764 : vector<16xf32>
        %ge3A_766 = arith.constant 5.000000e-02 : f32
        %ge3A_767 = vector.broadcast %ge3A_766 : f32 to vector<16xf32>
        %ge3A_768 = arith.cmpf oge, %abs3A_765, %ge3A_767 : vector<16xf32>
        %and3A_769 = arith.andi %eq3A_763, %ge3A_768 : vector<16xi1>
        %sub3A_770 = arith.subf %gather3A_742, %get3A_261 : vector<16xf32>
        %mul3A_771 = arith.mulf %sub3A_770, %sub3A_770 : vector<16xf32>
        %mul3A_772 = arith.mulf %select_n3A_288, %mul3A_771 : vector<16xf32>
        %jit3A_773 = arith.constant 0.000000e+00 : f32
        %broadcast_in_dim3A_774 = vector.broadcast %jit3A_773 : f32 to vector<16xf32>
        %select_n3A_775 = arith.select %and3A_769, %mul3A_772, %broadcast_in_dim3A_774 : vector<16xi1>, vector<16xf32>
        %jit3A_776 = arith.constant 0.000000e+00 : f32
        %broadcast_in_dim3A_777 = vector.broadcast %jit3A_776 : f32 to vector<16xf32>
        %select_n3A_778 = arith.select %and3A_769, %select_n3A_288, %broadcast_in_dim3A_777 : vector<16xi1>, vector<16xf32>
        %add3A_779 = arith.addf %add3A_671, %select_n3A_775 : vector<16xf32>
        %add3A_780 = arith.addf %add3A_672, %select_n3A_778 : vector<16xf32>
        %add3A_781 = arith.constant 9 : i32
        %add3A_782 = vector.broadcast %add3A_781 : i32 to vector<16xi32>
        %add3A_783 = arith.addi %iota3A, %add3A_782 : vector<16xi32>
        %and3A_784 = arith.constant 15 : i32
        %and3A_785 = vector.broadcast %and3A_784 : i32 to vector<16xi32>
        %and3A_786 = arith.andi %add3A_783, %and3A_785 : vector<16xi32>
        %lt3A_787 = arith.constant 0 : i32
        %lt3A_788 = vector.broadcast %lt3A_787 : i32 to vector<16xi32>
        %lt3A_789 = arith.cmpi slt, %and3A_786, %lt3A_788 : vector<16xi32>
        %add3A_790 = arith.constant 16 : i32
        %add3A_791 = vector.broadcast %add3A_790 : i32 to vector<16xi32>
        %add3A_792 = arith.addi %and3A_786, %add3A_791 : vector<16xi32>
        %select_n3A_793 = arith.select %lt3A_789, %add3A_792, %and3A_786 : vector<16xi1>, vector<16xi32>
        %broadcast_in_dim3A_794 = vector.shape_cast %select_n3A_793 : vector<16xi32> to vector<16x1xi32>
        %gather3A_795 = vector.shape_cast %broadcast_in_dim3A_794 : vector<16x1xi32> to vector<16xi32>
        %gather3A_796 = tpu.dynamic_gather %get3A_297[%gather3A_795] in [0] : vector<16xf32>, vector<16xi32> -> vector<16xf32>
        %lt3A_797 = arith.constant 0 : i32
        %lt3A_798 = vector.broadcast %lt3A_797 : i32 to vector<16xi32>
        %lt3A_799 = arith.cmpi slt, %and3A_786, %lt3A_798 : vector<16xi32>
        %add3A_800 = arith.constant 16 : i32
        %add3A_801 = vector.broadcast %add3A_800 : i32 to vector<16xi32>
        %add3A_802 = arith.addi %and3A_786, %add3A_801 : vector<16xi32>
        %select_n3A_803 = arith.select %lt3A_799, %add3A_802, %and3A_786 : vector<16xi1>, vector<16xi32>
        %broadcast_in_dim3A_804 = vector.shape_cast %select_n3A_803 : vector<16xi32> to vector<16x1xi32>
        %gather3A_805 = vector.shape_cast %broadcast_in_dim3A_804 : vector<16x1xi32> to vector<16xi32>
        %gather3A_806 = tpu.dynamic_gather %get3A_293[%gather3A_805] in [0] : vector<16xf32>, vector<16xi32> -> vector<16xf32>
        %lt3A_807 = arith.constant 0 : i32
        %lt3A_808 = vector.broadcast %lt3A_807 : i32 to vector<16xi32>
        %lt3A_809 = arith.cmpi slt, %and3A_786, %lt3A_808 : vector<16xi32>
        %add3A_810 = arith.constant 16 : i32
        %add3A_811 = vector.broadcast %add3A_810 : i32 to vector<16xi32>
        %add3A_812 = arith.addi %and3A_786, %add3A_811 : vector<16xi32>
        %select_n3A_813 = arith.select %lt3A_809, %add3A_812, %and3A_786 : vector<16xi1>, vector<16xi32>
        %broadcast_in_dim3A_814 = vector.shape_cast %select_n3A_813 : vector<16xi32> to vector<16x1xi32>
        %gather3A_815 = vector.shape_cast %broadcast_in_dim3A_814 : vector<16x1xi32> to vector<16xi32>
        %gather3A_816 = tpu.dynamic_gather %get3A_295[%gather3A_815] in [0] : vector<16xi32>, vector<16xi32> -> vector<16xi32>
        %eq3A_817 = arith.cmpi eq, %gather3A_816, %get3A_259 : vector<16xi32>
        %sub3A_818 = arith.subf %gather3A_806, %get3A_257 : vector<16xf32>
        %abs3A_819 = math.absf %sub3A_818 : vector<16xf32>
        %ge3A_820 = arith.constant 5.000000e-02 : f32
        %ge3A_821 = vector.broadcast %ge3A_820 : f32 to vector<16xf32>
        %ge3A_822 = arith.cmpf oge, %abs3A_819, %ge3A_821 : vector<16xf32>
        %and3A_823 = arith.andi %eq3A_817, %ge3A_822 : vector<16xi1>
        %sub3A_824 = arith.subf %gather3A_796, %get3A_261 : vector<16xf32>
        %mul3A_825 = arith.mulf %sub3A_824, %sub3A_824 : vector<16xf32>
        %mul3A_826 = arith.mulf %select_n3A_288, %mul3A_825 : vector<16xf32>
        %jit3A_827 = arith.constant 0.000000e+00 : f32
        %broadcast_in_dim3A_828 = vector.broadcast %jit3A_827 : f32 to vector<16xf32>
        %select_n3A_829 = arith.select %and3A_823, %mul3A_826, %broadcast_in_dim3A_828 : vector<16xi1>, vector<16xf32>
        %jit3A_830 = arith.constant 0.000000e+00 : f32
        %broadcast_in_dim3A_831 = vector.broadcast %jit3A_830 : f32 to vector<16xf32>
        %select_n3A_832 = arith.select %and3A_823, %select_n3A_288, %broadcast_in_dim3A_831 : vector<16xi1>, vector<16xf32>
        %add3A_833 = arith.addf %add3A_725, %select_n3A_829 : vector<16xf32>
        %add3A_834 = arith.addf %add3A_726, %select_n3A_832 : vector<16xf32>
        %add3A_835 = arith.constant 10 : i32
        %add3A_836 = vector.broadcast %add3A_835 : i32 to vector<16xi32>
        %add3A_837 = arith.addi %iota3A, %add3A_836 : vector<16xi32>
        %and3A_838 = arith.constant 15 : i32
        %and3A_839 = vector.broadcast %and3A_838 : i32 to vector<16xi32>
        %and3A_840 = arith.andi %add3A_837, %and3A_839 : vector<16xi32>
        %lt3A_841 = arith.constant 0 : i32
        %lt3A_842 = vector.broadcast %lt3A_841 : i32 to vector<16xi32>
        %lt3A_843 = arith.cmpi slt, %and3A_840, %lt3A_842 : vector<16xi32>
        %add3A_844 = arith.constant 16 : i32
        %add3A_845 = vector.broadcast %add3A_844 : i32 to vector<16xi32>
        %add3A_846 = arith.addi %and3A_840, %add3A_845 : vector<16xi32>
        %select_n3A_847 = arith.select %lt3A_843, %add3A_846, %and3A_840 : vector<16xi1>, vector<16xi32>
        %broadcast_in_dim3A_848 = vector.shape_cast %select_n3A_847 : vector<16xi32> to vector<16x1xi32>
        %gather3A_849 = vector.shape_cast %broadcast_in_dim3A_848 : vector<16x1xi32> to vector<16xi32>
        %gather3A_850 = tpu.dynamic_gather %get3A_297[%gather3A_849] in [0] : vector<16xf32>, vector<16xi32> -> vector<16xf32>
        %lt3A_851 = arith.constant 0 : i32
        %lt3A_852 = vector.broadcast %lt3A_851 : i32 to vector<16xi32>
        %lt3A_853 = arith.cmpi slt, %and3A_840, %lt3A_852 : vector<16xi32>
        %add3A_854 = arith.constant 16 : i32
        %add3A_855 = vector.broadcast %add3A_854 : i32 to vector<16xi32>
        %add3A_856 = arith.addi %and3A_840, %add3A_855 : vector<16xi32>
        %select_n3A_857 = arith.select %lt3A_853, %add3A_856, %and3A_840 : vector<16xi1>, vector<16xi32>
        %broadcast_in_dim3A_858 = vector.shape_cast %select_n3A_857 : vector<16xi32> to vector<16x1xi32>
        %gather3A_859 = vector.shape_cast %broadcast_in_dim3A_858 : vector<16x1xi32> to vector<16xi32>
        %gather3A_860 = tpu.dynamic_gather %get3A_293[%gather3A_859] in [0] : vector<16xf32>, vector<16xi32> -> vector<16xf32>
        %lt3A_861 = arith.constant 0 : i32
        %lt3A_862 = vector.broadcast %lt3A_861 : i32 to vector<16xi32>
        %lt3A_863 = arith.cmpi slt, %and3A_840, %lt3A_862 : vector<16xi32>
        %add3A_864 = arith.constant 16 : i32
        %add3A_865 = vector.broadcast %add3A_864 : i32 to vector<16xi32>
        %add3A_866 = arith.addi %and3A_840, %add3A_865 : vector<16xi32>
        %select_n3A_867 = arith.select %lt3A_863, %add3A_866, %and3A_840 : vector<16xi1>, vector<16xi32>
        %broadcast_in_dim3A_868 = vector.shape_cast %select_n3A_867 : vector<16xi32> to vector<16x1xi32>
        %gather3A_869 = vector.shape_cast %broadcast_in_dim3A_868 : vector<16x1xi32> to vector<16xi32>
        %gather3A_870 = tpu.dynamic_gather %get3A_295[%gather3A_869] in [0] : vector<16xi32>, vector<16xi32> -> vector<16xi32>
        %eq3A_871 = arith.cmpi eq, %gather3A_870, %get3A_259 : vector<16xi32>
        %sub3A_872 = arith.subf %gather3A_860, %get3A_257 : vector<16xf32>
        %abs3A_873 = math.absf %sub3A_872 : vector<16xf32>
        %ge3A_874 = arith.constant 5.000000e-02 : f32
        %ge3A_875 = vector.broadcast %ge3A_874 : f32 to vector<16xf32>
        %ge3A_876 = arith.cmpf oge, %abs3A_873, %ge3A_875 : vector<16xf32>
        %and3A_877 = arith.andi %eq3A_871, %ge3A_876 : vector<16xi1>
        %sub3A_878 = arith.subf %gather3A_850, %get3A_261 : vector<16xf32>
        %mul3A_879 = arith.mulf %sub3A_878, %sub3A_878 : vector<16xf32>
        %mul3A_880 = arith.mulf %select_n3A_288, %mul3A_879 : vector<16xf32>
        %jit3A_881 = arith.constant 0.000000e+00 : f32
        %broadcast_in_dim3A_882 = vector.broadcast %jit3A_881 : f32 to vector<16xf32>
        %select_n3A_883 = arith.select %and3A_877, %mul3A_880, %broadcast_in_dim3A_882 : vector<16xi1>, vector<16xf32>
        %jit3A_884 = arith.constant 0.000000e+00 : f32
        %broadcast_in_dim3A_885 = vector.broadcast %jit3A_884 : f32 to vector<16xf32>
        %select_n3A_886 = arith.select %and3A_877, %select_n3A_288, %broadcast_in_dim3A_885 : vector<16xi1>, vector<16xf32>
        %add3A_887 = arith.addf %add3A_779, %select_n3A_883 : vector<16xf32>
        %add3A_888 = arith.addf %add3A_780, %select_n3A_886 : vector<16xf32>
        %add3A_889 = arith.constant 11 : i32
        %add3A_890 = vector.broadcast %add3A_889 : i32 to vector<16xi32>
        %add3A_891 = arith.addi %iota3A, %add3A_890 : vector<16xi32>
        %and3A_892 = arith.constant 15 : i32
        %and3A_893 = vector.broadcast %and3A_892 : i32 to vector<16xi32>
        %and3A_894 = arith.andi %add3A_891, %and3A_893 : vector<16xi32>
        %lt3A_895 = arith.constant 0 : i32
        %lt3A_896 = vector.broadcast %lt3A_895 : i32 to vector<16xi32>
        %lt3A_897 = arith.cmpi slt, %and3A_894, %lt3A_896 : vector<16xi32>
        %add3A_898 = arith.constant 16 : i32
        %add3A_899 = vector.broadcast %add3A_898 : i32 to vector<16xi32>
        %add3A_900 = arith.addi %and3A_894, %add3A_899 : vector<16xi32>
        %select_n3A_901 = arith.select %lt3A_897, %add3A_900, %and3A_894 : vector<16xi1>, vector<16xi32>
        %broadcast_in_dim3A_902 = vector.shape_cast %select_n3A_901 : vector<16xi32> to vector<16x1xi32>
        %gather3A_903 = vector.shape_cast %broadcast_in_dim3A_902 : vector<16x1xi32> to vector<16xi32>
        %gather3A_904 = tpu.dynamic_gather %get3A_297[%gather3A_903] in [0] : vector<16xf32>, vector<16xi32> -> vector<16xf32>
        %lt3A_905 = arith.constant 0 : i32
        %lt3A_906 = vector.broadcast %lt3A_905 : i32 to vector<16xi32>
        %lt3A_907 = arith.cmpi slt, %and3A_894, %lt3A_906 : vector<16xi32>
        %add3A_908 = arith.constant 16 : i32
        %add3A_909 = vector.broadcast %add3A_908 : i32 to vector<16xi32>
        %add3A_910 = arith.addi %and3A_894, %add3A_909 : vector<16xi32>
        %select_n3A_911 = arith.select %lt3A_907, %add3A_910, %and3A_894 : vector<16xi1>, vector<16xi32>
        %broadcast_in_dim3A_912 = vector.shape_cast %select_n3A_911 : vector<16xi32> to vector<16x1xi32>
        %gather3A_913 = vector.shape_cast %broadcast_in_dim3A_912 : vector<16x1xi32> to vector<16xi32>
        %gather3A_914 = tpu.dynamic_gather %get3A_293[%gather3A_913] in [0] : vector<16xf32>, vector<16xi32> -> vector<16xf32>
        %lt3A_915 = arith.constant 0 : i32
        %lt3A_916 = vector.broadcast %lt3A_915 : i32 to vector<16xi32>
        %lt3A_917 = arith.cmpi slt, %and3A_894, %lt3A_916 : vector<16xi32>
        %add3A_918 = arith.constant 16 : i32
        %add3A_919 = vector.broadcast %add3A_918 : i32 to vector<16xi32>
        %add3A_920 = arith.addi %and3A_894, %add3A_919 : vector<16xi32>
        %select_n3A_921 = arith.select %lt3A_917, %add3A_920, %and3A_894 : vector<16xi1>, vector<16xi32>
        %broadcast_in_dim3A_922 = vector.shape_cast %select_n3A_921 : vector<16xi32> to vector<16x1xi32>
        %gather3A_923 = vector.shape_cast %broadcast_in_dim3A_922 : vector<16x1xi32> to vector<16xi32>
        %gather3A_924 = tpu.dynamic_gather %get3A_295[%gather3A_923] in [0] : vector<16xi32>, vector<16xi32> -> vector<16xi32>
        %eq3A_925 = arith.cmpi eq, %gather3A_924, %get3A_259 : vector<16xi32>
        %sub3A_926 = arith.subf %gather3A_914, %get3A_257 : vector<16xf32>
        %abs3A_927 = math.absf %sub3A_926 : vector<16xf32>
        %ge3A_928 = arith.constant 5.000000e-02 : f32
        %ge3A_929 = vector.broadcast %ge3A_928 : f32 to vector<16xf32>
        %ge3A_930 = arith.cmpf oge, %abs3A_927, %ge3A_929 : vector<16xf32>
        %and3A_931 = arith.andi %eq3A_925, %ge3A_930 : vector<16xi1>
        %sub3A_932 = arith.subf %gather3A_904, %get3A_261 : vector<16xf32>
        %mul3A_933 = arith.mulf %sub3A_932, %sub3A_932 : vector<16xf32>
        %mul3A_934 = arith.mulf %select_n3A_288, %mul3A_933 : vector<16xf32>
        %jit3A_935 = arith.constant 0.000000e+00 : f32
        %broadcast_in_dim3A_936 = vector.broadcast %jit3A_935 : f32 to vector<16xf32>
        %select_n3A_937 = arith.select %and3A_931, %mul3A_934, %broadcast_in_dim3A_936 : vector<16xi1>, vector<16xf32>
        %jit3A_938 = arith.constant 0.000000e+00 : f32
        %broadcast_in_dim3A_939 = vector.broadcast %jit3A_938 : f32 to vector<16xf32>
        %select_n3A_940 = arith.select %and3A_931, %select_n3A_288, %broadcast_in_dim3A_939 : vector<16xi1>, vector<16xf32>
        %add3A_941 = arith.addf %add3A_833, %select_n3A_937 : vector<16xf32>
        %add3A_942 = arith.addf %add3A_834, %select_n3A_940 : vector<16xf32>
        %add3A_943 = arith.constant 12 : i32
        %add3A_944 = vector.broadcast %add3A_943 : i32 to vector<16xi32>
        %add3A_945 = arith.addi %iota3A, %add3A_944 : vector<16xi32>
        %and3A_946 = arith.constant 15 : i32
        %and3A_947 = vector.broadcast %and3A_946 : i32 to vector<16xi32>
        %and3A_948 = arith.andi %add3A_945, %and3A_947 : vector<16xi32>
        %lt3A_949 = arith.constant 0 : i32
        %lt3A_950 = vector.broadcast %lt3A_949 : i32 to vector<16xi32>
        %lt3A_951 = arith.cmpi slt, %and3A_948, %lt3A_950 : vector<16xi32>
        %add3A_952 = arith.constant 16 : i32
        %add3A_953 = vector.broadcast %add3A_952 : i32 to vector<16xi32>
        %add3A_954 = arith.addi %and3A_948, %add3A_953 : vector<16xi32>
        %select_n3A_955 = arith.select %lt3A_951, %add3A_954, %and3A_948 : vector<16xi1>, vector<16xi32>
        %broadcast_in_dim3A_956 = vector.shape_cast %select_n3A_955 : vector<16xi32> to vector<16x1xi32>
        %gather3A_957 = vector.shape_cast %broadcast_in_dim3A_956 : vector<16x1xi32> to vector<16xi32>
        %gather3A_958 = tpu.dynamic_gather %get3A_297[%gather3A_957] in [0] : vector<16xf32>, vector<16xi32> -> vector<16xf32>
        %lt3A_959 = arith.constant 0 : i32
        %lt3A_960 = vector.broadcast %lt3A_959 : i32 to vector<16xi32>
        %lt3A_961 = arith.cmpi slt, %and3A_948, %lt3A_960 : vector<16xi32>
        %add3A_962 = arith.constant 16 : i32
        %add3A_963 = vector.broadcast %add3A_962 : i32 to vector<16xi32>
        %add3A_964 = arith.addi %and3A_948, %add3A_963 : vector<16xi32>
        %select_n3A_965 = arith.select %lt3A_961, %add3A_964, %and3A_948 : vector<16xi1>, vector<16xi32>
        %broadcast_in_dim3A_966 = vector.shape_cast %select_n3A_965 : vector<16xi32> to vector<16x1xi32>
        %gather3A_967 = vector.shape_cast %broadcast_in_dim3A_966 : vector<16x1xi32> to vector<16xi32>
        %gather3A_968 = tpu.dynamic_gather %get3A_293[%gather3A_967] in [0] : vector<16xf32>, vector<16xi32> -> vector<16xf32>
        %lt3A_969 = arith.constant 0 : i32
        %lt3A_970 = vector.broadcast %lt3A_969 : i32 to vector<16xi32>
        %lt3A_971 = arith.cmpi slt, %and3A_948, %lt3A_970 : vector<16xi32>
        %add3A_972 = arith.constant 16 : i32
        %add3A_973 = vector.broadcast %add3A_972 : i32 to vector<16xi32>
        %add3A_974 = arith.addi %and3A_948, %add3A_973 : vector<16xi32>
        %select_n3A_975 = arith.select %lt3A_971, %add3A_974, %and3A_948 : vector<16xi1>, vector<16xi32>
        %broadcast_in_dim3A_976 = vector.shape_cast %select_n3A_975 : vector<16xi32> to vector<16x1xi32>
        %gather3A_977 = vector.shape_cast %broadcast_in_dim3A_976 : vector<16x1xi32> to vector<16xi32>
        %gather3A_978 = tpu.dynamic_gather %get3A_295[%gather3A_977] in [0] : vector<16xi32>, vector<16xi32> -> vector<16xi32>
        %eq3A_979 = arith.cmpi eq, %gather3A_978, %get3A_259 : vector<16xi32>
        %sub3A_980 = arith.subf %gather3A_968, %get3A_257 : vector<16xf32>
        %abs3A_981 = math.absf %sub3A_980 : vector<16xf32>
        %ge3A_982 = arith.constant 5.000000e-02 : f32
        %ge3A_983 = vector.broadcast %ge3A_982 : f32 to vector<16xf32>
        %ge3A_984 = arith.cmpf oge, %abs3A_981, %ge3A_983 : vector<16xf32>
        %and3A_985 = arith.andi %eq3A_979, %ge3A_984 : vector<16xi1>
        %sub3A_986 = arith.subf %gather3A_958, %get3A_261 : vector<16xf32>
        %mul3A_987 = arith.mulf %sub3A_986, %sub3A_986 : vector<16xf32>
        %mul3A_988 = arith.mulf %select_n3A_288, %mul3A_987 : vector<16xf32>
        %jit3A_989 = arith.constant 0.000000e+00 : f32
        %broadcast_in_dim3A_990 = vector.broadcast %jit3A_989 : f32 to vector<16xf32>
        %select_n3A_991 = arith.select %and3A_985, %mul3A_988, %broadcast_in_dim3A_990 : vector<16xi1>, vector<16xf32>
        %jit3A_992 = arith.constant 0.000000e+00 : f32
        %broadcast_in_dim3A_993 = vector.broadcast %jit3A_992 : f32 to vector<16xf32>
        %select_n3A_994 = arith.select %and3A_985, %select_n3A_288, %broadcast_in_dim3A_993 : vector<16xi1>, vector<16xf32>
        %add3A_995 = arith.addf %add3A_887, %select_n3A_991 : vector<16xf32>
        %add3A_996 = arith.addf %add3A_888, %select_n3A_994 : vector<16xf32>
        %add3A_997 = arith.constant 13 : i32
        %add3A_998 = vector.broadcast %add3A_997 : i32 to vector<16xi32>
        %add3A_999 = arith.addi %iota3A, %add3A_998 : vector<16xi32>
        %and3A_1000 = arith.constant 15 : i32
        %and3A_1001 = vector.broadcast %and3A_1000 : i32 to vector<16xi32>
        %and3A_1002 = arith.andi %add3A_999, %and3A_1001 : vector<16xi32>
        %lt3A_1003 = arith.constant 0 : i32
        %lt3A_1004 = vector.broadcast %lt3A_1003 : i32 to vector<16xi32>
        %lt3A_1005 = arith.cmpi slt, %and3A_1002, %lt3A_1004 : vector<16xi32>
        %add3A_1006 = arith.constant 16 : i32
        %add3A_1007 = vector.broadcast %add3A_1006 : i32 to vector<16xi32>
        %add3A_1008 = arith.addi %and3A_1002, %add3A_1007 : vector<16xi32>
        %select_n3A_1009 = arith.select %lt3A_1005, %add3A_1008, %and3A_1002 : vector<16xi1>, vector<16xi32>
        %broadcast_in_dim3A_1010 = vector.shape_cast %select_n3A_1009 : vector<16xi32> to vector<16x1xi32>
        %gather3A_1011 = vector.shape_cast %broadcast_in_dim3A_1010 : vector<16x1xi32> to vector<16xi32>
        %gather3A_1012 = tpu.dynamic_gather %get3A_297[%gather3A_1011] in [0] : vector<16xf32>, vector<16xi32> -> vector<16xf32>
        %lt3A_1013 = arith.constant 0 : i32
        %lt3A_1014 = vector.broadcast %lt3A_1013 : i32 to vector<16xi32>
        %lt3A_1015 = arith.cmpi slt, %and3A_1002, %lt3A_1014 : vector<16xi32>
        %add3A_1016 = arith.constant 16 : i32
        %add3A_1017 = vector.broadcast %add3A_1016 : i32 to vector<16xi32>
        %add3A_1018 = arith.addi %and3A_1002, %add3A_1017 : vector<16xi32>
        %select_n3A_1019 = arith.select %lt3A_1015, %add3A_1018, %and3A_1002 : vector<16xi1>, vector<16xi32>
        %broadcast_in_dim3A_1020 = vector.shape_cast %select_n3A_1019 : vector<16xi32> to vector<16x1xi32>
        %gather3A_1021 = vector.shape_cast %broadcast_in_dim3A_1020 : vector<16x1xi32> to vector<16xi32>
        %gather3A_1022 = tpu.dynamic_gather %get3A_293[%gather3A_1021] in [0] : vector<16xf32>, vector<16xi32> -> vector<16xf32>
        %lt3A_1023 = arith.constant 0 : i32
        %lt3A_1024 = vector.broadcast %lt3A_1023 : i32 to vector<16xi32>
        %lt3A_1025 = arith.cmpi slt, %and3A_1002, %lt3A_1024 : vector<16xi32>
        %add3A_1026 = arith.constant 16 : i32
        %add3A_1027 = vector.broadcast %add3A_1026 : i32 to vector<16xi32>
        %add3A_1028 = arith.addi %and3A_1002, %add3A_1027 : vector<16xi32>
        %select_n3A_1029 = arith.select %lt3A_1025, %add3A_1028, %and3A_1002 : vector<16xi1>, vector<16xi32>
        %broadcast_in_dim3A_1030 = vector.shape_cast %select_n3A_1029 : vector<16xi32> to vector<16x1xi32>
        %gather3A_1031 = vector.shape_cast %broadcast_in_dim3A_1030 : vector<16x1xi32> to vector<16xi32>
        %gather3A_1032 = tpu.dynamic_gather %get3A_295[%gather3A_1031] in [0] : vector<16xi32>, vector<16xi32> -> vector<16xi32>
        %eq3A_1033 = arith.cmpi eq, %gather3A_1032, %get3A_259 : vector<16xi32>
        %sub3A_1034 = arith.subf %gather3A_1022, %get3A_257 : vector<16xf32>
        %abs3A_1035 = math.absf %sub3A_1034 : vector<16xf32>
        %ge3A_1036 = arith.constant 5.000000e-02 : f32
        %ge3A_1037 = vector.broadcast %ge3A_1036 : f32 to vector<16xf32>
        %ge3A_1038 = arith.cmpf oge, %abs3A_1035, %ge3A_1037 : vector<16xf32>
        %and3A_1039 = arith.andi %eq3A_1033, %ge3A_1038 : vector<16xi1>
        %sub3A_1040 = arith.subf %gather3A_1012, %get3A_261 : vector<16xf32>
        %mul3A_1041 = arith.mulf %sub3A_1040, %sub3A_1040 : vector<16xf32>
        %mul3A_1042 = arith.mulf %select_n3A_288, %mul3A_1041 : vector<16xf32>
        %jit3A_1043 = arith.constant 0.000000e+00 : f32
        %broadcast_in_dim3A_1044 = vector.broadcast %jit3A_1043 : f32 to vector<16xf32>
        %select_n3A_1045 = arith.select %and3A_1039, %mul3A_1042, %broadcast_in_dim3A_1044 : vector<16xi1>, vector<16xf32>
        %jit3A_1046 = arith.constant 0.000000e+00 : f32
        %broadcast_in_dim3A_1047 = vector.broadcast %jit3A_1046 : f32 to vector<16xf32>
        %select_n3A_1048 = arith.select %and3A_1039, %select_n3A_288, %broadcast_in_dim3A_1047 : vector<16xi1>, vector<16xf32>
        %add3A_1049 = arith.addf %add3A_941, %select_n3A_1045 : vector<16xf32>
        %add3A_1050 = arith.addf %add3A_942, %select_n3A_1048 : vector<16xf32>
        %add3A_1051 = arith.constant 14 : i32
        %add3A_1052 = vector.broadcast %add3A_1051 : i32 to vector<16xi32>
        %add3A_1053 = arith.addi %iota3A, %add3A_1052 : vector<16xi32>
        %and3A_1054 = arith.constant 15 : i32
        %and3A_1055 = vector.broadcast %and3A_1054 : i32 to vector<16xi32>
        %and3A_1056 = arith.andi %add3A_1053, %and3A_1055 : vector<16xi32>
        %lt3A_1057 = arith.constant 0 : i32
        %lt3A_1058 = vector.broadcast %lt3A_1057 : i32 to vector<16xi32>
        %lt3A_1059 = arith.cmpi slt, %and3A_1056, %lt3A_1058 : vector<16xi32>
        %add3A_1060 = arith.constant 16 : i32
        %add3A_1061 = vector.broadcast %add3A_1060 : i32 to vector<16xi32>
        %add3A_1062 = arith.addi %and3A_1056, %add3A_1061 : vector<16xi32>
        %select_n3A_1063 = arith.select %lt3A_1059, %add3A_1062, %and3A_1056 : vector<16xi1>, vector<16xi32>
        %broadcast_in_dim3A_1064 = vector.shape_cast %select_n3A_1063 : vector<16xi32> to vector<16x1xi32>
        %gather3A_1065 = vector.shape_cast %broadcast_in_dim3A_1064 : vector<16x1xi32> to vector<16xi32>
        %gather3A_1066 = tpu.dynamic_gather %get3A_297[%gather3A_1065] in [0] : vector<16xf32>, vector<16xi32> -> vector<16xf32>
        %lt3A_1067 = arith.constant 0 : i32
        %lt3A_1068 = vector.broadcast %lt3A_1067 : i32 to vector<16xi32>
        %lt3A_1069 = arith.cmpi slt, %and3A_1056, %lt3A_1068 : vector<16xi32>
        %add3A_1070 = arith.constant 16 : i32
        %add3A_1071 = vector.broadcast %add3A_1070 : i32 to vector<16xi32>
        %add3A_1072 = arith.addi %and3A_1056, %add3A_1071 : vector<16xi32>
        %select_n3A_1073 = arith.select %lt3A_1069, %add3A_1072, %and3A_1056 : vector<16xi1>, vector<16xi32>
        %broadcast_in_dim3A_1074 = vector.shape_cast %select_n3A_1073 : vector<16xi32> to vector<16x1xi32>
        %gather3A_1075 = vector.shape_cast %broadcast_in_dim3A_1074 : vector<16x1xi32> to vector<16xi32>
        %gather3A_1076 = tpu.dynamic_gather %get3A_293[%gather3A_1075] in [0] : vector<16xf32>, vector<16xi32> -> vector<16xf32>
        %lt3A_1077 = arith.constant 0 : i32
        %lt3A_1078 = vector.broadcast %lt3A_1077 : i32 to vector<16xi32>
        %lt3A_1079 = arith.cmpi slt, %and3A_1056, %lt3A_1078 : vector<16xi32>
        %add3A_1080 = arith.constant 16 : i32
        %add3A_1081 = vector.broadcast %add3A_1080 : i32 to vector<16xi32>
        %add3A_1082 = arith.addi %and3A_1056, %add3A_1081 : vector<16xi32>
        %select_n3A_1083 = arith.select %lt3A_1079, %add3A_1082, %and3A_1056 : vector<16xi1>, vector<16xi32>
        %broadcast_in_dim3A_1084 = vector.shape_cast %select_n3A_1083 : vector<16xi32> to vector<16x1xi32>
        %gather3A_1085 = vector.shape_cast %broadcast_in_dim3A_1084 : vector<16x1xi32> to vector<16xi32>
        %gather3A_1086 = tpu.dynamic_gather %get3A_295[%gather3A_1085] in [0] : vector<16xi32>, vector<16xi32> -> vector<16xi32>
        %eq3A_1087 = arith.cmpi eq, %gather3A_1086, %get3A_259 : vector<16xi32>
        %sub3A_1088 = arith.subf %gather3A_1076, %get3A_257 : vector<16xf32>
        %abs3A_1089 = math.absf %sub3A_1088 : vector<16xf32>
        %ge3A_1090 = arith.constant 5.000000e-02 : f32
        %ge3A_1091 = vector.broadcast %ge3A_1090 : f32 to vector<16xf32>
        %ge3A_1092 = arith.cmpf oge, %abs3A_1089, %ge3A_1091 : vector<16xf32>
        %and3A_1093 = arith.andi %eq3A_1087, %ge3A_1092 : vector<16xi1>
        %sub3A_1094 = arith.subf %gather3A_1066, %get3A_261 : vector<16xf32>
        %mul3A_1095 = arith.mulf %sub3A_1094, %sub3A_1094 : vector<16xf32>
        %mul3A_1096 = arith.mulf %select_n3A_288, %mul3A_1095 : vector<16xf32>
        %jit3A_1097 = arith.constant 0.000000e+00 : f32
        %broadcast_in_dim3A_1098 = vector.broadcast %jit3A_1097 : f32 to vector<16xf32>
        %select_n3A_1099 = arith.select %and3A_1093, %mul3A_1096, %broadcast_in_dim3A_1098 : vector<16xi1>, vector<16xf32>
        %jit3A_1100 = arith.constant 0.000000e+00 : f32
        %broadcast_in_dim3A_1101 = vector.broadcast %jit3A_1100 : f32 to vector<16xf32>
        %select_n3A_1102 = arith.select %and3A_1093, %select_n3A_288, %broadcast_in_dim3A_1101 : vector<16xi1>, vector<16xf32>
        %add3A_1103 = arith.addf %add3A_995, %select_n3A_1099 : vector<16xf32>
        %add3A_1104 = arith.addf %add3A_996, %select_n3A_1102 : vector<16xf32>
        %add3A_1105 = arith.constant 15 : i32
        %add3A_1106 = vector.broadcast %add3A_1105 : i32 to vector<16xi32>
        %add3A_1107 = arith.addi %iota3A, %add3A_1106 : vector<16xi32>
        %and3A_1108 = arith.constant 15 : i32
        %and3A_1109 = vector.broadcast %and3A_1108 : i32 to vector<16xi32>
        %and3A_1110 = arith.andi %add3A_1107, %and3A_1109 : vector<16xi32>
        %lt3A_1111 = arith.constant 0 : i32
        %lt3A_1112 = vector.broadcast %lt3A_1111 : i32 to vector<16xi32>
        %lt3A_1113 = arith.cmpi slt, %and3A_1110, %lt3A_1112 : vector<16xi32>
        %add3A_1114 = arith.constant 16 : i32
        %add3A_1115 = vector.broadcast %add3A_1114 : i32 to vector<16xi32>
        %add3A_1116 = arith.addi %and3A_1110, %add3A_1115 : vector<16xi32>
        %select_n3A_1117 = arith.select %lt3A_1113, %add3A_1116, %and3A_1110 : vector<16xi1>, vector<16xi32>
        %broadcast_in_dim3A_1118 = vector.shape_cast %select_n3A_1117 : vector<16xi32> to vector<16x1xi32>
        %gather3A_1119 = vector.shape_cast %broadcast_in_dim3A_1118 : vector<16x1xi32> to vector<16xi32>
        %gather3A_1120 = tpu.dynamic_gather %get3A_297[%gather3A_1119] in [0] : vector<16xf32>, vector<16xi32> -> vector<16xf32>
        %lt3A_1121 = arith.constant 0 : i32
        %lt3A_1122 = vector.broadcast %lt3A_1121 : i32 to vector<16xi32>
        %lt3A_1123 = arith.cmpi slt, %and3A_1110, %lt3A_1122 : vector<16xi32>
        %add3A_1124 = arith.constant 16 : i32
        %add3A_1125 = vector.broadcast %add3A_1124 : i32 to vector<16xi32>
        %add3A_1126 = arith.addi %and3A_1110, %add3A_1125 : vector<16xi32>
        %select_n3A_1127 = arith.select %lt3A_1123, %add3A_1126, %and3A_1110 : vector<16xi1>, vector<16xi32>
        %broadcast_in_dim3A_1128 = vector.shape_cast %select_n3A_1127 : vector<16xi32> to vector<16x1xi32>
        %gather3A_1129 = vector.shape_cast %broadcast_in_dim3A_1128 : vector<16x1xi32> to vector<16xi32>
        %gather3A_1130 = tpu.dynamic_gather %get3A_293[%gather3A_1129] in [0] : vector<16xf32>, vector<16xi32> -> vector<16xf32>
        %lt3A_1131 = arith.constant 0 : i32
        %lt3A_1132 = vector.broadcast %lt3A_1131 : i32 to vector<16xi32>
        %lt3A_1133 = arith.cmpi slt, %and3A_1110, %lt3A_1132 : vector<16xi32>
        %add3A_1134 = arith.constant 16 : i32
        %add3A_1135 = vector.broadcast %add3A_1134 : i32 to vector<16xi32>
        %add3A_1136 = arith.addi %and3A_1110, %add3A_1135 : vector<16xi32>
        %select_n3A_1137 = arith.select %lt3A_1133, %add3A_1136, %and3A_1110 : vector<16xi1>, vector<16xi32>
        %broadcast_in_dim3A_1138 = vector.shape_cast %select_n3A_1137 : vector<16xi32> to vector<16x1xi32>
        %gather3A_1139 = vector.shape_cast %broadcast_in_dim3A_1138 : vector<16x1xi32> to vector<16xi32>
        %gather3A_1140 = tpu.dynamic_gather %get3A_295[%gather3A_1139] in [0] : vector<16xi32>, vector<16xi32> -> vector<16xi32>
        %eq3A_1141 = arith.cmpi eq, %gather3A_1140, %get3A_259 : vector<16xi32>
        %sub3A_1142 = arith.subf %gather3A_1130, %get3A_257 : vector<16xf32>
        %abs3A_1143 = math.absf %sub3A_1142 : vector<16xf32>
        %ge3A_1144 = arith.constant 5.000000e-02 : f32
        %ge3A_1145 = vector.broadcast %ge3A_1144 : f32 to vector<16xf32>
        %ge3A_1146 = arith.cmpf oge, %abs3A_1143, %ge3A_1145 : vector<16xf32>
        %and3A_1147 = arith.andi %eq3A_1141, %ge3A_1146 : vector<16xi1>
        %sub3A_1148 = arith.subf %gather3A_1120, %get3A_261 : vector<16xf32>
        %mul3A_1149 = arith.mulf %sub3A_1148, %sub3A_1148 : vector<16xf32>
        %mul3A_1150 = arith.mulf %select_n3A_288, %mul3A_1149 : vector<16xf32>
        %jit3A_1151 = arith.constant 0.000000e+00 : f32
        %broadcast_in_dim3A_1152 = vector.broadcast %jit3A_1151 : f32 to vector<16xf32>
        %select_n3A_1153 = arith.select %and3A_1147, %mul3A_1150, %broadcast_in_dim3A_1152 : vector<16xi1>, vector<16xf32>
        %jit3A_1154 = arith.constant 0.000000e+00 : f32
        %broadcast_in_dim3A_1155 = vector.broadcast %jit3A_1154 : f32 to vector<16xf32>
        %select_n3A_1156 = arith.select %and3A_1147, %select_n3A_288, %broadcast_in_dim3A_1155 : vector<16xi1>, vector<16xf32>
        %add3A_1157 = arith.addf %add3A_1049, %select_n3A_1153 : vector<16xf32>
        %add3A_1158 = arith.addf %add3A_1050, %select_n3A_1156 : vector<16xf32>
        scf.yield %add3A_1103, %add3A_1157, %add3A_1104, %add3A_1158 : vector<16xf32>, vector<16xf32>, vector<16xf32>, vector<16xf32>
      }
      %while3A_275 = arith.constant 1 : i32
      %while3A_276:4 = scf.for %while3A_277 = %while3A_272 to %while3A_268 step %while3A_275 iter_args(%while3A_278 = %while3A_274#0, %while3A_279 = %while3A_274#1, %while3A_280 = %while3A_274#2, %while3A_281 = %while3A_274#3) -> (vector<16xf32>, vector<16xf32>, vector<16xf32>, vector<16xf32>)  : i32 {
        %broadcast_in_dim3A_282 = vector.broadcast %while3A_277 : i32 to vector<16xi32>
        %eq3A = vector.broadcast %add3A_262 : i32 to vector<16xi32>
        %eq3A_283 = arith.cmpi eq, %broadcast_in_dim3A_282, %eq3A : vector<16xi32>
        %jit3A_284 = arith.constant 1.000000e+00 : f32
        %jit3A_285 = arith.constant 2.000000e+00 : f32
        %broadcast_in_dim3A_286 = vector.broadcast %jit3A_284 : f32 to vector<16xf32>
        %broadcast_in_dim3A_287 = vector.broadcast %jit3A_285 : f32 to vector<16xf32>
        %select_n3A_288 = arith.select %eq3A_283, %broadcast_in_dim3A_286, %broadcast_in_dim3A_287 : vector<16xi1>, vector<16xf32>
        %sub3A_289 = arith.subi %while3A_277, %mul3A_4 : i32
        %mul3A_290 = arith.constant 16 : i32
        %mul3A_291 = arith.muli %sub3A_289, %mul3A_290 : i32
        %get3A_292 = arith.index_cast %mul3A_291 : i32 to index
        %get3A_293 = tpu.vector_load %arg8[%get3A_292] {strides = array<i32>} : memref<4096xf32, #tpu.memory_space<vmem>>, vector<16xf32>,
        %get3A_294 = arith.index_cast %mul3A_291 : i32 to index
        %get3A_295 = tpu.vector_load %arg9[%get3A_294] {strides = array<i32>} : memref<4096xi32, #tpu.memory_space<vmem>>, vector<16xi32>,
        %get3A_296 = arith.index_cast %mul3A_291 : i32 to index
        %get3A_297 = tpu.vector_load %arg10[%get3A_296] {strides = array<i32>} : memref<4096xf32, #tpu.memory_space<vmem>>, vector<16xf32>,
        %add3A_298 = arith.constant 0 : i32
        %add3A_299 = vector.broadcast %add3A_298 : i32 to vector<16xi32>
        %add3A_300 = arith.addi %iota3A, %add3A_299 : vector<16xi32>
        %and3A_301 = arith.constant 15 : i32
        %and3A_302 = vector.broadcast %and3A_301 : i32 to vector<16xi32>
        %and3A_303 = arith.andi %add3A_300, %and3A_302 : vector<16xi32>
        %lt3A = arith.constant 0 : i32
        %lt3A_304 = vector.broadcast %lt3A : i32 to vector<16xi32>
        %lt3A_305 = arith.cmpi slt, %and3A_303, %lt3A_304 : vector<16xi32>
        %add3A_306 = arith.constant 16 : i32
        %add3A_307 = vector.broadcast %add3A_306 : i32 to vector<16xi32>
        %add3A_308 = arith.addi %and3A_303, %add3A_307 : vector<16xi32>
        %select_n3A_309 = arith.select %lt3A_305, %add3A_308, %and3A_303 : vector<16xi1>, vector<16xi32>
        %broadcast_in_dim3A_310 = vector.shape_cast %select_n3A_309 : vector<16xi32> to vector<16x1xi32>
        %gather3A_311 = vector.shape_cast %broadcast_in_dim3A_310 : vector<16x1xi32> to vector<16xi32>
        %gather3A_312 = tpu.dynamic_gather %get3A_297[%gather3A_311] in [0] : vector<16xf32>, vector<16xi32> -> vector<16xf32>
        %lt3A_313 = arith.constant 0 : i32
        %lt3A_314 = vector.broadcast %lt3A_313 : i32 to vector<16xi32>
        %lt3A_315 = arith.cmpi slt, %and3A_303, %lt3A_314 : vector<16xi32>
        %add3A_316 = arith.constant 16 : i32
        %add3A_317 = vector.broadcast %add3A_316 : i32 to vector<16xi32>
        %add3A_318 = arith.addi %and3A_303, %add3A_317 : vector<16xi32>
        %select_n3A_319 = arith.select %lt3A_315, %add3A_318, %and3A_303 : vector<16xi1>, vector<16xi32>
        %broadcast_in_dim3A_320 = vector.shape_cast %select_n3A_319 : vector<16xi32> to vector<16x1xi32>
        %gather3A_321 = vector.shape_cast %broadcast_in_dim3A_320 : vector<16x1xi32> to vector<16xi32>
        %gather3A_322 = tpu.dynamic_gather %get3A_293[%gather3A_321] in [0] : vector<16xf32>, vector<16xi32> -> vector<16xf32>
        %lt3A_323 = arith.constant 0 : i32
        %lt3A_324 = vector.broadcast %lt3A_323 : i32 to vector<16xi32>
        %lt3A_325 = arith.cmpi slt, %and3A_303, %lt3A_324 : vector<16xi32>
        %add3A_326 = arith.constant 16 : i32
        %add3A_327 = vector.broadcast %add3A_326 : i32 to vector<16xi32>
        %add3A_328 = arith.addi %and3A_303, %add3A_327 : vector<16xi32>
        %select_n3A_329 = arith.select %lt3A_325, %add3A_328, %and3A_303 : vector<16xi1>, vector<16xi32>
        %broadcast_in_dim3A_330 = vector.shape_cast %select_n3A_329 : vector<16xi32> to vector<16x1xi32>
        %gather3A_331 = vector.shape_cast %broadcast_in_dim3A_330 : vector<16x1xi32> to vector<16xi32>
        %gather3A_332 = tpu.dynamic_gather %get3A_295[%gather3A_331] in [0] : vector<16xi32>, vector<16xi32> -> vector<16xi32>
        %eq3A_333 = arith.cmpi eq, %gather3A_332, %get3A_259 : vector<16xi32>
        %sub3A_334 = arith.subf %gather3A_322, %get3A_257 : vector<16xf32>
        %abs3A = math.absf %sub3A_334 : vector<16xf32>
        %ge3A = arith.constant 5.000000e-02 : f32
        %ge3A_335 = vector.broadcast %ge3A : f32 to vector<16xf32>
        %ge3A_336 = arith.cmpf oge, %abs3A, %ge3A_335 : vector<16xf32>
        %and3A_337 = arith.andi %eq3A_333, %ge3A_336 : vector<16xi1>
        %sub3A_338 = arith.subf %gather3A_312, %get3A_261 : vector<16xf32>
        %mul3A_339 = arith.mulf %sub3A_338, %sub3A_338 : vector<16xf32>
        %mul3A_340 = arith.mulf %select_n3A_288, %mul3A_339 : vector<16xf32>
        %jit3A_341 = arith.constant 0.000000e+00 : f32
        %broadcast_in_dim3A_342 = vector.broadcast %jit3A_341 : f32 to vector<16xf32>
        %select_n3A_343 = arith.select %and3A_337, %mul3A_340, %broadcast_in_dim3A_342 : vector<16xi1>, vector<16xf32>
        %jit3A_344 = arith.constant 0.000000e+00 : f32
        %broadcast_in_dim3A_345 = vector.broadcast %jit3A_344 : f32 to vector<16xf32>
        %select_n3A_346 = arith.select %and3A_337, %select_n3A_288, %broadcast_in_dim3A_345 : vector<16xi1>, vector<16xf32>
        %add3A_347 = arith.addf %while3A_278, %select_n3A_343 : vector<16xf32>
        %add3A_348 = arith.addf %while3A_280, %select_n3A_346 : vector<16xf32>
        %add3A_349 = arith.constant 1 : i32
        %add3A_350 = vector.broadcast %add3A_349 : i32 to vector<16xi32>
        %add3A_351 = arith.addi %iota3A, %add3A_350 : vector<16xi32>
        %and3A_352 = arith.constant 15 : i32
        %and3A_353 = vector.broadcast %and3A_352 : i32 to vector<16xi32>
        %and3A_354 = arith.andi %add3A_351, %and3A_353 : vector<16xi32>
        %lt3A_355 = arith.constant 0 : i32
        %lt3A_356 = vector.broadcast %lt3A_355 : i32 to vector<16xi32>
        %lt3A_357 = arith.cmpi slt, %and3A_354, %lt3A_356 : vector<16xi32>
        %add3A_358 = arith.constant 16 : i32
        %add3A_359 = vector.broadcast %add3A_358 : i32 to vector<16xi32>
        %add3A_360 = arith.addi %and3A_354, %add3A_359 : vector<16xi32>
        %select_n3A_361 = arith.select %lt3A_357, %add3A_360, %and3A_354 : vector<16xi1>, vector<16xi32>
        %broadcast_in_dim3A_362 = vector.shape_cast %select_n3A_361 : vector<16xi32> to vector<16x1xi32>
        %gather3A_363 = vector.shape_cast %broadcast_in_dim3A_362 : vector<16x1xi32> to vector<16xi32>
        %gather3A_364 = tpu.dynamic_gather %get3A_297[%gather3A_363] in [0] : vector<16xf32>, vector<16xi32> -> vector<16xf32>
        %lt3A_365 = arith.constant 0 : i32
        %lt3A_366 = vector.broadcast %lt3A_365 : i32 to vector<16xi32>
        %lt3A_367 = arith.cmpi slt, %and3A_354, %lt3A_366 : vector<16xi32>
        %add3A_368 = arith.constant 16 : i32
        %add3A_369 = vector.broadcast %add3A_368 : i32 to vector<16xi32>
        %add3A_370 = arith.addi %and3A_354, %add3A_369 : vector<16xi32>
        %select_n3A_371 = arith.select %lt3A_367, %add3A_370, %and3A_354 : vector<16xi1>, vector<16xi32>
        %broadcast_in_dim3A_372 = vector.shape_cast %select_n3A_371 : vector<16xi32> to vector<16x1xi32>
        %gather3A_373 = vector.shape_cast %broadcast_in_dim3A_372 : vector<16x1xi32> to vector<16xi32>
        %gather3A_374 = tpu.dynamic_gather %get3A_293[%gather3A_373] in [0] : vector<16xf32>, vector<16xi32> -> vector<16xf32>
        %lt3A_375 = arith.constant 0 : i32
        %lt3A_376 = vector.broadcast %lt3A_375 : i32 to vector<16xi32>
        %lt3A_377 = arith.cmpi slt, %and3A_354, %lt3A_376 : vector<16xi32>
        %add3A_378 = arith.constant 16 : i32
        %add3A_379 = vector.broadcast %add3A_378 : i32 to vector<16xi32>
        %add3A_380 = arith.addi %and3A_354, %add3A_379 : vector<16xi32>
        %select_n3A_381 = arith.select %lt3A_377, %add3A_380, %and3A_354 : vector<16xi1>, vector<16xi32>
        %broadcast_in_dim3A_382 = vector.shape_cast %select_n3A_381 : vector<16xi32> to vector<16x1xi32>
        %gather3A_383 = vector.shape_cast %broadcast_in_dim3A_382 : vector<16x1xi32> to vector<16xi32>
        %gather3A_384 = tpu.dynamic_gather %get3A_295[%gather3A_383] in [0] : vector<16xi32>, vector<16xi32> -> vector<16xi32>
        %eq3A_385 = arith.cmpi eq, %gather3A_384, %get3A_259 : vector<16xi32>
        %sub3A_386 = arith.subf %gather3A_374, %get3A_257 : vector<16xf32>
        %abs3A_387 = math.absf %sub3A_386 : vector<16xf32>
        %ge3A_388 = arith.constant 5.000000e-02 : f32
        %ge3A_389 = vector.broadcast %ge3A_388 : f32 to vector<16xf32>
        %ge3A_390 = arith.cmpf oge, %abs3A_387, %ge3A_389 : vector<16xf32>
        %and3A_391 = arith.andi %eq3A_385, %ge3A_390 : vector<16xi1>
        %sub3A_392 = arith.subf %gather3A_364, %get3A_261 : vector<16xf32>
        %mul3A_393 = arith.mulf %sub3A_392, %sub3A_392 : vector<16xf32>
        %mul3A_394 = arith.mulf %select_n3A_288, %mul3A_393 : vector<16xf32>
        %jit3A_395 = arith.constant 0.000000e+00 : f32
        %broadcast_in_dim3A_396 = vector.broadcast %jit3A_395 : f32 to vector<16xf32>
        %select_n3A_397 = arith.select %and3A_391, %mul3A_394, %broadcast_in_dim3A_396 : vector<16xi1>, vector<16xf32>
        %jit3A_398 = arith.constant 0.000000e+00 : f32
        %broadcast_in_dim3A_399 = vector.broadcast %jit3A_398 : f32 to vector<16xf32>
        %select_n3A_400 = arith.select %and3A_391, %select_n3A_288, %broadcast_in_dim3A_399 : vector<16xi1>, vector<16xf32>
        %add3A_401 = arith.addf %while3A_279, %select_n3A_397 : vector<16xf32>
        %add3A_402 = arith.addf %while3A_281, %select_n3A_400 : vector<16xf32>
        %add3A_403 = arith.constant 2 : i32
        %add3A_404 = vector.broadcast %add3A_403 : i32 to vector<16xi32>
        %add3A_405 = arith.addi %iota3A, %add3A_404 : vector<16xi32>
        %and3A_406 = arith.constant 15 : i32
        %and3A_407 = vector.broadcast %and3A_406 : i32 to vector<16xi32>
        %and3A_408 = arith.andi %add3A_405, %and3A_407 : vector<16xi32>
        %lt3A_409 = arith.constant 0 : i32
        %lt3A_410 = vector.broadcast %lt3A_409 : i32 to vector<16xi32>
        %lt3A_411 = arith.cmpi slt, %and3A_408, %lt3A_410 : vector<16xi32>
        %add3A_412 = arith.constant 16 : i32
        %add3A_413 = vector.broadcast %add3A_412 : i32 to vector<16xi32>
        %add3A_414 = arith.addi %and3A_408, %add3A_413 : vector<16xi32>
        %select_n3A_415 = arith.select %lt3A_411, %add3A_414, %and3A_408 : vector<16xi1>, vector<16xi32>
        %broadcast_in_dim3A_416 = vector.shape_cast %select_n3A_415 : vector<16xi32> to vector<16x1xi32>
        %gather3A_417 = vector.shape_cast %broadcast_in_dim3A_416 : vector<16x1xi32> to vector<16xi32>
        %gather3A_418 = tpu.dynamic_gather %get3A_297[%gather3A_417] in [0] : vector<16xf32>, vector<16xi32> -> vector<16xf32>
        %lt3A_419 = arith.constant 0 : i32
        %lt3A_420 = vector.broadcast %lt3A_419 : i32 to vector<16xi32>
        %lt3A_421 = arith.cmpi slt, %and3A_408, %lt3A_420 : vector<16xi32>
        %add3A_422 = arith.constant 16 : i32
        %add3A_423 = vector.broadcast %add3A_422 : i32 to vector<16xi32>
        %add3A_424 = arith.addi %and3A_408, %add3A_423 : vector<16xi32>
        %select_n3A_425 = arith.select %lt3A_421, %add3A_424, %and3A_408 : vector<16xi1>, vector<16xi32>
        %broadcast_in_dim3A_426 = vector.shape_cast %select_n3A_425 : vector<16xi32> to vector<16x1xi32>
        %gather3A_427 = vector.shape_cast %broadcast_in_dim3A_426 : vector<16x1xi32> to vector<16xi32>
        %gather3A_428 = tpu.dynamic_gather %get3A_293[%gather3A_427] in [0] : vector<16xf32>, vector<16xi32> -> vector<16xf32>
        %lt3A_429 = arith.constant 0 : i32
        %lt3A_430 = vector.broadcast %lt3A_429 : i32 to vector<16xi32>
        %lt3A_431 = arith.cmpi slt, %and3A_408, %lt3A_430 : vector<16xi32>
        %add3A_432 = arith.constant 16 : i32
        %add3A_433 = vector.broadcast %add3A_432 : i32 to vector<16xi32>
        %add3A_434 = arith.addi %and3A_408, %add3A_433 : vector<16xi32>
        %select_n3A_435 = arith.select %lt3A_431, %add3A_434, %and3A_408 : vector<16xi1>, vector<16xi32>
        %broadcast_in_dim3A_436 = vector.shape_cast %select_n3A_435 : vector<16xi32> to vector<16x1xi32>
        %gather3A_437 = vector.shape_cast %broadcast_in_dim3A_436 : vector<16x1xi32> to vector<16xi32>
        %gather3A_438 = tpu.dynamic_gather %get3A_295[%gather3A_437] in [0] : vector<16xi32>, vector<16xi32> -> vector<16xi32>
        %eq3A_439 = arith.cmpi eq, %gather3A_438, %get3A_259 : vector<16xi32>
        %sub3A_440 = arith.subf %gather3A_428, %get3A_257 : vector<16xf32>
        %abs3A_441 = math.absf %sub3A_440 : vector<16xf32>
        %ge3A_442 = arith.constant 5.000000e-02 : f32
        %ge3A_443 = vector.broadcast %ge3A_442 : f32 to vector<16xf32>
        %ge3A_444 = arith.cmpf oge, %abs3A_441, %ge3A_443 : vector<16xf32>
        %and3A_445 = arith.andi %eq3A_439, %ge3A_444 : vector<16xi1>
        %sub3A_446 = arith.subf %gather3A_418, %get3A_261 : vector<16xf32>
        %mul3A_447 = arith.mulf %sub3A_446, %sub3A_446 : vector<16xf32>
        %mul3A_448 = arith.mulf %select_n3A_288, %mul3A_447 : vector<16xf32>
        %jit3A_449 = arith.constant 0.000000e+00 : f32
        %broadcast_in_dim3A_450 = vector.broadcast %jit3A_449 : f32 to vector<16xf32>
        %select_n3A_451 = arith.select %and3A_445, %mul3A_448, %broadcast_in_dim3A_450 : vector<16xi1>, vector<16xf32>
        %jit3A_452 = arith.constant 0.000000e+00 : f32
        %broadcast_in_dim3A_453 = vector.broadcast %jit3A_452 : f32 to vector<16xf32>
        %select_n3A_454 = arith.select %and3A_445, %select_n3A_288, %broadcast_in_dim3A_453 : vector<16xi1>, vector<16xf32>
        %add3A_455 = arith.addf %add3A_347, %select_n3A_451 : vector<16xf32>
        %add3A_456 = arith.addf %add3A_348, %select_n3A_454 : vector<16xf32>
        %add3A_457 = arith.constant 3 : i32
        %add3A_458 = vector.broadcast %add3A_457 : i32 to vector<16xi32>
        %add3A_459 = arith.addi %iota3A, %add3A_458 : vector<16xi32>
        %and3A_460 = arith.constant 15 : i32
        %and3A_461 = vector.broadcast %and3A_460 : i32 to vector<16xi32>
        %and3A_462 = arith.andi %add3A_459, %and3A_461 : vector<16xi32>
        %lt3A_463 = arith.constant 0 : i32
        %lt3A_464 = vector.broadcast %lt3A_463 : i32 to vector<16xi32>
        %lt3A_465 = arith.cmpi slt, %and3A_462, %lt3A_464 : vector<16xi32>
        %add3A_466 = arith.constant 16 : i32
        %add3A_467 = vector.broadcast %add3A_466 : i32 to vector<16xi32>
        %add3A_468 = arith.addi %and3A_462, %add3A_467 : vector<16xi32>
        %select_n3A_469 = arith.select %lt3A_465, %add3A_468, %and3A_462 : vector<16xi1>, vector<16xi32>
        %broadcast_in_dim3A_470 = vector.shape_cast %select_n3A_469 : vector<16xi32> to vector<16x1xi32>
        %gather3A_471 = vector.shape_cast %broadcast_in_dim3A_470 : vector<16x1xi32> to vector<16xi32>
        %gather3A_472 = tpu.dynamic_gather %get3A_297[%gather3A_471] in [0] : vector<16xf32>, vector<16xi32> -> vector<16xf32>
        %lt3A_473 = arith.constant 0 : i32
        %lt3A_474 = vector.broadcast %lt3A_473 : i32 to vector<16xi32>
        %lt3A_475 = arith.cmpi slt, %and3A_462, %lt3A_474 : vector<16xi32>
        %add3A_476 = arith.constant 16 : i32
        %add3A_477 = vector.broadcast %add3A_476 : i32 to vector<16xi32>
        %add3A_478 = arith.addi %and3A_462, %add3A_477 : vector<16xi32>
        %select_n3A_479 = arith.select %lt3A_475, %add3A_478, %and3A_462 : vector<16xi1>, vector<16xi32>
        %broadcast_in_dim3A_480 = vector.shape_cast %select_n3A_479 : vector<16xi32> to vector<16x1xi32>
        %gather3A_481 = vector.shape_cast %broadcast_in_dim3A_480 : vector<16x1xi32> to vector<16xi32>
        %gather3A_482 = tpu.dynamic_gather %get3A_293[%gather3A_481] in [0] : vector<16xf32>, vector<16xi32> -> vector<16xf32>
        %lt3A_483 = arith.constant 0 : i32
        %lt3A_484 = vector.broadcast %lt3A_483 : i32 to vector<16xi32>
        %lt3A_485 = arith.cmpi slt, %and3A_462, %lt3A_484 : vector<16xi32>
        %add3A_486 = arith.constant 16 : i32
        %add3A_487 = vector.broadcast %add3A_486 : i32 to vector<16xi32>
        %add3A_488 = arith.addi %and3A_462, %add3A_487 : vector<16xi32>
        %select_n3A_489 = arith.select %lt3A_485, %add3A_488, %and3A_462 : vector<16xi1>, vector<16xi32>
        %broadcast_in_dim3A_490 = vector.shape_cast %select_n3A_489 : vector<16xi32> to vector<16x1xi32>
        %gather3A_491 = vector.shape_cast %broadcast_in_dim3A_490 : vector<16x1xi32> to vector<16xi32>
        %gather3A_492 = tpu.dynamic_gather %get3A_295[%gather3A_491] in [0] : vector<16xi32>, vector<16xi32> -> vector<16xi32>
        %eq3A_493 = arith.cmpi eq, %gather3A_492, %get3A_259 : vector<16xi32>
        %sub3A_494 = arith.subf %gather3A_482, %get3A_257 : vector<16xf32>
        %abs3A_495 = math.absf %sub3A_494 : vector<16xf32>
        %ge3A_496 = arith.constant 5.000000e-02 : f32
        %ge3A_497 = vector.broadcast %ge3A_496 : f32 to vector<16xf32>
        %ge3A_498 = arith.cmpf oge, %abs3A_495, %ge3A_497 : vector<16xf32>
        %and3A_499 = arith.andi %eq3A_493, %ge3A_498 : vector<16xi1>
        %sub3A_500 = arith.subf %gather3A_472, %get3A_261 : vector<16xf32>
        %mul3A_501 = arith.mulf %sub3A_500, %sub3A_500 : vector<16xf32>
        %mul3A_502 = arith.mulf %select_n3A_288, %mul3A_501 : vector<16xf32>
        %jit3A_503 = arith.constant 0.000000e+00 : f32
        %broadcast_in_dim3A_504 = vector.broadcast %jit3A_503 : f32 to vector<16xf32>
        %select_n3A_505 = arith.select %and3A_499, %mul3A_502, %broadcast_in_dim3A_504 : vector<16xi1>, vector<16xf32>
        %jit3A_506 = arith.constant 0.000000e+00 : f32
        %broadcast_in_dim3A_507 = vector.broadcast %jit3A_506 : f32 to vector<16xf32>
        %select_n3A_508 = arith.select %and3A_499, %select_n3A_288, %broadcast_in_dim3A_507 : vector<16xi1>, vector<16xf32>
        %add3A_509 = arith.addf %add3A_401, %select_n3A_505 : vector<16xf32>
        %add3A_510 = arith.addf %add3A_402, %select_n3A_508 : vector<16xf32>
        %add3A_511 = arith.constant 4 : i32
        %add3A_512 = vector.broadcast %add3A_511 : i32 to vector<16xi32>
        %add3A_513 = arith.addi %iota3A, %add3A_512 : vector<16xi32>
        %and3A_514 = arith.constant 15 : i32
        %and3A_515 = vector.broadcast %and3A_514 : i32 to vector<16xi32>
        %and3A_516 = arith.andi %add3A_513, %and3A_515 : vector<16xi32>
        %lt3A_517 = arith.constant 0 : i32
        %lt3A_518 = vector.broadcast %lt3A_517 : i32 to vector<16xi32>
        %lt3A_519 = arith.cmpi slt, %and3A_516, %lt3A_518 : vector<16xi32>
        %add3A_520 = arith.constant 16 : i32
        %add3A_521 = vector.broadcast %add3A_520 : i32 to vector<16xi32>
        %add3A_522 = arith.addi %and3A_516, %add3A_521 : vector<16xi32>
        %select_n3A_523 = arith.select %lt3A_519, %add3A_522, %and3A_516 : vector<16xi1>, vector<16xi32>
        %broadcast_in_dim3A_524 = vector.shape_cast %select_n3A_523 : vector<16xi32> to vector<16x1xi32>
        %gather3A_525 = vector.shape_cast %broadcast_in_dim3A_524 : vector<16x1xi32> to vector<16xi32>
        %gather3A_526 = tpu.dynamic_gather %get3A_297[%gather3A_525] in [0] : vector<16xf32>, vector<16xi32> -> vector<16xf32>
        %lt3A_527 = arith.constant 0 : i32
        %lt3A_528 = vector.broadcast %lt3A_527 : i32 to vector<16xi32>
        %lt3A_529 = arith.cmpi slt, %and3A_516, %lt3A_528 : vector<16xi32>
        %add3A_530 = arith.constant 16 : i32
        %add3A_531 = vector.broadcast %add3A_530 : i32 to vector<16xi32>
        %add3A_532 = arith.addi %and3A_516, %add3A_531 : vector<16xi32>
        %select_n3A_533 = arith.select %lt3A_529, %add3A_532, %and3A_516 : vector<16xi1>, vector<16xi32>
        %broadcast_in_dim3A_534 = vector.shape_cast %select_n3A_533 : vector<16xi32> to vector<16x1xi32>
        %gather3A_535 = vector.shape_cast %broadcast_in_dim3A_534 : vector<16x1xi32> to vector<16xi32>
        %gather3A_536 = tpu.dynamic_gather %get3A_293[%gather3A_535] in [0] : vector<16xf32>, vector<16xi32> -> vector<16xf32>
        %lt3A_537 = arith.constant 0 : i32
        %lt3A_538 = vector.broadcast %lt3A_537 : i32 to vector<16xi32>
        %lt3A_539 = arith.cmpi slt, %and3A_516, %lt3A_538 : vector<16xi32>
        %add3A_540 = arith.constant 16 : i32
        %add3A_541 = vector.broadcast %add3A_540 : i32 to vector<16xi32>
        %add3A_542 = arith.addi %and3A_516, %add3A_541 : vector<16xi32>
        %select_n3A_543 = arith.select %lt3A_539, %add3A_542, %and3A_516 : vector<16xi1>, vector<16xi32>
        %broadcast_in_dim3A_544 = vector.shape_cast %select_n3A_543 : vector<16xi32> to vector<16x1xi32>
        %gather3A_545 = vector.shape_cast %broadcast_in_dim3A_544 : vector<16x1xi32> to vector<16xi32>
        %gather3A_546 = tpu.dynamic_gather %get3A_295[%gather3A_545] in [0] : vector<16xi32>, vector<16xi32> -> vector<16xi32>
        %eq3A_547 = arith.cmpi eq, %gather3A_546, %get3A_259 : vector<16xi32>
        %sub3A_548 = arith.subf %gather3A_536, %get3A_257 : vector<16xf32>
        %abs3A_549 = math.absf %sub3A_548 : vector<16xf32>
        %ge3A_550 = arith.constant 5.000000e-02 : f32
        %ge3A_551 = vector.broadcast %ge3A_550 : f32 to vector<16xf32>
        %ge3A_552 = arith.cmpf oge, %abs3A_549, %ge3A_551 : vector<16xf32>
        %and3A_553 = arith.andi %eq3A_547, %ge3A_552 : vector<16xi1>
        %sub3A_554 = arith.subf %gather3A_526, %get3A_261 : vector<16xf32>
        %mul3A_555 = arith.mulf %sub3A_554, %sub3A_554 : vector<16xf32>
        %mul3A_556 = arith.mulf %select_n3A_288, %mul3A_555 : vector<16xf32>
        %jit3A_557 = arith.constant 0.000000e+00 : f32
        %broadcast_in_dim3A_558 = vector.broadcast %jit3A_557 : f32 to vector<16xf32>
        %select_n3A_559 = arith.select %and3A_553, %mul3A_556, %broadcast_in_dim3A_558 : vector<16xi1>, vector<16xf32>
        %jit3A_560 = arith.constant 0.000000e+00 : f32
        %broadcast_in_dim3A_561 = vector.broadcast %jit3A_560 : f32 to vector<16xf32>
        %select_n3A_562 = arith.select %and3A_553, %select_n3A_288, %broadcast_in_dim3A_561 : vector<16xi1>, vector<16xf32>
        %add3A_563 = arith.addf %add3A_455, %select_n3A_559 : vector<16xf32>
        %add3A_564 = arith.addf %add3A_456, %select_n3A_562 : vector<16xf32>
        %add3A_565 = arith.constant 5 : i32
        %add3A_566 = vector.broadcast %add3A_565 : i32 to vector<16xi32>
        %add3A_567 = arith.addi %iota3A, %add3A_566 : vector<16xi32>
        %and3A_568 = arith.constant 15 : i32
        %and3A_569 = vector.broadcast %and3A_568 : i32 to vector<16xi32>
        %and3A_570 = arith.andi %add3A_567, %and3A_569 : vector<16xi32>
        %lt3A_571 = arith.constant 0 : i32
        %lt3A_572 = vector.broadcast %lt3A_571 : i32 to vector<16xi32>
        %lt3A_573 = arith.cmpi slt, %and3A_570, %lt3A_572 : vector<16xi32>
        %add3A_574 = arith.constant 16 : i32
        %add3A_575 = vector.broadcast %add3A_574 : i32 to vector<16xi32>
        %add3A_576 = arith.addi %and3A_570, %add3A_575 : vector<16xi32>
        %select_n3A_577 = arith.select %lt3A_573, %add3A_576, %and3A_570 : vector<16xi1>, vector<16xi32>
        %broadcast_in_dim3A_578 = vector.shape_cast %select_n3A_577 : vector<16xi32> to vector<16x1xi32>
        %gather3A_579 = vector.shape_cast %broadcast_in_dim3A_578 : vector<16x1xi32> to vector<16xi32>
        %gather3A_580 = tpu.dynamic_gather %get3A_297[%gather3A_579] in [0] : vector<16xf32>, vector<16xi32> -> vector<16xf32>
        %lt3A_581 = arith.constant 0 : i32
        %lt3A_582 = vector.broadcast %lt3A_581 : i32 to vector<16xi32>
        %lt3A_583 = arith.cmpi slt, %and3A_570, %lt3A_582 : vector<16xi32>
        %add3A_584 = arith.constant 16 : i32
        %add3A_585 = vector.broadcast %add3A_584 : i32 to vector<16xi32>
        %add3A_586 = arith.addi %and3A_570, %add3A_585 : vector<16xi32>
        %select_n3A_587 = arith.select %lt3A_583, %add3A_586, %and3A_570 : vector<16xi1>, vector<16xi32>
        %broadcast_in_dim3A_588 = vector.shape_cast %select_n3A_587 : vector<16xi32> to vector<16x1xi32>
        %gather3A_589 = vector.shape_cast %broadcast_in_dim3A_588 : vector<16x1xi32> to vector<16xi32>
        %gather3A_590 = tpu.dynamic_gather %get3A_293[%gather3A_589] in [0] : vector<16xf32>, vector<16xi32> -> vector<16xf32>
        %lt3A_591 = arith.constant 0 : i32
        %lt3A_592 = vector.broadcast %lt3A_591 : i32 to vector<16xi32>
        %lt3A_593 = arith.cmpi slt, %and3A_570, %lt3A_592 : vector<16xi32>
        %add3A_594 = arith.constant 16 : i32
        %add3A_595 = vector.broadcast %add3A_594 : i32 to vector<16xi32>
        %add3A_596 = arith.addi %and3A_570, %add3A_595 : vector<16xi32>
        %select_n3A_597 = arith.select %lt3A_593, %add3A_596, %and3A_570 : vector<16xi1>, vector<16xi32>
        %broadcast_in_dim3A_598 = vector.shape_cast %select_n3A_597 : vector<16xi32> to vector<16x1xi32>
        %gather3A_599 = vector.shape_cast %broadcast_in_dim3A_598 : vector<16x1xi32> to vector<16xi32>
        %gather3A_600 = tpu.dynamic_gather %get3A_295[%gather3A_599] in [0] : vector<16xi32>, vector<16xi32> -> vector<16xi32>
        %eq3A_601 = arith.cmpi eq, %gather3A_600, %get3A_259 : vector<16xi32>
        %sub3A_602 = arith.subf %gather3A_590, %get3A_257 : vector<16xf32>
        %abs3A_603 = math.absf %sub3A_602 : vector<16xf32>
        %ge3A_604 = arith.constant 5.000000e-02 : f32
        %ge3A_605 = vector.broadcast %ge3A_604 : f32 to vector<16xf32>
        %ge3A_606 = arith.cmpf oge, %abs3A_603, %ge3A_605 : vector<16xf32>
        %and3A_607 = arith.andi %eq3A_601, %ge3A_606 : vector<16xi1>
        %sub3A_608 = arith.subf %gather3A_580, %get3A_261 : vector<16xf32>
        %mul3A_609 = arith.mulf %sub3A_608, %sub3A_608 : vector<16xf32>
        %mul3A_610 = arith.mulf %select_n3A_288, %mul3A_609 : vector<16xf32>
        %jit3A_611 = arith.constant 0.000000e+00 : f32
        %broadcast_in_dim3A_612 = vector.broadcast %jit3A_611 : f32 to vector<16xf32>
        %select_n3A_613 = arith.select %and3A_607, %mul3A_610, %broadcast_in_dim3A_612 : vector<16xi1>, vector<16xf32>
        %jit3A_614 = arith.constant 0.000000e+00 : f32
        %broadcast_in_dim3A_615 = vector.broadcast %jit3A_614 : f32 to vector<16xf32>
        %select_n3A_616 = arith.select %and3A_607, %select_n3A_288, %broadcast_in_dim3A_615 : vector<16xi1>, vector<16xf32>
        %add3A_617 = arith.addf %add3A_509, %select_n3A_613 : vector<16xf32>
        %add3A_618 = arith.addf %add3A_510, %select_n3A_616 : vector<16xf32>
        %add3A_619 = arith.constant 6 : i32
        %add3A_620 = vector.broadcast %add3A_619 : i32 to vector<16xi32>
        %add3A_621 = arith.addi %iota3A, %add3A_620 : vector<16xi32>
        %and3A_622 = arith.constant 15 : i32
        %and3A_623 = vector.broadcast %and3A_622 : i32 to vector<16xi32>
        %and3A_624 = arith.andi %add3A_621, %and3A_623 : vector<16xi32>
        %lt3A_625 = arith.constant 0 : i32
        %lt3A_626 = vector.broadcast %lt3A_625 : i32 to vector<16xi32>
        %lt3A_627 = arith.cmpi slt, %and3A_624, %lt3A_626 : vector<16xi32>
        %add3A_628 = arith.constant 16 : i32
        %add3A_629 = vector.broadcast %add3A_628 : i32 to vector<16xi32>
        %add3A_630 = arith.addi %and3A_624, %add3A_629 : vector<16xi32>
        %select_n3A_631 = arith.select %lt3A_627, %add3A_630, %and3A_624 : vector<16xi1>, vector<16xi32>
        %broadcast_in_dim3A_632 = vector.shape_cast %select_n3A_631 : vector<16xi32> to vector<16x1xi32>
        %gather3A_633 = vector.shape_cast %broadcast_in_dim3A_632 : vector<16x1xi32> to vector<16xi32>
        %gather3A_634 = tpu.dynamic_gather %get3A_297[%gather3A_633] in [0] : vector<16xf32>, vector<16xi32> -> vector<16xf32>
        %lt3A_635 = arith.constant 0 : i32
        %lt3A_636 = vector.broadcast %lt3A_635 : i32 to vector<16xi32>
        %lt3A_637 = arith.cmpi slt, %and3A_624, %lt3A_636 : vector<16xi32>
        %add3A_638 = arith.constant 16 : i32
        %add3A_639 = vector.broadcast %add3A_638 : i32 to vector<16xi32>
        %add3A_640 = arith.addi %and3A_624, %add3A_639 : vector<16xi32>
        %select_n3A_641 = arith.select %lt3A_637, %add3A_640, %and3A_624 : vector<16xi1>, vector<16xi32>
        %broadcast_in_dim3A_642 = vector.shape_cast %select_n3A_641 : vector<16xi32> to vector<16x1xi32>
        %gather3A_643 = vector.shape_cast %broadcast_in_dim3A_642 : vector<16x1xi32> to vector<16xi32>
        %gather3A_644 = tpu.dynamic_gather %get3A_293[%gather3A_643] in [0] : vector<16xf32>, vector<16xi32> -> vector<16xf32>
        %lt3A_645 = arith.constant 0 : i32
        %lt3A_646 = vector.broadcast %lt3A_645 : i32 to vector<16xi32>
        %lt3A_647 = arith.cmpi slt, %and3A_624, %lt3A_646 : vector<16xi32>
        %add3A_648 = arith.constant 16 : i32
        %add3A_649 = vector.broadcast %add3A_648 : i32 to vector<16xi32>
        %add3A_650 = arith.addi %and3A_624, %add3A_649 : vector<16xi32>
        %select_n3A_651 = arith.select %lt3A_647, %add3A_650, %and3A_624 : vector<16xi1>, vector<16xi32>
        %broadcast_in_dim3A_652 = vector.shape_cast %select_n3A_651 : vector<16xi32> to vector<16x1xi32>
        %gather3A_653 = vector.shape_cast %broadcast_in_dim3A_652 : vector<16x1xi32> to vector<16xi32>
        %gather3A_654 = tpu.dynamic_gather %get3A_295[%gather3A_653] in [0] : vector<16xi32>, vector<16xi32> -> vector<16xi32>
        %eq3A_655 = arith.cmpi eq, %gather3A_654, %get3A_259 : vector<16xi32>
        %sub3A_656 = arith.subf %gather3A_644, %get3A_257 : vector<16xf32>
        %abs3A_657 = math.absf %sub3A_656 : vector<16xf32>
        %ge3A_658 = arith.constant 5.000000e-02 : f32
        %ge3A_659 = vector.broadcast %ge3A_658 : f32 to vector<16xf32>
        %ge3A_660 = arith.cmpf oge, %abs3A_657, %ge3A_659 : vector<16xf32>
        %and3A_661 = arith.andi %eq3A_655, %ge3A_660 : vector<16xi1>
        %sub3A_662 = arith.subf %gather3A_634, %get3A_261 : vector<16xf32>
        %mul3A_663 = arith.mulf %sub3A_662, %sub3A_662 : vector<16xf32>
        %mul3A_664 = arith.mulf %select_n3A_288, %mul3A_663 : vector<16xf32>
        %jit3A_665 = arith.constant 0.000000e+00 : f32
        %broadcast_in_dim3A_666 = vector.broadcast %jit3A_665 : f32 to vector<16xf32>
        %select_n3A_667 = arith.select %and3A_661, %mul3A_664, %broadcast_in_dim3A_666 : vector<16xi1>, vector<16xf32>
        %jit3A_668 = arith.constant 0.000000e+00 : f32
        %broadcast_in_dim3A_669 = vector.broadcast %jit3A_668 : f32 to vector<16xf32>
        %select_n3A_670 = arith.select %and3A_661, %select_n3A_288, %broadcast_in_dim3A_669 : vector<16xi1>, vector<16xf32>
        %add3A_671 = arith.addf %add3A_563, %select_n3A_667 : vector<16xf32>
        %add3A_672 = arith.addf %add3A_564, %select_n3A_670 : vector<16xf32>
        %add3A_673 = arith.constant 7 : i32
        %add3A_674 = vector.broadcast %add3A_673 : i32 to vector<16xi32>
        %add3A_675 = arith.addi %iota3A, %add3A_674 : vector<16xi32>
        %and3A_676 = arith.constant 15 : i32
        %and3A_677 = vector.broadcast %and3A_676 : i32 to vector<16xi32>
        %and3A_678 = arith.andi %add3A_675, %and3A_677 : vector<16xi32>
        %lt3A_679 = arith.constant 0 : i32
        %lt3A_680 = vector.broadcast %lt3A_679 : i32 to vector<16xi32>
        %lt3A_681 = arith.cmpi slt, %and3A_678, %lt3A_680 : vector<16xi32>
        %add3A_682 = arith.constant 16 : i32
        %add3A_683 = vector.broadcast %add3A_682 : i32 to vector<16xi32>
        %add3A_684 = arith.addi %and3A_678, %add3A_683 : vector<16xi32>
        %select_n3A_685 = arith.select %lt3A_681, %add3A_684, %and3A_678 : vector<16xi1>, vector<16xi32>
        %broadcast_in_dim3A_686 = vector.shape_cast %select_n3A_685 : vector<16xi32> to vector<16x1xi32>
        %gather3A_687 = vector.shape_cast %broadcast_in_dim3A_686 : vector<16x1xi32> to vector<16xi32>
        %gather3A_688 = tpu.dynamic_gather %get3A_297[%gather3A_687] in [0] : vector<16xf32>, vector<16xi32> -> vector<16xf32>
        %lt3A_689 = arith.constant 0 : i32
        %lt3A_690 = vector.broadcast %lt3A_689 : i32 to vector<16xi32>
        %lt3A_691 = arith.cmpi slt, %and3A_678, %lt3A_690 : vector<16xi32>
        %add3A_692 = arith.constant 16 : i32
        %add3A_693 = vector.broadcast %add3A_692 : i32 to vector<16xi32>
        %add3A_694 = arith.addi %and3A_678, %add3A_693 : vector<16xi32>
        %select_n3A_695 = arith.select %lt3A_691, %add3A_694, %and3A_678 : vector<16xi1>, vector<16xi32>
        %broadcast_in_dim3A_696 = vector.shape_cast %select_n3A_695 : vector<16xi32> to vector<16x1xi32>
        %gather3A_697 = vector.shape_cast %broadcast_in_dim3A_696 : vector<16x1xi32> to vector<16xi32>
        %gather3A_698 = tpu.dynamic_gather %get3A_293[%gather3A_697] in [0] : vector<16xf32>, vector<16xi32> -> vector<16xf32>
        %lt3A_699 = arith.constant 0 : i32
        %lt3A_700 = vector.broadcast %lt3A_699 : i32 to vector<16xi32>
        %lt3A_701 = arith.cmpi slt, %and3A_678, %lt3A_700 : vector<16xi32>
        %add3A_702 = arith.constant 16 : i32
        %add3A_703 = vector.broadcast %add3A_702 : i32 to vector<16xi32>
        %add3A_704 = arith.addi %and3A_678, %add3A_703 : vector<16xi32>
        %select_n3A_705 = arith.select %lt3A_701, %add3A_704, %and3A_678 : vector<16xi1>, vector<16xi32>
        %broadcast_in_dim3A_706 = vector.shape_cast %select_n3A_705 : vector<16xi32> to vector<16x1xi32>
        %gather3A_707 = vector.shape_cast %broadcast_in_dim3A_706 : vector<16x1xi32> to vector<16xi32>
        %gather3A_708 = tpu.dynamic_gather %get3A_295[%gather3A_707] in [0] : vector<16xi32>, vector<16xi32> -> vector<16xi32>
        %eq3A_709 = arith.cmpi eq, %gather3A_708, %get3A_259 : vector<16xi32>
        %sub3A_710 = arith.subf %gather3A_698, %get3A_257 : vector<16xf32>
        %abs3A_711 = math.absf %sub3A_710 : vector<16xf32>
        %ge3A_712 = arith.constant 5.000000e-02 : f32
        %ge3A_713 = vector.broadcast %ge3A_712 : f32 to vector<16xf32>
        %ge3A_714 = arith.cmpf oge, %abs3A_711, %ge3A_713 : vector<16xf32>
        %and3A_715 = arith.andi %eq3A_709, %ge3A_714 : vector<16xi1>
        %sub3A_716 = arith.subf %gather3A_688, %get3A_261 : vector<16xf32>
        %mul3A_717 = arith.mulf %sub3A_716, %sub3A_716 : vector<16xf32>
        %mul3A_718 = arith.mulf %select_n3A_288, %mul3A_717 : vector<16xf32>
        %jit3A_719 = arith.constant 0.000000e+00 : f32
        %broadcast_in_dim3A_720 = vector.broadcast %jit3A_719 : f32 to vector<16xf32>
        %select_n3A_721 = arith.select %and3A_715, %mul3A_718, %broadcast_in_dim3A_720 : vector<16xi1>, vector<16xf32>
        %jit3A_722 = arith.constant 0.000000e+00 : f32
        %broadcast_in_dim3A_723 = vector.broadcast %jit3A_722 : f32 to vector<16xf32>
        %select_n3A_724 = arith.select %and3A_715, %select_n3A_288, %broadcast_in_dim3A_723 : vector<16xi1>, vector<16xf32>
        %add3A_725 = arith.addf %add3A_617, %select_n3A_721 : vector<16xf32>
        %add3A_726 = arith.addf %add3A_618, %select_n3A_724 : vector<16xf32>
        %add3A_727 = arith.constant 8 : i32
        %add3A_728 = vector.broadcast %add3A_727 : i32 to vector<16xi32>
        %add3A_729 = arith.addi %iota3A, %add3A_728 : vector<16xi32>
        %and3A_730 = arith.constant 15 : i32
        %and3A_731 = vector.broadcast %and3A_730 : i32 to vector<16xi32>
        %and3A_732 = arith.andi %add3A_729, %and3A_731 : vector<16xi32>
        %lt3A_733 = arith.constant 0 : i32
        %lt3A_734 = vector.broadcast %lt3A_733 : i32 to vector<16xi32>
        %lt3A_735 = arith.cmpi slt, %and3A_732, %lt3A_734 : vector<16xi32>
        %add3A_736 = arith.constant 16 : i32
        %add3A_737 = vector.broadcast %add3A_736 : i32 to vector<16xi32>
        %add3A_738 = arith.addi %and3A_732, %add3A_737 : vector<16xi32>
        %select_n3A_739 = arith.select %lt3A_735, %add3A_738, %and3A_732 : vector<16xi1>, vector<16xi32>
        %broadcast_in_dim3A_740 = vector.shape_cast %select_n3A_739 : vector<16xi32> to vector<16x1xi32>
        %gather3A_741 = vector.shape_cast %broadcast_in_dim3A_740 : vector<16x1xi32> to vector<16xi32>
        %gather3A_742 = tpu.dynamic_gather %get3A_297[%gather3A_741] in [0] : vector<16xf32>, vector<16xi32> -> vector<16xf32>
        %lt3A_743 = arith.constant 0 : i32
        %lt3A_744 = vector.broadcast %lt3A_743 : i32 to vector<16xi32>
        %lt3A_745 = arith.cmpi slt, %and3A_732, %lt3A_744 : vector<16xi32>
        %add3A_746 = arith.constant 16 : i32
        %add3A_747 = vector.broadcast %add3A_746 : i32 to vector<16xi32>
        %add3A_748 = arith.addi %and3A_732, %add3A_747 : vector<16xi32>
        %select_n3A_749 = arith.select %lt3A_745, %add3A_748, %and3A_732 : vector<16xi1>, vector<16xi32>
        %broadcast_in_dim3A_750 = vector.shape_cast %select_n3A_749 : vector<16xi32> to vector<16x1xi32>
        %gather3A_751 = vector.shape_cast %broadcast_in_dim3A_750 : vector<16x1xi32> to vector<16xi32>
        %gather3A_752 = tpu.dynamic_gather %get3A_293[%gather3A_751] in [0] : vector<16xf32>, vector<16xi32> -> vector<16xf32>
        %lt3A_753 = arith.constant 0 : i32
        %lt3A_754 = vector.broadcast %lt3A_753 : i32 to vector<16xi32>
        %lt3A_755 = arith.cmpi slt, %and3A_732, %lt3A_754 : vector<16xi32>
        %add3A_756 = arith.constant 16 : i32
        %add3A_757 = vector.broadcast %add3A_756 : i32 to vector<16xi32>
        %add3A_758 = arith.addi %and3A_732, %add3A_757 : vector<16xi32>
        %select_n3A_759 = arith.select %lt3A_755, %add3A_758, %and3A_732 : vector<16xi1>, vector<16xi32>
        %broadcast_in_dim3A_760 = vector.shape_cast %select_n3A_759 : vector<16xi32> to vector<16x1xi32>
        %gather3A_761 = vector.shape_cast %broadcast_in_dim3A_760 : vector<16x1xi32> to vector<16xi32>
        %gather3A_762 = tpu.dynamic_gather %get3A_295[%gather3A_761] in [0] : vector<16xi32>, vector<16xi32> -> vector<16xi32>
        %eq3A_763 = arith.cmpi eq, %gather3A_762, %get3A_259 : vector<16xi32>
        %sub3A_764 = arith.subf %gather3A_752, %get3A_257 : vector<16xf32>
        %abs3A_765 = math.absf %sub3A_764 : vector<16xf32>
        %ge3A_766 = arith.constant 5.000000e-02 : f32
        %ge3A_767 = vector.broadcast %ge3A_766 : f32 to vector<16xf32>
        %ge3A_768 = arith.cmpf oge, %abs3A_765, %ge3A_767 : vector<16xf32>
        %and3A_769 = arith.andi %eq3A_763, %ge3A_768 : vector<16xi1>
        %sub3A_770 = arith.subf %gather3A_742, %get3A_261 : vector<16xf32>
        %mul3A_771 = arith.mulf %sub3A_770, %sub3A_770 : vector<16xf32>
        %mul3A_772 = arith.mulf %select_n3A_288, %mul3A_771 : vector<16xf32>
        %jit3A_773 = arith.constant 0.000000e+00 : f32
        %broadcast_in_dim3A_774 = vector.broadcast %jit3A_773 : f32 to vector<16xf32>
        %select_n3A_775 = arith.select %and3A_769, %mul3A_772, %broadcast_in_dim3A_774 : vector<16xi1>, vector<16xf32>
        %jit3A_776 = arith.constant 0.000000e+00 : f32
        %broadcast_in_dim3A_777 = vector.broadcast %jit3A_776 : f32 to vector<16xf32>
        %select_n3A_778 = arith.select %and3A_769, %select_n3A_288, %broadcast_in_dim3A_777 : vector<16xi1>, vector<16xf32>
        %add3A_779 = arith.addf %add3A_671, %select_n3A_775 : vector<16xf32>
        %add3A_780 = arith.addf %add3A_672, %select_n3A_778 : vector<16xf32>
        %add3A_781 = arith.constant 9 : i32
        %add3A_782 = vector.broadcast %add3A_781 : i32 to vector<16xi32>
        %add3A_783 = arith.addi %iota3A, %add3A_782 : vector<16xi32>
        %and3A_784 = arith.constant 15 : i32
        %and3A_785 = vector.broadcast %and3A_784 : i32 to vector<16xi32>
        %and3A_786 = arith.andi %add3A_783, %and3A_785 : vector<16xi32>
        %lt3A_787 = arith.constant 0 : i32
        %lt3A_788 = vector.broadcast %lt3A_787 : i32 to vector<16xi32>
        %lt3A_789 = arith.cmpi slt, %and3A_786, %lt3A_788 : vector<16xi32>
        %add3A_790 = arith.constant 16 : i32
        %add3A_791 = vector.broadcast %add3A_790 : i32 to vector<16xi32>
        %add3A_792 = arith.addi %and3A_786, %add3A_791 : vector<16xi32>
        %select_n3A_793 = arith.select %lt3A_789, %add3A_792, %and3A_786 : vector<16xi1>, vector<16xi32>
        %broadcast_in_dim3A_794 = vector.shape_cast %select_n3A_793 : vector<16xi32> to vector<16x1xi32>
        %gather3A_795 = vector.shape_cast %broadcast_in_dim3A_794 : vector<16x1xi32> to vector<16xi32>
        %gather3A_796 = tpu.dynamic_gather %get3A_297[%gather3A_795] in [0] : vector<16xf32>, vector<16xi32> -> vector<16xf32>
        %lt3A_797 = arith.constant 0 : i32
        %lt3A_798 = vector.broadcast %lt3A_797 : i32 to vector<16xi32>
        %lt3A_799 = arith.cmpi slt, %and3A_786, %lt3A_798 : vector<16xi32>
        %add3A_800 = arith.constant 16 : i32
        %add3A_801 = vector.broadcast %add3A_800 : i32 to vector<16xi32>
        %add3A_802 = arith.addi %and3A_786, %add3A_801 : vector<16xi32>
        %select_n3A_803 = arith.select %lt3A_799, %add3A_802, %and3A_786 : vector<16xi1>, vector<16xi32>
        %broadcast_in_dim3A_804 = vector.shape_cast %select_n3A_803 : vector<16xi32> to vector<16x1xi32>
        %gather3A_805 = vector.shape_cast %broadcast_in_dim3A_804 : vector<16x1xi32> to vector<16xi32>
        %gather3A_806 = tpu.dynamic_gather %get3A_293[%gather3A_805] in [0] : vector<16xf32>, vector<16xi32> -> vector<16xf32>
        %lt3A_807 = arith.constant 0 : i32
        %lt3A_808 = vector.broadcast %lt3A_807 : i32 to vector<16xi32>
        %lt3A_809 = arith.cmpi slt, %and3A_786, %lt3A_808 : vector<16xi32>
        %add3A_810 = arith.constant 16 : i32
        %add3A_811 = vector.broadcast %add3A_810 : i32 to vector<16xi32>
        %add3A_812 = arith.addi %and3A_786, %add3A_811 : vector<16xi32>
        %select_n3A_813 = arith.select %lt3A_809, %add3A_812, %and3A_786 : vector<16xi1>, vector<16xi32>
        %broadcast_in_dim3A_814 = vector.shape_cast %select_n3A_813 : vector<16xi32> to vector<16x1xi32>
        %gather3A_815 = vector.shape_cast %broadcast_in_dim3A_814 : vector<16x1xi32> to vector<16xi32>
        %gather3A_816 = tpu.dynamic_gather %get3A_295[%gather3A_815] in [0] : vector<16xi32>, vector<16xi32> -> vector<16xi32>
        %eq3A_817 = arith.cmpi eq, %gather3A_816, %get3A_259 : vector<16xi32>
        %sub3A_818 = arith.subf %gather3A_806, %get3A_257 : vector<16xf32>
        %abs3A_819 = math.absf %sub3A_818 : vector<16xf32>
        %ge3A_820 = arith.constant 5.000000e-02 : f32
        %ge3A_821 = vector.broadcast %ge3A_820 : f32 to vector<16xf32>
        %ge3A_822 = arith.cmpf oge, %abs3A_819, %ge3A_821 : vector<16xf32>
        %and3A_823 = arith.andi %eq3A_817, %ge3A_822 : vector<16xi1>
        %sub3A_824 = arith.subf %gather3A_796, %get3A_261 : vector<16xf32>
        %mul3A_825 = arith.mulf %sub3A_824, %sub3A_824 : vector<16xf32>
        %mul3A_826 = arith.mulf %select_n3A_288, %mul3A_825 : vector<16xf32>
        %jit3A_827 = arith.constant 0.000000e+00 : f32
        %broadcast_in_dim3A_828 = vector.broadcast %jit3A_827 : f32 to vector<16xf32>
        %select_n3A_829 = arith.select %and3A_823, %mul3A_826, %broadcast_in_dim3A_828 : vector<16xi1>, vector<16xf32>
        %jit3A_830 = arith.constant 0.000000e+00 : f32
        %broadcast_in_dim3A_831 = vector.broadcast %jit3A_830 : f32 to vector<16xf32>
        %select_n3A_832 = arith.select %and3A_823, %select_n3A_288, %broadcast_in_dim3A_831 : vector<16xi1>, vector<16xf32>
        %add3A_833 = arith.addf %add3A_725, %select_n3A_829 : vector<16xf32>
        %add3A_834 = arith.addf %add3A_726, %select_n3A_832 : vector<16xf32>
        %add3A_835 = arith.constant 10 : i32
        %add3A_836 = vector.broadcast %add3A_835 : i32 to vector<16xi32>
        %add3A_837 = arith.addi %iota3A, %add3A_836 : vector<16xi32>
        %and3A_838 = arith.constant 15 : i32
        %and3A_839 = vector.broadcast %and3A_838 : i32 to vector<16xi32>
        %and3A_840 = arith.andi %add3A_837, %and3A_839 : vector<16xi32>
        %lt3A_841 = arith.constant 0 : i32
        %lt3A_842 = vector.broadcast %lt3A_841 : i32 to vector<16xi32>
        %lt3A_843 = arith.cmpi slt, %and3A_840, %lt3A_842 : vector<16xi32>
        %add3A_844 = arith.constant 16 : i32
        %add3A_845 = vector.broadcast %add3A_844 : i32 to vector<16xi32>
        %add3A_846 = arith.addi %and3A_840, %add3A_845 : vector<16xi32>
        %select_n3A_847 = arith.select %lt3A_843, %add3A_846, %and3A_840 : vector<16xi1>, vector<16xi32>
        %broadcast_in_dim3A_848 = vector.shape_cast %select_n3A_847 : vector<16xi32> to vector<16x1xi32>
        %gather3A_849 = vector.shape_cast %broadcast_in_dim3A_848 : vector<16x1xi32> to vector<16xi32>
        %gather3A_850 = tpu.dynamic_gather %get3A_297[%gather3A_849] in [0] : vector<16xf32>, vector<16xi32> -> vector<16xf32>
        %lt3A_851 = arith.constant 0 : i32
        %lt3A_852 = vector.broadcast %lt3A_851 : i32 to vector<16xi32>
        %lt3A_853 = arith.cmpi slt, %and3A_840, %lt3A_852 : vector<16xi32>
        %add3A_854 = arith.constant 16 : i32
        %add3A_855 = vector.broadcast %add3A_854 : i32 to vector<16xi32>
        %add3A_856 = arith.addi %and3A_840, %add3A_855 : vector<16xi32>
        %select_n3A_857 = arith.select %lt3A_853, %add3A_856, %and3A_840 : vector<16xi1>, vector<16xi32>
        %broadcast_in_dim3A_858 = vector.shape_cast %select_n3A_857 : vector<16xi32> to vector<16x1xi32>
        %gather3A_859 = vector.shape_cast %broadcast_in_dim3A_858 : vector<16x1xi32> to vector<16xi32>
        %gather3A_860 = tpu.dynamic_gather %get3A_293[%gather3A_859] in [0] : vector<16xf32>, vector<16xi32> -> vector<16xf32>
        %lt3A_861 = arith.constant 0 : i32
        %lt3A_862 = vector.broadcast %lt3A_861 : i32 to vector<16xi32>
        %lt3A_863 = arith.cmpi slt, %and3A_840, %lt3A_862 : vector<16xi32>
        %add3A_864 = arith.constant 16 : i32
        %add3A_865 = vector.broadcast %add3A_864 : i32 to vector<16xi32>
        %add3A_866 = arith.addi %and3A_840, %add3A_865 : vector<16xi32>
        %select_n3A_867 = arith.select %lt3A_863, %add3A_866, %and3A_840 : vector<16xi1>, vector<16xi32>
        %broadcast_in_dim3A_868 = vector.shape_cast %select_n3A_867 : vector<16xi32> to vector<16x1xi32>
        %gather3A_869 = vector.shape_cast %broadcast_in_dim3A_868 : vector<16x1xi32> to vector<16xi32>
        %gather3A_870 = tpu.dynamic_gather %get3A_295[%gather3A_869] in [0] : vector<16xi32>, vector<16xi32> -> vector<16xi32>
        %eq3A_871 = arith.cmpi eq, %gather3A_870, %get3A_259 : vector<16xi32>
        %sub3A_872 = arith.subf %gather3A_860, %get3A_257 : vector<16xf32>
        %abs3A_873 = math.absf %sub3A_872 : vector<16xf32>
        %ge3A_874 = arith.constant 5.000000e-02 : f32
        %ge3A_875 = vector.broadcast %ge3A_874 : f32 to vector<16xf32>
        %ge3A_876 = arith.cmpf oge, %abs3A_873, %ge3A_875 : vector<16xf32>
        %and3A_877 = arith.andi %eq3A_871, %ge3A_876 : vector<16xi1>
        %sub3A_878 = arith.subf %gather3A_850, %get3A_261 : vector<16xf32>
        %mul3A_879 = arith.mulf %sub3A_878, %sub3A_878 : vector<16xf32>
        %mul3A_880 = arith.mulf %select_n3A_288, %mul3A_879 : vector<16xf32>
        %jit3A_881 = arith.constant 0.000000e+00 : f32
        %broadcast_in_dim3A_882 = vector.broadcast %jit3A_881 : f32 to vector<16xf32>
        %select_n3A_883 = arith.select %and3A_877, %mul3A_880, %broadcast_in_dim3A_882 : vector<16xi1>, vector<16xf32>
        %jit3A_884 = arith.constant 0.000000e+00 : f32
        %broadcast_in_dim3A_885 = vector.broadcast %jit3A_884 : f32 to vector<16xf32>
        %select_n3A_886 = arith.select %and3A_877, %select_n3A_288, %broadcast_in_dim3A_885 : vector<16xi1>, vector<16xf32>
        %add3A_887 = arith.addf %add3A_779, %select_n3A_883 : vector<16xf32>
        %add3A_888 = arith.addf %add3A_780, %select_n3A_886 : vector<16xf32>
        %add3A_889 = arith.constant 11 : i32
        %add3A_890 = vector.broadcast %add3A_889 : i32 to vector<16xi32>
        %add3A_891 = arith.addi %iota3A, %add3A_890 : vector<16xi32>
        %and3A_892 = arith.constant 15 : i32
        %and3A_893 = vector.broadcast %and3A_892 : i32 to vector<16xi32>
        %and3A_894 = arith.andi %add3A_891, %and3A_893 : vector<16xi32>
        %lt3A_895 = arith.constant 0 : i32
        %lt3A_896 = vector.broadcast %lt3A_895 : i32 to vector<16xi32>
        %lt3A_897 = arith.cmpi slt, %and3A_894, %lt3A_896 : vector<16xi32>
        %add3A_898 = arith.constant 16 : i32
        %add3A_899 = vector.broadcast %add3A_898 : i32 to vector<16xi32>
        %add3A_900 = arith.addi %and3A_894, %add3A_899 : vector<16xi32>
        %select_n3A_901 = arith.select %lt3A_897, %add3A_900, %and3A_894 : vector<16xi1>, vector<16xi32>
        %broadcast_in_dim3A_902 = vector.shape_cast %select_n3A_901 : vector<16xi32> to vector<16x1xi32>
        %gather3A_903 = vector.shape_cast %broadcast_in_dim3A_902 : vector<16x1xi32> to vector<16xi32>
        %gather3A_904 = tpu.dynamic_gather %get3A_297[%gather3A_903] in [0] : vector<16xf32>, vector<16xi32> -> vector<16xf32>
        %lt3A_905 = arith.constant 0 : i32
        %lt3A_906 = vector.broadcast %lt3A_905 : i32 to vector<16xi32>
        %lt3A_907 = arith.cmpi slt, %and3A_894, %lt3A_906 : vector<16xi32>
        %add3A_908 = arith.constant 16 : i32
        %add3A_909 = vector.broadcast %add3A_908 : i32 to vector<16xi32>
        %add3A_910 = arith.addi %and3A_894, %add3A_909 : vector<16xi32>
        %select_n3A_911 = arith.select %lt3A_907, %add3A_910, %and3A_894 : vector<16xi1>, vector<16xi32>
        %broadcast_in_dim3A_912 = vector.shape_cast %select_n3A_911 : vector<16xi32> to vector<16x1xi32>
        %gather3A_913 = vector.shape_cast %broadcast_in_dim3A_912 : vector<16x1xi32> to vector<16xi32>
        %gather3A_914 = tpu.dynamic_gather %get3A_293[%gather3A_913] in [0] : vector<16xf32>, vector<16xi32> -> vector<16xf32>
        %lt3A_915 = arith.constant 0 : i32
        %lt3A_916 = vector.broadcast %lt3A_915 : i32 to vector<16xi32>
        %lt3A_917 = arith.cmpi slt, %and3A_894, %lt3A_916 : vector<16xi32>
        %add3A_918 = arith.constant 16 : i32
        %add3A_919 = vector.broadcast %add3A_918 : i32 to vector<16xi32>
        %add3A_920 = arith.addi %and3A_894, %add3A_919 : vector<16xi32>
        %select_n3A_921 = arith.select %lt3A_917, %add3A_920, %and3A_894 : vector<16xi1>, vector<16xi32>
        %broadcast_in_dim3A_922 = vector.shape_cast %select_n3A_921 : vector<16xi32> to vector<16x1xi32>
        %gather3A_923 = vector.shape_cast %broadcast_in_dim3A_922 : vector<16x1xi32> to vector<16xi32>
        %gather3A_924 = tpu.dynamic_gather %get3A_295[%gather3A_923] in [0] : vector<16xi32>, vector<16xi32> -> vector<16xi32>
        %eq3A_925 = arith.cmpi eq, %gather3A_924, %get3A_259 : vector<16xi32>
        %sub3A_926 = arith.subf %gather3A_914, %get3A_257 : vector<16xf32>
        %abs3A_927 = math.absf %sub3A_926 : vector<16xf32>
        %ge3A_928 = arith.constant 5.000000e-02 : f32
        %ge3A_929 = vector.broadcast %ge3A_928 : f32 to vector<16xf32>
        %ge3A_930 = arith.cmpf oge, %abs3A_927, %ge3A_929 : vector<16xf32>
        %and3A_931 = arith.andi %eq3A_925, %ge3A_930 : vector<16xi1>
        %sub3A_932 = arith.subf %gather3A_904, %get3A_261 : vector<16xf32>
        %mul3A_933 = arith.mulf %sub3A_932, %sub3A_932 : vector<16xf32>
        %mul3A_934 = arith.mulf %select_n3A_288, %mul3A_933 : vector<16xf32>
        %jit3A_935 = arith.constant 0.000000e+00 : f32
        %broadcast_in_dim3A_936 = vector.broadcast %jit3A_935 : f32 to vector<16xf32>
        %select_n3A_937 = arith.select %and3A_931, %mul3A_934, %broadcast_in_dim3A_936 : vector<16xi1>, vector<16xf32>
        %jit3A_938 = arith.constant 0.000000e+00 : f32
        %broadcast_in_dim3A_939 = vector.broadcast %jit3A_938 : f32 to vector<16xf32>
        %select_n3A_940 = arith.select %and3A_931, %select_n3A_288, %broadcast_in_dim3A_939 : vector<16xi1>, vector<16xf32>
        %add3A_941 = arith.addf %add3A_833, %select_n3A_937 : vector<16xf32>
        %add3A_942 = arith.addf %add3A_834, %select_n3A_940 : vector<16xf32>
        %add3A_943 = arith.constant 12 : i32
        %add3A_944 = vector.broadcast %add3A_943 : i32 to vector<16xi32>
        %add3A_945 = arith.addi %iota3A, %add3A_944 : vector<16xi32>
        %and3A_946 = arith.constant 15 : i32
        %and3A_947 = vector.broadcast %and3A_946 : i32 to vector<16xi32>
        %and3A_948 = arith.andi %add3A_945, %and3A_947 : vector<16xi32>
        %lt3A_949 = arith.constant 0 : i32
        %lt3A_950 = vector.broadcast %lt3A_949 : i32 to vector<16xi32>
        %lt3A_951 = arith.cmpi slt, %and3A_948, %lt3A_950 : vector<16xi32>
        %add3A_952 = arith.constant 16 : i32
        %add3A_953 = vector.broadcast %add3A_952 : i32 to vector<16xi32>
        %add3A_954 = arith.addi %and3A_948, %add3A_953 : vector<16xi32>
        %select_n3A_955 = arith.select %lt3A_951, %add3A_954, %and3A_948 : vector<16xi1>, vector<16xi32>
        %broadcast_in_dim3A_956 = vector.shape_cast %select_n3A_955 : vector<16xi32> to vector<16x1xi32>
        %gather3A_957 = vector.shape_cast %broadcast_in_dim3A_956 : vector<16x1xi32> to vector<16xi32>
        %gather3A_958 = tpu.dynamic_gather %get3A_297[%gather3A_957] in [0] : vector<16xf32>, vector<16xi32> -> vector<16xf32>
        %lt3A_959 = arith.constant 0 : i32
        %lt3A_960 = vector.broadcast %lt3A_959 : i32 to vector<16xi32>
        %lt3A_961 = arith.cmpi slt, %and3A_948, %lt3A_960 : vector<16xi32>
        %add3A_962 = arith.constant 16 : i32
        %add3A_963 = vector.broadcast %add3A_962 : i32 to vector<16xi32>
        %add3A_964 = arith.addi %and3A_948, %add3A_963 : vector<16xi32>
        %select_n3A_965 = arith.select %lt3A_961, %add3A_964, %and3A_948 : vector<16xi1>, vector<16xi32>
        %broadcast_in_dim3A_966 = vector.shape_cast %select_n3A_965 : vector<16xi32> to vector<16x1xi32>
        %gather3A_967 = vector.shape_cast %broadcast_in_dim3A_966 : vector<16x1xi32> to vector<16xi32>
        %gather3A_968 = tpu.dynamic_gather %get3A_293[%gather3A_967] in [0] : vector<16xf32>, vector<16xi32> -> vector<16xf32>
        %lt3A_969 = arith.constant 0 : i32
        %lt3A_970 = vector.broadcast %lt3A_969 : i32 to vector<16xi32>
        %lt3A_971 = arith.cmpi slt, %and3A_948, %lt3A_970 : vector<16xi32>
        %add3A_972 = arith.constant 16 : i32
        %add3A_973 = vector.broadcast %add3A_972 : i32 to vector<16xi32>
        %add3A_974 = arith.addi %and3A_948, %add3A_973 : vector<16xi32>
        %select_n3A_975 = arith.select %lt3A_971, %add3A_974, %and3A_948 : vector<16xi1>, vector<16xi32>
        %broadcast_in_dim3A_976 = vector.shape_cast %select_n3A_975 : vector<16xi32> to vector<16x1xi32>
        %gather3A_977 = vector.shape_cast %broadcast_in_dim3A_976 : vector<16x1xi32> to vector<16xi32>
        %gather3A_978 = tpu.dynamic_gather %get3A_295[%gather3A_977] in [0] : vector<16xi32>, vector<16xi32> -> vector<16xi32>
        %eq3A_979 = arith.cmpi eq, %gather3A_978, %get3A_259 : vector<16xi32>
        %sub3A_980 = arith.subf %gather3A_968, %get3A_257 : vector<16xf32>
        %abs3A_981 = math.absf %sub3A_980 : vector<16xf32>
        %ge3A_982 = arith.constant 5.000000e-02 : f32
        %ge3A_983 = vector.broadcast %ge3A_982 : f32 to vector<16xf32>
        %ge3A_984 = arith.cmpf oge, %abs3A_981, %ge3A_983 : vector<16xf32>
        %and3A_985 = arith.andi %eq3A_979, %ge3A_984 : vector<16xi1>
        %sub3A_986 = arith.subf %gather3A_958, %get3A_261 : vector<16xf32>
        %mul3A_987 = arith.mulf %sub3A_986, %sub3A_986 : vector<16xf32>
        %mul3A_988 = arith.mulf %select_n3A_288, %mul3A_987 : vector<16xf32>
        %jit3A_989 = arith.constant 0.000000e+00 : f32
        %broadcast_in_dim3A_990 = vector.broadcast %jit3A_989 : f32 to vector<16xf32>
        %select_n3A_991 = arith.select %and3A_985, %mul3A_988, %broadcast_in_dim3A_990 : vector<16xi1>, vector<16xf32>
        %jit3A_992 = arith.constant 0.000000e+00 : f32
        %broadcast_in_dim3A_993 = vector.broadcast %jit3A_992 : f32 to vector<16xf32>
        %select_n3A_994 = arith.select %and3A_985, %select_n3A_288, %broadcast_in_dim3A_993 : vector<16xi1>, vector<16xf32>
        %add3A_995 = arith.addf %add3A_887, %select_n3A_991 : vector<16xf32>
        %add3A_996 = arith.addf %add3A_888, %select_n3A_994 : vector<16xf32>
        %add3A_997 = arith.constant 13 : i32
        %add3A_998 = vector.broadcast %add3A_997 : i32 to vector<16xi32>
        %add3A_999 = arith.addi %iota3A, %add3A_998 : vector<16xi32>
        %and3A_1000 = arith.constant 15 : i32
        %and3A_1001 = vector.broadcast %and3A_1000 : i32 to vector<16xi32>
        %and3A_1002 = arith.andi %add3A_999, %and3A_1001 : vector<16xi32>
        %lt3A_1003 = arith.constant 0 : i32
        %lt3A_1004 = vector.broadcast %lt3A_1003 : i32 to vector<16xi32>
        %lt3A_1005 = arith.cmpi slt, %and3A_1002, %lt3A_1004 : vector<16xi32>
        %add3A_1006 = arith.constant 16 : i32
        %add3A_1007 = vector.broadcast %add3A_1006 : i32 to vector<16xi32>
        %add3A_1008 = arith.addi %and3A_1002, %add3A_1007 : vector<16xi32>
        %select_n3A_1009 = arith.select %lt3A_1005, %add3A_1008, %and3A_1002 : vector<16xi1>, vector<16xi32>
        %broadcast_in_dim3A_1010 = vector.shape_cast %select_n3A_1009 : vector<16xi32> to vector<16x1xi32>
        %gather3A_1011 = vector.shape_cast %broadcast_in_dim3A_1010 : vector<16x1xi32> to vector<16xi32>
        %gather3A_1012 = tpu.dynamic_gather %get3A_297[%gather3A_1011] in [0] : vector<16xf32>, vector<16xi32> -> vector<16xf32>
        %lt3A_1013 = arith.constant 0 : i32
        %lt3A_1014 = vector.broadcast %lt3A_1013 : i32 to vector<16xi32>
        %lt3A_1015 = arith.cmpi slt, %and3A_1002, %lt3A_1014 : vector<16xi32>
        %add3A_1016 = arith.constant 16 : i32
        %add3A_1017 = vector.broadcast %add3A_1016 : i32 to vector<16xi32>
        %add3A_1018 = arith.addi %and3A_1002, %add3A_1017 : vector<16xi32>
        %select_n3A_1019 = arith.select %lt3A_1015, %add3A_1018, %and3A_1002 : vector<16xi1>, vector<16xi32>
        %broadcast_in_dim3A_1020 = vector.shape_cast %select_n3A_1019 : vector<16xi32> to vector<16x1xi32>
        %gather3A_1021 = vector.shape_cast %broadcast_in_dim3A_1020 : vector<16x1xi32> to vector<16xi32>
        %gather3A_1022 = tpu.dynamic_gather %get3A_293[%gather3A_1021] in [0] : vector<16xf32>, vector<16xi32> -> vector<16xf32>
        %lt3A_1023 = arith.constant 0 : i32
        %lt3A_1024 = vector.broadcast %lt3A_1023 : i32 to vector<16xi32>
        %lt3A_1025 = arith.cmpi slt, %and3A_1002, %lt3A_1024 : vector<16xi32>
        %add3A_1026 = arith.constant 16 : i32
        %add3A_1027 = vector.broadcast %add3A_1026 : i32 to vector<16xi32>
        %add3A_1028 = arith.addi %and3A_1002, %add3A_1027 : vector<16xi32>
        %select_n3A_1029 = arith.select %lt3A_1025, %add3A_1028, %and3A_1002 : vector<16xi1>, vector<16xi32>
        %broadcast_in_dim3A_1030 = vector.shape_cast %select_n3A_1029 : vector<16xi32> to vector<16x1xi32>
        %gather3A_1031 = vector.shape_cast %broadcast_in_dim3A_1030 : vector<16x1xi32> to vector<16xi32>
        %gather3A_1032 = tpu.dynamic_gather %get3A_295[%gather3A_1031] in [0] : vector<16xi32>, vector<16xi32> -> vector<16xi32>
        %eq3A_1033 = arith.cmpi eq, %gather3A_1032, %get3A_259 : vector<16xi32>
        %sub3A_1034 = arith.subf %gather3A_1022, %get3A_257 : vector<16xf32>
        %abs3A_1035 = math.absf %sub3A_1034 : vector<16xf32>
        %ge3A_1036 = arith.constant 5.000000e-02 : f32
        %ge3A_1037 = vector.broadcast %ge3A_1036 : f32 to vector<16xf32>
        %ge3A_1038 = arith.cmpf oge, %abs3A_1035, %ge3A_1037 : vector<16xf32>
        %and3A_1039 = arith.andi %eq3A_1033, %ge3A_1038 : vector<16xi1>
        %sub3A_1040 = arith.subf %gather3A_1012, %get3A_261 : vector<16xf32>
        %mul3A_1041 = arith.mulf %sub3A_1040, %sub3A_1040 : vector<16xf32>
        %mul3A_1042 = arith.mulf %select_n3A_288, %mul3A_1041 : vector<16xf32>
        %jit3A_1043 = arith.constant 0.000000e+00 : f32
        %broadcast_in_dim3A_1044 = vector.broadcast %jit3A_1043 : f32 to vector<16xf32>
        %select_n3A_1045 = arith.select %and3A_1039, %mul3A_1042, %broadcast_in_dim3A_1044 : vector<16xi1>, vector<16xf32>
        %jit3A_1046 = arith.constant 0.000000e+00 : f32
        %broadcast_in_dim3A_1047 = vector.broadcast %jit3A_1046 : f32 to vector<16xf32>
        %select_n3A_1048 = arith.select %and3A_1039, %select_n3A_288, %broadcast_in_dim3A_1047 : vector<16xi1>, vector<16xf32>
        %add3A_1049 = arith.addf %add3A_941, %select_n3A_1045 : vector<16xf32>
        %add3A_1050 = arith.addf %add3A_942, %select_n3A_1048 : vector<16xf32>
        %add3A_1051 = arith.constant 14 : i32
        %add3A_1052 = vector.broadcast %add3A_1051 : i32 to vector<16xi32>
        %add3A_1053 = arith.addi %iota3A, %add3A_1052 : vector<16xi32>
        %and3A_1054 = arith.constant 15 : i32
        %and3A_1055 = vector.broadcast %and3A_1054 : i32 to vector<16xi32>
        %and3A_1056 = arith.andi %add3A_1053, %and3A_1055 : vector<16xi32>
        %lt3A_1057 = arith.constant 0 : i32
        %lt3A_1058 = vector.broadcast %lt3A_1057 : i32 to vector<16xi32>
        %lt3A_1059 = arith.cmpi slt, %and3A_1056, %lt3A_1058 : vector<16xi32>
        %add3A_1060 = arith.constant 16 : i32
        %add3A_1061 = vector.broadcast %add3A_1060 : i32 to vector<16xi32>
        %add3A_1062 = arith.addi %and3A_1056, %add3A_1061 : vector<16xi32>
        %select_n3A_1063 = arith.select %lt3A_1059, %add3A_1062, %and3A_1056 : vector<16xi1>, vector<16xi32>
        %broadcast_in_dim3A_1064 = vector.shape_cast %select_n3A_1063 : vector<16xi32> to vector<16x1xi32>
        %gather3A_1065 = vector.shape_cast %broadcast_in_dim3A_1064 : vector<16x1xi32> to vector<16xi32>
        %gather3A_1066 = tpu.dynamic_gather %get3A_297[%gather3A_1065] in [0] : vector<16xf32>, vector<16xi32> -> vector<16xf32>
        %lt3A_1067 = arith.constant 0 : i32
        %lt3A_1068 = vector.broadcast %lt3A_1067 : i32 to vector<16xi32>
        %lt3A_1069 = arith.cmpi slt, %and3A_1056, %lt3A_1068 : vector<16xi32>
        %add3A_1070 = arith.constant 16 : i32
        %add3A_1071 = vector.broadcast %add3A_1070 : i32 to vector<16xi32>
        %add3A_1072 = arith.addi %and3A_1056, %add3A_1071 : vector<16xi32>
        %select_n3A_1073 = arith.select %lt3A_1069, %add3A_1072, %and3A_1056 : vector<16xi1>, vector<16xi32>
        %broadcast_in_dim3A_1074 = vector.shape_cast %select_n3A_1073 : vector<16xi32> to vector<16x1xi32>
        %gather3A_1075 = vector.shape_cast %broadcast_in_dim3A_1074 : vector<16x1xi32> to vector<16xi32>
        %gather3A_1076 = tpu.dynamic_gather %get3A_293[%gather3A_1075] in [0] : vector<16xf32>, vector<16xi32> -> vector<16xf32>
        %lt3A_1077 = arith.constant 0 : i32
        %lt3A_1078 = vector.broadcast %lt3A_1077 : i32 to vector<16xi32>
        %lt3A_1079 = arith.cmpi slt, %and3A_1056, %lt3A_1078 : vector<16xi32>
        %add3A_1080 = arith.constant 16 : i32
        %add3A_1081 = vector.broadcast %add3A_1080 : i32 to vector<16xi32>
        %add3A_1082 = arith.addi %and3A_1056, %add3A_1081 : vector<16xi32>
        %select_n3A_1083 = arith.select %lt3A_1079, %add3A_1082, %and3A_1056 : vector<16xi1>, vector<16xi32>
        %broadcast_in_dim3A_1084 = vector.shape_cast %select_n3A_1083 : vector<16xi32> to vector<16x1xi32>
        %gather3A_1085 = vector.shape_cast %broadcast_in_dim3A_1084 : vector<16x1xi32> to vector<16xi32>
        %gather3A_1086 = tpu.dynamic_gather %get3A_295[%gather3A_1085] in [0] : vector<16xi32>, vector<16xi32> -> vector<16xi32>
        %eq3A_1087 = arith.cmpi eq, %gather3A_1086, %get3A_259 : vector<16xi32>
        %sub3A_1088 = arith.subf %gather3A_1076, %get3A_257 : vector<16xf32>
        %abs3A_1089 = math.absf %sub3A_1088 : vector<16xf32>
        %ge3A_1090 = arith.constant 5.000000e-02 : f32
        %ge3A_1091 = vector.broadcast %ge3A_1090 : f32 to vector<16xf32>
        %ge3A_1092 = arith.cmpf oge, %abs3A_1089, %ge3A_1091 : vector<16xf32>
        %and3A_1093 = arith.andi %eq3A_1087, %ge3A_1092 : vector<16xi1>
        %sub3A_1094 = arith.subf %gather3A_1066, %get3A_261 : vector<16xf32>
        %mul3A_1095 = arith.mulf %sub3A_1094, %sub3A_1094 : vector<16xf32>
        %mul3A_1096 = arith.mulf %select_n3A_288, %mul3A_1095 : vector<16xf32>
        %jit3A_1097 = arith.constant 0.000000e+00 : f32
        %broadcast_in_dim3A_1098 = vector.broadcast %jit3A_1097 : f32 to vector<16xf32>
        %select_n3A_1099 = arith.select %and3A_1093, %mul3A_1096, %broadcast_in_dim3A_1098 : vector<16xi1>, vector<16xf32>
        %jit3A_1100 = arith.constant 0.000000e+00 : f32
        %broadcast_in_dim3A_1101 = vector.broadcast %jit3A_1100 : f32 to vector<16xf32>
        %select_n3A_1102 = arith.select %and3A_1093, %select_n3A_288, %broadcast_in_dim3A_1101 : vector<16xi1>, vector<16xf32>
        %add3A_1103 = arith.addf %add3A_995, %select_n3A_1099 : vector<16xf32>
        %add3A_1104 = arith.addf %add3A_996, %select_n3A_1102 : vector<16xf32>
        %add3A_1105 = arith.constant 15 : i32
        %add3A_1106 = vector.broadcast %add3A_1105 : i32 to vector<16xi32>
        %add3A_1107 = arith.addi %iota3A, %add3A_1106 : vector<16xi32>
        %and3A_1108 = arith.constant 15 : i32
        %and3A_1109 = vector.broadcast %and3A_1108 : i32 to vector<16xi32>
        %and3A_1110 = arith.andi %add3A_1107, %and3A_1109 : vector<16xi32>
        %lt3A_1111 = arith.constant 0 : i32
        %lt3A_1112 = vector.broadcast %lt3A_1111 : i32 to vector<16xi32>
        %lt3A_1113 = arith.cmpi slt, %and3A_1110, %lt3A_1112 : vector<16xi32>
        %add3A_1114 = arith.constant 16 : i32
        %add3A_1115 = vector.broadcast %add3A_1114 : i32 to vector<16xi32>
        %add3A_1116 = arith.addi %and3A_1110, %add3A_1115 : vector<16xi32>
        %select_n3A_1117 = arith.select %lt3A_1113, %add3A_1116, %and3A_1110 : vector<16xi1>, vector<16xi32>
        %broadcast_in_dim3A_1118 = vector.shape_cast %select_n3A_1117 : vector<16xi32> to vector<16x1xi32>
        %gather3A_1119 = vector.shape_cast %broadcast_in_dim3A_1118 : vector<16x1xi32> to vector<16xi32>
        %gather3A_1120 = tpu.dynamic_gather %get3A_297[%gather3A_1119] in [0] : vector<16xf32>, vector<16xi32> -> vector<16xf32>
        %lt3A_1121 = arith.constant 0 : i32
        %lt3A_1122 = vector.broadcast %lt3A_1121 : i32 to vector<16xi32>
        %lt3A_1123 = arith.cmpi slt, %and3A_1110, %lt3A_1122 : vector<16xi32>
        %add3A_1124 = arith.constant 16 : i32
        %add3A_1125 = vector.broadcast %add3A_1124 : i32 to vector<16xi32>
        %add3A_1126 = arith.addi %and3A_1110, %add3A_1125 : vector<16xi32>
        %select_n3A_1127 = arith.select %lt3A_1123, %add3A_1126, %and3A_1110 : vector<16xi1>, vector<16xi32>
        %broadcast_in_dim3A_1128 = vector.shape_cast %select_n3A_1127 : vector<16xi32> to vector<16x1xi32>
        %gather3A_1129 = vector.shape_cast %broadcast_in_dim3A_1128 : vector<16x1xi32> to vector<16xi32>
        %gather3A_1130 = tpu.dynamic_gather %get3A_293[%gather3A_1129] in [0] : vector<16xf32>, vector<16xi32> -> vector<16xf32>
        %lt3A_1131 = arith.constant 0 : i32
        %lt3A_1132 = vector.broadcast %lt3A_1131 : i32 to vector<16xi32>
        %lt3A_1133 = arith.cmpi slt, %and3A_1110, %lt3A_1132 : vector<16xi32>
        %add3A_1134 = arith.constant 16 : i32
        %add3A_1135 = vector.broadcast %add3A_1134 : i32 to vector<16xi32>
        %add3A_1136 = arith.addi %and3A_1110, %add3A_1135 : vector<16xi32>
        %select_n3A_1137 = arith.select %lt3A_1133, %add3A_1136, %and3A_1110 : vector<16xi1>, vector<16xi32>
        %broadcast_in_dim3A_1138 = vector.shape_cast %select_n3A_1137 : vector<16xi32> to vector<16x1xi32>
        %gather3A_1139 = vector.shape_cast %broadcast_in_dim3A_1138 : vector<16x1xi32> to vector<16xi32>
        %gather3A_1140 = tpu.dynamic_gather %get3A_295[%gather3A_1139] in [0] : vector<16xi32>, vector<16xi32> -> vector<16xi32>
        %eq3A_1141 = arith.cmpi eq, %gather3A_1140, %get3A_259 : vector<16xi32>
        %sub3A_1142 = arith.subf %gather3A_1130, %get3A_257 : vector<16xf32>
        %abs3A_1143 = math.absf %sub3A_1142 : vector<16xf32>
        %ge3A_1144 = arith.constant 5.000000e-02 : f32
        %ge3A_1145 = vector.broadcast %ge3A_1144 : f32 to vector<16xf32>
        %ge3A_1146 = arith.cmpf oge, %abs3A_1143, %ge3A_1145 : vector<16xf32>
        %and3A_1147 = arith.andi %eq3A_1141, %ge3A_1146 : vector<16xi1>
        %sub3A_1148 = arith.subf %gather3A_1120, %get3A_261 : vector<16xf32>
        %mul3A_1149 = arith.mulf %sub3A_1148, %sub3A_1148 : vector<16xf32>
        %mul3A_1150 = arith.mulf %select_n3A_288, %mul3A_1149 : vector<16xf32>
        %jit3A_1151 = arith.constant 0.000000e+00 : f32
        %broadcast_in_dim3A_1152 = vector.broadcast %jit3A_1151 : f32 to vector<16xf32>
        %select_n3A_1153 = arith.select %and3A_1147, %mul3A_1150, %broadcast_in_dim3A_1152 : vector<16xi1>, vector<16xf32>
        %jit3A_1154 = arith.constant 0.000000e+00 : f32
        %broadcast_in_dim3A_1155 = vector.broadcast %jit3A_1154 : f32 to vector<16xf32>
        %select_n3A_1156 = arith.select %and3A_1147, %select_n3A_288, %broadcast_in_dim3A_1155 : vector<16xi1>, vector<16xf32>
        %add3A_1157 = arith.addf %add3A_1049, %select_n3A_1153 : vector<16xf32>
        %add3A_1158 = arith.addf %add3A_1050, %select_n3A_1156 : vector<16xf32>
        scf.yield %add3A_1103, %add3A_1157, %add3A_1104, %add3A_1158 : vector<16xf32>, vector<16xf32>, vector<16xf32>, vector<16xf32>
      }
      scf.yield %while3A_276#0, %while3A_276#1, %while3A_276#2, %while3A_276#3 : vector<16xf32>, vector<16xf32>, vector<16xf32>, vector<16xf32>
    }
    %scan3A_241 = arith.constant 8 : i32
    %swap3A_242 = arith.constant 0 : index
    %swap3A_243 = tpu.vector_load %arg13[%swap3A_242] {strides = array<i32>} : memref<48xf32, #tpu.memory_space<vmem>>, vector<16xf32>,
    tpu.vector_store %arg13[%swap3A_242], %while3A_236 {strides = array<i32>} : memref<48xf32, #tpu.memory_space<vmem>>, vector<16xf32>,
    %add3A_244 = arith.addf %scan3A_240#0, %scan3A_240#1 : vector<16xf32>
    %swap3A_245 = arith.constant 16 : index
    %swap3A_246 = tpu.vector_load %arg13[%swap3A_245] {strides = array<i32>} : memref<48xf32, #tpu.memory_space<vmem>>, vector<16xf32>,
    tpu.vector_store %arg13[%swap3A_245], %add3A_244 {strides = array<i32>} : memref<48xf32, #tpu.memory_space<vmem>>, vector<16xf32>,
    %add3A_247 = arith.addf %scan3A_240#2, %scan3A_240#3 : vector<16xf32>
    %swap3A_248 = arith.constant 32 : index
    %swap3A_249 = tpu.vector_load %arg13[%swap3A_248] {strides = array<i32>} : memref<48xf32, #tpu.memory_space<vmem>>, vector<16xf32>,
    tpu.vector_store %arg13[%swap3A_248], %add3A_247 {strides = array<i32>} : memref<48xf32, #tpu.memory_space<vmem>>, vector<16xf32>,
    "tpu.region"() ({
      %run_scoped3A = tpu.sem_alloc : memref<!tpu.dma_semaphore, #tpu.memory_space<semaphore_mem>>
      %dma_start3A_250 = arith.constant 0 : i32
      %dma_start3A_251 = tpu.memref_slice %arg6[%add3A, %dma_start3A_250] : memref<32x48xf32, #tpu.memory_space<hbm>> -> memref<1x48xf32, #tpu.memory_space<hbm>>
      %dma_start3A_252 = tpu.memref_squeeze %dma_start3A_251 : memref<1x48xf32, #tpu.memory_space<hbm>> -> memref<48xf32, #tpu.memory_space<hbm>>
      %dma_start3A_253 = arith.constant 0 : i32
      %dma_start3A_254 = tpu.memref_slice %arg6[%add3A, %dma_start3A_253] : memref<32x48xf32, #tpu.memory_space<hbm>> -> memref<1x48xf32, #tpu.memory_space<hbm>>
      %dma_start3A_255 = tpu.memref_squeeze %dma_start3A_254 : memref<1x48xf32, #tpu.memory_space<hbm>> -> memref<48xf32, #tpu.memory_space<hbm>>
      tpu.enqueue_dma source(%arg13 : memref<48xf32, #tpu.memory_space<vmem>>) target(%dma_start3A_255 : memref<48xf32, #tpu.memory_space<hbm>>) target_semaphore(%run_scoped3A : memref<!tpu.dma_semaphore, #tpu.memory_space<semaphore_mem>>)
      %dma_wait3A_256 = arith.constant 0 : i32
      %dma_wait3A_257 = tpu.memref_slice %arg6[%add3A, %dma_wait3A_256] : memref<32x48xf32, #tpu.memory_space<hbm>> -> memref<1x48xf32, #tpu.memory_space<hbm>>
      %dma_wait3A_258 = tpu.memref_squeeze %dma_wait3A_257 : memref<1x48xf32, #tpu.memory_space<hbm>> -> memref<48xf32, #tpu.memory_space<hbm>>
      %dma_wait3A_259 = arith.constant 0 : i32
      %dma_wait3A_260 = tpu.memref_slice %arg6[%add3A, %dma_wait3A_259] : memref<32x48xf32, #tpu.memory_space<hbm>> -> memref<1x48xf32, #tpu.memory_space<hbm>>
      %dma_wait3A_261 = tpu.memref_squeeze %dma_wait3A_260 : memref<1x48xf32, #tpu.memory_space<hbm>> -> memref<48xf32, #tpu.memory_space<hbm>>
      tpu.wait_dma2 semaphore(%run_scoped3A : memref<!tpu.dma_semaphore, #tpu.memory_space<semaphore_mem>>) src(%arg13 : memref<48xf32, #tpu.memory_space<vmem>>) dst(%dma_wait3A_261 : memref<48xf32, #tpu.memory_space<hbm>>)
      tpu.yield
    }) : () -> ()
    return
  }
}

</mosaic_0001>

<sc_bundles>
// kernel: kernel.3.cloned.1.call-start
scs
__scs_entry_jumppad:
0x0: {  	(pc) =	sbr.rel $0x88, $3  }
0x1: {  	(tag) =	ssettag $0x0;
	lr =	simm.s32 $0x1  }
0x2: {  	[smem:$0x3F9D] =	sst lr;
	_ =	strace $0xD0000000  }
0x3: {  	_ = 	snop  }
0x4: {  	_ = 	snop  }
0x5: {  	_ = 	snop  }
0x6: {  	_ = 	snop  }
0x7: {  	_ = 	snop  }
__scs_overlays_trampoline_lowered:
0x8: {  	[smem:$0x3FAC] =	sst s0  }
0x9: {  	[smem:$0x3FAD] =	sst s1  }
0xa: {  	[smem:$0x3FAE] =	sst s2  }
0xb: {  	[smem:$0x3FAF] =	sst s3  }
0xc: {  	[smem:$0x3FB0] =	sst s4  }
0xd: {  	[smem:$0x3FB1] =	sst s5  }
0xe: {  	[smem:$0x3FB2] =	sst s6  }
0xf: {  	[smem:$0x3FB3] =	sst s7  }
0x10: {  	[smem:$0x3FB4] =	sst s8  }
0x11: {  	[smem:$0x3FB5] =	sst s9;
	s0 =	simm.s32 @!p0 $0x0  }
0x12: {  	s1 =	sld [smem:$0x3F9B];
	s0 =	simm.s32 @p0 $0x1  }
0x13: {  	[smem:$0x3FB6] =	sst s0;
	s0 =	simm.s32 @!p1 $0x0  }
0x14: {  	s2 =	sld [smem:$0x3F9A];
	s0 =	simm.s32 @p1 $0x1  }
0x15: {  	[smem:$0x3FB7] =	sst s0;
	s0 =	simm.s32 @!p2 $0x0  }
0x16: {  	s3 =	sld [smem:$0x3FDB];
	s0 =	simm.s32 @p2 $0x1  }
0x17: {  	s4 =	simm.s32 $0x1BF5;
	[smem:$0x3FB9] =	sst s0  }
0x18: {  	s0 =	sld [smem:$0x3F9C];
	_ =	swait.ge [sflag:s4], $0x0  }
0x19: {  	s7 =	sld [smem:$0x3F9D]  }
0x1a: {  	s8 =	sadd.s32 $0xFFFFE003, lr  }
0x1b: {  	s9 =	sadd.s32 $0xFFFFFEF7, lr;
	s5 =	simm.s32 $0xFFFFFFFF;
	p2 =	slt.u32 s8, $0xFFFFF086  }
0x1c: {  	p1 =	slt.u32 s9, $0xF7A;
	s5 =	simm.s32 @!p2 $0x0  }
0x1d: {  	s5 =	simm.s32 @p1 $0x1;
	p0 =	seq.s32 s7, s2  }
0x1e: {  	s7 =	smul.u32 @!p0 $0xF7A, s2;
	p2 =	seq.s32 @!p0 s5, $0x0  }
0x1f: {  	s9 =	smul.u32 $0xF7A, s1;
	s8 =	simm.s32 @!p0 $0x1BF5;
	p2 =	por !p2, p0  }
0x20: {  	[sflag:s8] =	ssyncset.s32 @!p0 $0xFFFFF086;
	s6 =	sadd.s32 @!p0 s3, s7;
	s7 =	simm.s32 @!p0 $0x108  }
0x21: {  	s3 =	sadd.s32 s3, s9;
	s6 =	sadd.s32 @!p0 $0x88, s6;
	s7 =	simm.s32 @p2 $0x1082  }
0x22: {  	[simem:s7], [sflag:s8] =	dma.local @!p0 [hbm:s6], $0xF7A  }
0x23: {  	s9 =	sor.u32 $0xD0000000, s2;
	s6 =	simm.s32 $0x108;
	_ =	swait.ge @!p0 [sflag:s8], $0x0  }
0x24: {  	s3 =	sadd.s32 $0x88, s3;
	s6 =	simm.s32 @!p1 $0x1082;
	[sflag:s4] =	ssyncset.s32 $0xFFFFF086  }
0x25: {  	[simem:s6], [sflag:s4] =	dma.local [hbm:s3], $0xF7A  }
0x26: {  	[smem:$0x3F9D] =	sst s1;
	(tag) =	ssettag s2;
	_ =	strace s9  }
0x27: {  	s1 =	sld [smem:$0x3FAD]  }
0x28: {  	s2 =	sld [smem:$0x3FAE]  }
0x29: {  	s4 =	sld [smem:$0x3FB0]  }
0x2a: {  	p0 =	seq.s32 s5, $0x0;
	s5 =	sld [smem:$0x3FB1]  }
0x2b: {  	s6 =	sld [smem:$0x3FB2]  }
0x2c: {  	s7 =	sld [smem:$0x3FB3]  }
0x2d: {  	s3 =	simm.s32 $0x108;
	s8 =	sld [smem:$0x3FB4]  }
0x2e: {  	s3 =	simm.s32 @!p0 $0x1082;
	s9 =	sld [smem:$0x3FB5]  }
0x2f: {  	lr =	sadd.s32 s0, s3;
	s0 =	sld [smem:$0x3FAC]  }
0x30: {  	s3 =	sld [smem:$0x3FAF]  }
0x31: {  	[smem:$0x3FB8] =	sst s10  }
0x32: {  	s10 =	sld [smem:$0x3FB6];
	_ =	sdelay $0x3  }
0x33: {  	p0 =	seq.s32 s10, $0x1;
	s10 =	sld [smem:$0x3FB8];
	_ =	sdelay $0x3  }
0x34: {  	[smem:$0x3FB8] =	sst s10  }
0x35: {  	s10 =	sld [smem:$0x3FB7];
	_ =	sdelay $0x3  }
0x36: {  	p1 =	seq.s32 s10, $0x1;
	s10 =	sld [smem:$0x3FB8];
	_ =	sdelay $0x3  }
0x37: {  	[smem:$0x3FB8] =	sst s10  }
0x38: {  	s10 =	sld [smem:$0x3FB9]  }
0x39: {  	_ = 	snop;
	(pc) =	sbr.ind lr, $3  }
0x3a: {  	_ = 	snop  }
0x3b: {  	_ = 	snop  }
0x3c: {  	p2 =	seq.s32 s10, $0x1;
	s10 =	sld [smem:$0x3FB8]  }
0x3d: {  	_ =	shalt  }
0x3e: {  	_ =	shalt  }
0x3f: {  	_ =	shalt  }
0x40: {  	_ =	shalt  }
0x41: {  	_ =	shalt  }
0x42: {  	_ =	shalt  }
0x43: {  	_ =	shalt  }
0x44: {  	_ =	shalt  }
0x45: {  	_ =	shalt  }
0x46: {  	_ =	shalt  }
0x47: {  	_ =	shalt  }
0x48: {  	_ =	shalt  }
0x49: {  	_ =	shalt  }
0x4a: {  	_ =	shalt  }
0x4b: {  	_ =	shalt  }
0x4c: {  	_ =	shalt  }
0x4d: {  	_ =	shalt  }
0x4e: {  	_ =	shalt  }
0x4f: {  	_ =	shalt  }
0x50: {  	_ =	shalt  }
0x51: {  	_ =	shalt  }
0x52: {  	_ =	shalt  }
0x53: {  	_ =	shalt  }
0x54: {  	_ =	shalt  }
0x55: {  	_ =	shalt  }
0x56: {  	_ =	shalt  }
0x57: {  	_ =	shalt  }
0x58: {  	_ =	shalt  }
0x59: {  	_ =	shalt  }
0x5a: {  	_ =	shalt  }
0x5b: {  	_ =	shalt  }
0x5c: {  	_ =	shalt  }
0x5d: {  	_ =	shalt  }
0x5e: {  	_ =	shalt  }
0x5f: {  	_ =	shalt  }
0x60: {  	_ =	shalt  }
0x61: {  	_ =	shalt  }
0x62: {  	_ =	shalt  }
0x63: {  	_ =	shalt  }
0x64: {  	_ =	shalt  }
0x65: {  	_ =	shalt  }
0x66: {  	_ =	shalt  }
0x67: {  	_ =	shalt  }
0x68: {  	_ =	shalt  }
0x69: {  	_ =	shalt  }
0x6a: {  	_ =	shalt  }
0x6b: {  	_ =	shalt  }
0x6c: {  	_ =	shalt  }
0x6d: {  	_ =	shalt  }
0x6e: {  	_ =	shalt  }
0x6f: {  	_ =	shalt  }
0x70: {  	_ =	shalt  }
0x71: {  	_ =	shalt  }
0x72: {  	_ =	shalt  }
0x73: {  	_ =	shalt  }
0x74: {  	_ =	shalt  }
0x75: {  	_ =	shalt  }
0x76: {  	_ =	shalt  }
0x77: {  	_ =	shalt  }
0x78: {  	_ =	shalt  }
0x79: {  	_ =	shalt  }
0x7a: {  	_ =	shalt  }
0x7b: {  	_ =	shalt  }
0x7c: {  	_ =	shalt  }
0x7d: {  	_ =	shalt  }
0x7e: {  	_ =	shalt  }
0x7f: {  	_ =	shalt  }
0x80: {  	_ =	shalt  }
0x81: {  	_ =	shalt  }
0x82: {  	_ =	shalt  }
0x83: {  	_ =	shalt  }
0x84: {  	_ =	shalt  }
0x85: {  	_ =	shalt  }
0x86: {  	_ =	shalt  }
0x87: {  	_ =	shalt  }
.Lfunc_end0:
.L_simem_size_0:
called_computation_lowered:
.L_overlay_start_0:
0x88: {  	s2 =	sld [smem:$0x3FD9]  }
0x89: {  	s3 =	sld [smem:$0x3FFE];
	_ =	sdelay $0x1  }
0x8a: {  	s1 =	srdreg.scid  }
0x8b: {  	s0 =	sand.u32 $0x1, s1  }
0x8c: {  	s17 =	sshll.u32 s0, $0xA;
	s2 =	sadd.s32 s3, s2  }
0x8d: {  	s2 =	sadd.s32 s2, s17  }
0x8e: {  	[smem:$0x3FC4] =	sst s2  }
0x8f: {  	_ = 	snop  }
0x90: {  	s2 =	sld [smem:$0x3FC9]  }
0x91: {  	s18 =	sld [smem:$0x3FC8]  }
0x92: {  	s4 =	sld [smem:$0x3FC7];
	(tm) =	ssettm $0x1  }
0x93: {  	s5 =	sld [smem:$0x3FFB];
	_ =	sdelay $0x3  }
0x94: {  	_ =	strace s5  }
0x95: {  	s5 =	sld [smem:$0x3FFC];
	_ =	sdelay $0x3  }
0x96: {  	_ =	strace s5  }
0x97: {  	s5 =	sld [smem:$0x3FFD];
	_ =	sdelay $0x3  }
0x98: {  	_ =	strace s5  }
0x99: {  	_ =	strace $0x8FFFFFFF  }
0x9a: {  	s19 =	sld [smem:$0x3FDB];
	_ =	sdelay $0x1  }
0x9b: {  	s6 =	simm.s32 $_scs_section_size  }
0x9c: {  	s7 =	simm.s32 $_size__tile_overlayer_lowered;
	s8 =	simm.s32 $_tile_overlayer_lowered  }
0x9d: {  	s22 =	simm.s32 $0x1BFF;
	s21 =	sshll.u32 s8, $0x1;
	s5 =	sadd.s32 s6, s19  }
0x9e: {  	s9 =	simm.s32 $0x0;
	s20 =	sshll.u32 s7, $0x1;
	s7 =	sadd.s32 s21, s5  }
0x9f: {  	[timem:s9], [sflag:s22] =	dma.local [hbm:s7], s20  }
0xa0: {  	_ =	swait.ge [sflag:s22], s20  }
0xa1: {  	s6 =	ssub.s32 $0x0, s20;
	[sflag:s22] =	ssyncset.done $0x0  }
0xa2: {  	[sflag:s22] =	ssyncadd.s32 s6;
	_ =	sdelay $0x1  }
0xa3: {  	s23 =	simm.s32 $0x1B8B  }
0xa4: {  	_ =	swait.ge [sflag:s23], $0x1  }
0xa5: {  	[sflag:s23] =	ssyncset.done $0x0  }
0xa6: {  	s25 =	simm.s32 $0x1B8E;
	s24 =	sld [smem:$0x3FFE];
	[sflag:s23] =	ssyncadd.s32 $0xFFFFFFFF  }
0xa7: {  	s26 =	simm.s32 $execute0_lowered;
	[smem:$0x3FD2] =	sst s25  }
0xa8: {  	s7 =	sshll.u32 s26, $0x1;
	_ =	strace $0x80000046;
	[dreg:$0x1] =	wrdreg $0xFFFFFFFF  }
0xa9: {  	s28 =	simm.s32 $_size_execute0_lowered;
	s5 =	sadd.s32 s5, s7;
	[dreg:$0x0] =	wrdreg $0x0  }
0xaa: {  	s7 =	sshll.u32 s28, $0x1;
	[dreg:$0x2] =	wrdreg s5  }
0xab: {  	[dreg:$0x3] =	wrdreg s7  }
0xac: {  	[dreg:$0x4] =	wrdreg $0xC0  }
0xad: {  	_ =	task [dreg:s9], $0x5FFFF  }
0xae: {  	[dreg:$0x1] =	wrdreg $0xFFFFFFFF  }
0xaf: {  	[dreg:$0x0] =	wrdreg $0x60  }
0xb0: {  	[dreg:$0x2] =	wrdreg s2  }
0xb1: {  	[dreg:$0x3] =	wrdreg s18  }
0xb2: {  	[dreg:$0x4] =	wrdreg s4  }
0xb3: {  	[dreg:$0x5] =	wrdreg s24  }
0xb4: {  	[dreg:$0x6] =	wrdreg $0x9  }
0xb5: {  	_ =	task.clear_ibuf [dreg:s9], $0x7FFFF;
	_ =	strace $0x90000046  }
0xb6: {  	s29 =	simm.s32 $0x9;
	_ =	strace $0x80000048  }
0xb7: {  	_ =	swait.ge [sflag:s29], $0x1  }
0xb8: {  	[sflag:s29] =	ssyncadd.s32 $0xFFFFFFFF  }
0xb9: {  	_ =	strace $0x90000048  }
0xba: {  	_ =	sfence  }
0xbb: {  	s30 =	sld [smem:$0x0];
	_ =	sdelay $0x2  }
0xbc: {  	s31 =	sshll.u32 s1, $0xD;
	s1 =	sshrl.u32 s1, $0x2  }
0xbd: {  	s3 =	sand.u32 $0x4000, s31;
	s1 =	sadd.s32 s1, s30  }
0xbe: {  	s0 =	sor.u32 s3, s0;
	s1 =	sshll.u32 s1, $0x11  }
0xbf: {  	s0 =	sor.u32 s1, s0  }
0xc0: {  	s0 =	sadd.s32 $0x8F2B, s0  }
0xc1: {  	[sflag:s0] =	ssyncadd.remote.s32 $0x1  }
0xc2: {  	_ =	sfence.sel $0xFFFF  }
0xc3: {  	[dreg:$0x0] =	wrdreg $0xFFFFFFFF;
	(pc) =	sbr.abs _section_cstart, $3  }
0xc4: {  	[dreg:$0x1] =	wrdreg $0xFFFFFFFF  }
0xc5: {  	_ =	task.clear_ibuf [dreg:s9], $0x2FFFF;
	_ =	strace $0x9FFFFFFF  }
0xc6: {  	(tm) =	ssettm $0x7FFFFFFF  }
0xc7: {  	_ =	shalt  }
tec
execute0_lowered:
.L_overlay_start_1:
0x0: {  	(tag) =	ssettag $0x1  }
0x1: {  	v0 =	vimm.s32 $0x3F2F1F0F  }
0x2: {  	v1 =	vimm.s32 $0x7F6F5F4F;
	vm0 =	vcmask $0xF00;
	vm15 =	vcmask $0x1F10  }
0x3: {  	v4 =	vimm.s32 $0xFEDCBA9;
	v6 =	vimm.s32 $0x10FEDCBA;
	v10 =	vimm.s32 $0x210FEDCB  }
0x4: {  	v11 =	vimm.s32 $0xA9876543;
	v14 =	vimm.s32 $0x3210FEDC;
	v15 =	vimm.s32 $0xBA987654  }
0x5: {  	v17 =	vimm.s32 $0x43210FED;
	v18 =	vimm.s32 $0xCBA98765;
	v19 =	vimm.s32 $0x543210FE  }
0x6: {  	v20 =	vimm.s32 $0xDCBA9876;
	v22 =	vimm.s32 $0xFEDCBA98;
	v23 =	vimm.s32 $0x76543210  }
0x7: {  	v26 =	vimm.s32 $0x6543210F;
	v0 =	vunpack.c.0.s8.s32 v0;
	v1 =	vunpack.c.0.s8.s32 v1  }
0x8: {  	v5 =	vunpack.c.l.s4.s8 v4;
	v4 =	vimm.s32 $0x87654321;
	v8 =	vunpack.c.l.s4.s8 v6  }
0x9: {  	v27 =	vimm.s32 $0xEDCBA987;
	v7 =	vunpack.c.l.s4.s8 v4;
	v0 =	vnsel vm0, $0x7F, v0  }
0xa: {  	v6 =	vimm.s32 $0x98765432;
	v3 =	vunpack.c.0.s8.s32 v8;
	v0 =	vsel vm15, v1, v0  }
0xb: {  	v10 =	vunpack.c.l.s4.s8 v10;
	v9 =	vunpack.c.l.s4.s8 v6;
	v2 =	vunpack.c.0.s8.s32 v7;
	[tilespmem:$0x1FF10] =	vst v0  }
0xc: {  	s0 =	rddreg [dreg:$0x0];
	v11 =	vunpack.c.l.s4.s8 v11;
	v14 =	vunpack.c.l.s4.s8 v14;
	v0 =	vunpack.c.0.s8.s32 v5;
	[tilespmem:$0x1FF40] =	vst v3  }
0xd: {  	s1 =	rddreg [dreg:$0x1];
	v15 =	vunpack.c.l.s4.s8 v15;
	v17 =	vunpack.c.l.s4.s8 v17;
	v4 =	vunpack.c.0.s8.s32 v9;
	[tilespmem:$0x1FF30] =	vst v2  }
0xe: {  	s2 =	rddreg [dreg:$0x2];
	[tilespmem:$0x1FF20] =	vst v0;
	v12 =	vcombine.low v2, v0;
	v0 =	vunpack.c.0.s8.s32 v10;
	v2 =	vunpack.c.0.s8.s32 v11  }
0xf: {  	s3 =	rddreg [dreg:$0x3];
	v18 =	vunpack.c.l.s4.s8 v18;
	v19 =	vunpack.c.l.s4.s8 v19;
	v20 =	vunpack.c.l.s4.s8 v20;
	[tilespmem:$0x1FF50] =	vst v4  }
0x10: {  	s5 =	srdreg.scid;
	s4 =	stileid.u32;
	v22 =	vunpack.c.l.s4.s8 v22;
	[tilespmem:$0x1FF60] =	vst v0;
	v16 =	vcombine.low v2, v0;
	v0 =	vunpack.c.0.s8.s32 v14  }
0x11: {  	s6 =	simm.s32 $0x0;
	s15 =	simm.s32 $0x4000;
	s16 =	simm.s32 $0x1000;
	v23 =	vunpack.c.l.s4.s8 v23;
	v26 =	vunpack.c.l.s4.s8 v26;
	[tilespmem:$0x1FF70] =	vst v2;
	v2 =	vunpack.c.0.s8.s32 v15  }
0x12: {  	s17 =	simm.s32 $0x2000;
	s18 =	simm.s32 $0x1;
	s19 =	simm.s32 $0x4180;
	v27 =	vunpack.c.l.s4.s8 v27;
	v6 =	vunpack.c.0.s8.s32 v19;
	v28 =	vunpack.c.0.s8.s32 v22;
	[tilespmem:$0x1FF80] =	vst v0  }
0x13: {  	s20 =	simm.s32 $0x2;
	s21 =	simm.s32 $0x0;
	[smem:$0x7FF] =	sst s6;
	[tilespmem:$0x1FF90] =	vst v2;
	v21 =	vcombine.low v2, v0;
	v0 =	vunpack.c.0.s8.s32 v17;
	v2 =	vunpack.c.0.s8.s32 v18  }
0x14: {  	s5 =	sand.u32 $0x1, s5;
	s7 =	sshll.u32 s4, $0x1;
	v29 =	vunpack.c.0.s8.s32 v23;
	v23 =	vimm.f32 $1.000000000e+00;
	v7 =	vunpack.c.0.s8.s32 v20;
	_ =	strace $0x80000047;
	[tilespmem:$0x1FFC0] =	vst v6  }
.Ltmp0:
0x15: {  	s8 =	sor.u32 s5, s7;
	s5 =	ssub.s32 $0x2, s5;
	v13 =	vcombine.low v4, v3;
	[tilespmem:$0x1FFA0] =	vst v0;
	v24 =	vcombine.low v2, v0;
	v0 =	vunpack.c.0.s8.s32 v26;
	(pc) =	sbr.rel .LBB2_1-.Ltmp0, $4  }
0x16: {  	s11 =	sshll.u32 s8, $0x4;
	s31 =	sshrl.u32 s5, $0x1;
	s7 =	sshll.u32 s8, $0x7;
	v1 =	vimm.s32 $0xFFFFFF81;
	v28 =	vand.u32 $0xF, v28;
	v25 =	vcombine.low v7, v6;
	[tilespmem:$0x1FFD0] =	vst v7  }
0x17: {  	s8 =	sshll.u32 s8, $0x3;
	s12 =	sadd.s32 s11, s3;
	s5 =	ssub.s32 s5, s31;
	v10 =	vcombine.low v28, v29;
	v4 =	vand.u32 $0xF, v13;
	[tilespmem:$0x1FFE0] =	vst v0;
	v0 =	vunpack.c.0.s8.s32 v27  }
0x18: {  	s9 =	sadd.s32 s0, s11;
	s10 =	sadd.s32 s1, s11;
	s11 =	sadd.s32 s2, s11;
	v3 =	vand.u32 $0xF, v12;
	v5 =	vand.u32 $0xF, v16;
	v9 =	vand.u32 $0xF, v21;
	[tilespmem:$0x1FFB0] =	vst v2  }
0x19: {  	s14 =	sadd.s32 $0x80, s7;
	s12 =	sadd.s32 $0x200, s12;
	s13 =	smax.u32 s5, $0x1;
	v22 =	vmovc v5;
	v26 =	vlaneseq.u32;
	v21 =	vmovc v4;
	v12 =	vand.u32 $0xF, v24;
	v4 =	vand.u32 $0xF, v25;
	[tilespmem:$0x1FFF0] =	vst v0  }
.LBB2_20:
0x1a: {  	v1 =	vld [tilespmem:$0x1FF00];
	_ =	sdelay $0x3  }
0x1b: {  	v0 =	vadd.f32 v41, v42  }
0x1c: {  	s21 =	sadd.s32 $0x1, s21;
	[tilespmem:$0x4180] =	vst v1;
	v1 =	vadd.f32 v27, v40  }
0x1d: {  	p0 =	sne.s32 s21, s13;
	[tilespmem:$0x4190] =	vst v0  }
.Ltmp1:
0x1e: {  	[tilespmem:$0x41A0] =	vst v1;
	(pc) =	sbr.rel @!p0 .LBB2_21-.Ltmp1, $4  }
0x1f: {  	[hbm4b:s12+s6] =	stream.linear.scatter [tilespmem:s19], [sflag:$0x2], $0x80, $0x38;
	[tilespmem:$0x4200] =	vst v63  }
0x20: {  	_ =	swait.ge [sflag:s20], $0x80  }
0x21: {  	[sflag:s20] =	ssyncset.done $0x0  }
0x22: {  	v1 =	vimm.s32 $0xFFFFFF81;
	[sflag:s20] =	ssyncadd.s32 $0xFFFFFF80  }
.LBB2_1:
0x23: {  	[tilespmem:s15], [sflag:$0x1] =	stream.linear.gather [hbm4b:s3+s6], $0x100, $0x38;
	[tilespmem:$0x4200] =	vst v63  }
0x24: {  	_ = 	snop  }
0x25: {  	[tilespmem:s6], [sflag:$0x1] =	stream.linear.gather [hbm4b:s9+s6], $0x80, $0x38;
	[tilespmem:$0x4200] =	vst v63  }
0x26: {  	_ = 	snop  }
0x27: {  	[tilespmem:s16], [sflag:$0x1] =	stream.linear.gather [hbm4b:s10+s6], $0x80, $0x38;
	[tilespmem:$0x4200] =	vst v63  }
0x28: {  	_ = 	snop  }
0x29: {  	[tilespmem:s17], [sflag:$0x1] =	stream.linear.gather [hbm4b:s11+s6], $0x80, $0x38;
	[tilespmem:$0x4200] =	vst v63  }
0x2a: {  	_ =	swait.ge [sflag:s18], $0x100  }
0x2b: {  	[sflag:s18] =	ssyncset.done $0x0  }
0x2c: {  	[sflag:s18] =	ssyncadd.s32 $0xFFFFFF00  }
0x2d: {  	_ =	swait.ge [sflag:s18], $0x80  }
0x2e: {  	[sflag:s18] =	ssyncset.done $0x0  }
0x2f: {  	[sflag:s18] =	ssyncadd.s32 $0xFFFFFF80  }
0x30: {  	_ =	swait.ge [sflag:s18], $0x80  }
0x31: {  	[sflag:s18] =	ssyncset.done $0x0  }
0x32: {  	[sflag:s18] =	ssyncadd.s32 $0xFFFFFF80  }
0x33: {  	_ =	swait.ge [sflag:s18], $0x80  }
0x34: {  	v0 =	vld [tilespmem:$0x1FF10];
	_ =	sdelay $0x5  }
0x35: {  	[sflag:s18] =	ssyncset.done $0x0  }
0x36: {  	[sflag:s18] =	ssyncadd.s32 $0xFFFFFF80  }
0x37: {  	v27 =	vld.idx.msk [tilespmem:v0+s17+$0x0], $0xffff;
	v0 =	vimm.s32 $0xFF;
	_ =	sdelay $0x4  }
0x38: {  	v28 =	vld.idx.msk [tilespmem:v0+s15+$0x0], $0xffff;
	_ =	sdelay $0x4  }
0x39: {  	v0 =	vimm.s32 $0x100;
	vm0 =	vgt.s32 v28, v27  }
0x3a: {  	v28 =	vsel vm0, $0x0, v0  }
0x3b: {  	v29 =	vor.u32 $0x80, v28  }
0x3c: {  	v30 =	vmin.u32 v29, $0x100  }
0x3d: {  	v30 =	vadd.s32 $0xFFFFFFFF, v30;
	_ =	sdelay $0x4  }
0x3e: {  	v30 =	vld.idx.msk [tilespmem:v30+s15+$0x0], $0xffff;
	_ =	sdelay $0x4  }
0x3f: {  	vm6 =	vlt.u32 v29, $0x101;
	vm1 =	vle.s32 v30, v27  }
0x40: {  	vm0 =	vmand vm1, vm6  }
0x41: {  	v28 =	vsel vm0, v29, v28  }
0x42: {  	v29 =	vor.u32 $0x40, v28  }
0x43: {  	v57 =	vmin.u32 v29, $0x100  }
0x44: {  	v30 =	vadd.s32 $0xFFFFFFFF, v57;
	_ =	sdelay $0x4  }
0x45: {  	v30 =	vld.idx.msk [tilespmem:v30+s15+$0x0], $0xffff;
	_ =	sdelay $0x4  }
0x46: {  	vm7 =	vlt.u32 v29, $0x101;
	vm8 =	vle.s32 v30, v27  }
0x47: {  	vm0 =	vmand vm8, vm7  }
0x48: {  	v28 =	vsel vm0, v29, v28  }
0x49: {  	v29 =	vor.u32 $0x20, v28  }
0x4a: {  	v58 =	vmin.u32 v29, $0x100  }
0x4b: {  	v30 =	vadd.s32 $0xFFFFFFFF, v58;
	_ =	sdelay $0x4  }
0x4c: {  	v30 =	vld.idx.msk [tilespmem:v30+s15+$0x0], $0xffff;
	_ =	sdelay $0x4  }
0x4d: {  	vm9 =	vlt.u32 v29, $0x101;
	vm10 =	vle.s32 v30, v27  }
0x4e: {  	vm0 =	vmand vm10, vm9  }
0x4f: {  	v28 =	vsel vm0, v29, v28  }
0x50: {  	v29 =	vadd.s32 $0x10, v28  }
0x51: {  	v59 =	vmin.u32 v29, $0x100  }
0x52: {  	v30 =	vadd.s32 $0xFFFFFFFF, v59;
	_ =	sdelay $0x4  }
0x53: {  	v30 =	vld.idx.msk [tilespmem:v30+s15+$0x0], $0xffff;
	_ =	sdelay $0x4  }
0x54: {  	vm0 =	vlt.u32 v28, $0xF1;
	vm11 =	vle.s32 v30, v27  }
0x55: {  	vm0 =	vmand vm11, vm0  }
0x56: {  	v28 =	vsel vm0, v29, v28  }
0x57: {  	v29 =	vadd.s32 $0x8, v28  }
0x58: {  	v60 =	vmin.u32 v29, $0x100  }
0x59: {  	v30 =	vadd.s32 $0xFFFFFFFF, v60;
	_ =	sdelay $0x4  }
0x5a: {  	v30 =	vld.idx.msk [tilespmem:v30+s15+$0x0], $0xffff;
	_ =	sdelay $0x4  }
0x5b: {  	vm0 =	vlt.u32 v28, $0xF9;
	vm12 =	vle.s32 v30, v27  }
0x5c: {  	vm0 =	vmand vm12, vm0  }
0x5d: {  	v28 =	vsel vm0, v29, v28  }
0x5e: {  	v29 =	vadd.s32 $0x4, v28  }
0x5f: {  	v61 =	vmin.u32 v29, $0x100  }
0x60: {  	v30 =	vadd.s32 $0xFFFFFFFF, v61;
	_ =	sdelay $0x4  }
0x61: {  	v30 =	vld.idx.msk [tilespmem:v30+s15+$0x0], $0xffff;
	_ =	sdelay $0x4  }
0x62: {  	vm0 =	vlt.u32 v28, $0xFD;
	vm13 =	vle.s32 v30, v27  }
0x63: {  	vm0 =	vmand vm13, vm0  }
0x64: {  	v28 =	vsel vm0, v29, v28  }
0x65: {  	v29 =	vadd.s32 $0x2, v28  }
0x66: {  	v62 =	vmin.u32 v29, $0x100  }
0x67: {  	v30 =	vadd.s32 $0xFFFFFFFF, v62;
	_ =	sdelay $0x4  }
0x68: {  	v30 =	vld.idx.msk [tilespmem:v30+s15+$0x0], $0xffff;
	_ =	sdelay $0x4  }
0x69: {  	vm0 =	vlt.u32 v28, $0xFF;
	vm14 =	vle.s32 v30, v27  }
0x6a: {  	vm0 =	vmand vm14, vm0  }
0x6b: {  	v28 =	vsel vm0, v29, v28  }
0x6c: {  	v29 =	vadd.s32 $0x1, v28  }
0x6d: {  	v63 =	vmin.u32 v29, $0x100  }
0x6e: {  	v30 =	vadd.s32 $0xFFFFFFFF, v63;
	_ =	sdelay $0x4  }
0x6f: {  	v30 =	vld.idx.msk [tilespmem:v30+s15+$0x0], $0xffff;
	_ =	sdelay $0x4  }
0x70: {  	vm0 =	vlt.u32 v28, $0x100;
	vm15 =	vle.s32 v30, v27  }
0x71: {  	vm0 =	vmand vm15, vm0  }
0x72: {  	v27 =	vsel vm0, v29, v28  }
0x73: {  	(v2sf) =	vpush v27, $0x7;
	_ =	sdelay $0xe  }
0x74: {  	s5 =	spop (v2sf)  }
0x75: {  	s22 =	ssub.s32 s5, s8  }
0x76: {  	s5 =	sadd.s32 $0x7, s22  }
0x77: {  	s23 =	sand.u32 $0x7, s5  }
0x78: {  	s31 =	sshra.s32 s5, $0x1F;
	p1 =	slt.s32 s5, $0x1;
	p0 =	sne.s32 s23, $0x0  }
0x79: {  	s23 =	sshrl.u32 s31, $0x1D;
	p0 =	por !p1, !p0  }
0x7a: {  	s5 =	sadd.s32 s23, s5;
	s23 =	simm.s32 $0x1;
	p0 =	por !p0, !p0  }
0x7b: {  	s5 =	sshra.s32 s5, $0x3;
	s23 =	simm.s32 @!p0 $0x0  }
0x7c: {  	s23 =	ssub.s32 s5, s23  }
0x7d: {  	p1 =	slt.s32 s23, $0x2  }
.Ltmp2:
0x7e: {  	_ = 	snop;
	(pc) =	sbr.rel @p1 .LBB2_6-.Ltmp2, $3  }
0x7f: {  	_ =	sdelay $0x1  }
0x80: {  	[tilespmem:$0x4100] =	vst v27  }
0x81: {  	[tilespmem:$0x4110] =	vst v27  }
0x82: {  	s23 =	simm.s32 $0xFFFFFFFF  }
0x83: {  	s23 =	simm.s32 @!p0 $0x0  }
0x84: {  	s5 =	sadd.s32 s23, s5  }
0x85: {  	s5 =	sadd.s32 $0xFFFFFFFF, s5  }
0x86: {  	p1 =	seq.s32 s5, $0x1  }
.Ltmp3:
0x87: {  	_ = 	snop;
	(pc) =	sbr.rel @p1 .LBB2_5-.Ltmp3, $4  }
0x88: {  	_ = 	snop  }
0x89: {  	s24 =	smov.u32 s14;
	p0 =	slt.s32 s14, $0xF80  }
0x8a: {  	s24 =	simm.s32 @!p0 $0xF80;
	p0 =	por $0x0, $0x0  }
0x8b: {  	s25 =	ssub.s32 s24, s7;
	s24 =	sshrl.u32 s24, $0x3;
	s23 =	sadd.s32 $0xFFFFFFFF, s5  }
0x8c: {  	s5 =	sadd.s32 s0, s24  }
0x8d: {  	[tilespmem:s25], [sflag:$0x1] =	stream.linear.gather [hbm4b:s5+s6], $0x80, $0x38;
	[tilespmem:$0x4200] =	vst v63  }
0x8e: {  	s29 =	sadd.s32 $0x1000, s25;
	s26 =	sadd.s32 s1, s24  }
0x8f: {  	[tilespmem:s29], [sflag:$0x1] =	stream.linear.gather [hbm4b:s26+s6], $0x80, $0x38;
	[tilespmem:$0x4200] =	vst v63  }
0x90: {  	s30 =	sadd.s32 $0x2000, s25;
	s31 =	sadd.s32 s2, s24  }
0x91: {  	[tilespmem:s30], [sflag:$0x1] =	stream.linear.gather [hbm4b:s31+s6], $0x80, $0x38;
	[tilespmem:$0x4200] =	vst v63  }
0x92: {  	_ =	swait.ge [sflag:s18], $0x80  }
0x93: {  	[sflag:s18] =	ssyncset.done $0x0  }
0x94: {  	p1 =	seq.s32 s23, $0x1;
	[sflag:s18] =	ssyncadd.s32 $0xFFFFFF80  }
.Ltmp4:
0x95: {  	_ =	swait.ge [sflag:s18], $0x80;
	(pc) =	sbr.rel @p1 .LBB2_5-.Ltmp4, $4  }
0x96: {  	s23 =	sadd.s32 $0xFFFFFFFF, s23;
	s5 =	sadd.s32 $0x80, s14;
	[sflag:s18] =	ssyncset.done $0x0  }
0x97: {  	p0 =	slt.s32 s5, $0xF80;
	s24 =	smov.u32 s5;
	[sflag:s18] =	ssyncadd.s32 $0xFFFFFF80  }
0x98: {  	s24 =	simm.s32 @!p0 $0xF80;
	p0 =	por $0x1, $0x1;
	_ =	swait.ge [sflag:s18], $0x80  }
0x99: {  	s25 =	ssub.s32 s24, s7;
	s24 =	sshrl.u32 s24, $0x3;
	[sflag:s18] =	ssyncset.done $0x0  }
.LBB2_4:
0x9a: {  	p1 =	seq.s32 s23, $0x1;
	s26 =	sadd.s32 s0, s24;
	[sflag:s18] =	ssyncadd.s32 $0xFFFFFF80  }
0x9b: {  	[tilespmem:s25], [sflag:$0x1] =	stream.linear.gather [hbm4b:s26+s6], $0x80, $0x38;
	[tilespmem:$0x4200] =	vst v63  }
0x9c: {  	s23 =	sadd.s32 $0xFFFFFFFF, s23;
	s28 =	sadd.s32 s1, s24;
	s26 =	sadd.s32 $0x1000, s25  }
0x9d: {  	[tilespmem:s26], [sflag:$0x1] =	stream.linear.gather [hbm4b:s28+s6], $0x80, $0x38;
	[tilespmem:$0x4200] =	vst v63  }
0x9e: {  	s24 =	sadd.s32 s2, s24;
	s25 =	sadd.s32 $0x2000, s25  }
0x9f: {  	[tilespmem:s25], [sflag:$0x1] =	stream.linear.gather [hbm4b:s24+s6], $0x80, $0x38;
	[tilespmem:$0x4200] =	vst v63  }
0xa0: {  	_ =	swait.ge [sflag:s18], $0x80  }
0xa1: {  	[sflag:s18] =	ssyncset.done $0x0  }
0xa2: {  	[sflag:s18] =	ssyncadd.s32 $0xFFFFFF80  }
.Ltmp5:
0xa3: {  	_ =	swait.ge [sflag:s18], $0x80;
	(pc) =	sbr.rel @!p1 .LBB2_4-.Ltmp5, $4  }
0xa4: {  	s5 =	sadd.s32 $0x80, s5;
	[sflag:s18] =	ssyncset.done $0x0  }
0xa5: {  	p2 =	slt.s32 s5, $0xF80;
	s24 =	smov.u32 s5;
	[sflag:s18] =	ssyncadd.s32 $0xFFFFFF80  }
0xa6: {  	s24 =	simm.s32 @!p2 $0xF80;
	_ =	swait.ge [sflag:s18], $0x80  }
0xa7: {  	s25 =	ssub.s32 s24, s7;
	s24 =	sshrl.u32 s24, $0x3;
	[sflag:s18] =	ssyncset.done $0x0  }
.LBB2_5:
0xa8: {  	s5 =	sadd.s32 s0, s24;
	[sflag:s18] =	ssyncadd.s32 @p0 $0xFFFFFF80  }
0xa9: {  	[tilespmem:s25], [sflag:$0x1] =	stream.linear.gather [hbm4b:s5+s6], $0x80, $0x38;
	[tilespmem:$0x4200] =	vst v63  }
0xaa: {  	s29 =	sadd.s32 $0x1000, s25;
	s23 =	sadd.s32 s1, s24  }
0xab: {  	[tilespmem:s29], [sflag:$0x1] =	stream.linear.gather [hbm4b:s23+s6], $0x80, $0x38;
	[tilespmem:$0x4200] =	vst v63  }
0xac: {  	s30 =	sadd.s32 $0x2000, s25;
	s31 =	sadd.s32 s2, s24  }
0xad: {  	[tilespmem:s30], [sflag:$0x1] =	stream.linear.gather [hbm4b:s31+s6], $0x80, $0x38;
	[tilespmem:$0x4200] =	vst v63  }
0xae: {  	_ =	swait.ge [sflag:s18], $0x80  }
0xaf: {  	[sflag:s18] =	ssyncset.done $0x0  }
0xb0: {  	[sflag:s18] =	ssyncadd.s32 $0xFFFFFF80  }
0xb1: {  	_ =	swait.ge [sflag:s18], $0x80  }
0xb2: {  	[sflag:s18] =	ssyncset.done $0x0  }
0xb3: {  	[sflag:s18] =	ssyncadd.s32 $0xFFFFFF80  }
0xb4: {  	_ =	swait.ge [sflag:s18], $0x80  }
0xb5: {  	[sflag:s18] =	ssyncset.done $0x0  }
0xb6: {  	[sflag:s18] =	ssyncadd.s32 $0xFFFFFF80  }
.LBB2_6:
0xb7: {  	p0 =	sgt.s32 s22, $0x0  }
.Ltmp6:
0xb8: {  	_ = 	snop;
	(pc) =	sbr.rel @!p0 .LBB2_14-.Ltmp6, $2  }
0xb9: {  	_ =	sdelay $0x2  }
0xba: {  	v27 =	vimm.f32 $0.0e+00;
	v0 =	vimm.f32 $0.0e+00  }
0xbb: {  	s23 =	simm.s32 $0x1000  }
0xbc: {  	v28 =	vld [tilespmem:s23+$0x0];
	_ =	sdelay $0x4  }
0xbd: {  	v29 =	vmax.f32 v28, $1.000000010e-07  }
0xbe: {  	v29 =	vmin.f32 v29, $9.999998800e-01  }
0xbf: {  	v30 =	vsub.f32 $1.000000000e+00, v29;
	_ =	sdelay $0x1  }
0xc0: {  	(erf) = vrcp.f32 v30;
	_ =	sdelay $0x8  }
0xc1: {  	v30 =	vpop (erf)  }
0xc2: {  	v29 =	vmul.f32 v30, v29;
	_ =	sdelay $0x1  }
0xc3: {  	v30 =	vand.u32 $0x7FFFFF, v29  }
0xc4: {  	v30 =	vor.u32 $0x3F800000, v30  }
0xc5: {  	v31 =	vmul.f32 $5.000000000e-01, v30  }
0xc6: {  	vm0 =	vgt.f32 v30, $1.414213540e+00  }
0xc7: {  	v30 =	vsel vm0, v31, v30  }
0xc8: {  	v31 =	vadd.f32 $1.000000000e+00, v30;
	_ =	sdelay $0x1  }
0xc9: {  	(erf) = vrcp.f32 v31;
	_ =	sdelay $0x7  }
0xca: {  	v30 =	vadd.f32 $-1.000000000e+00, v30  }
0xcb: {  	v31 =	vpop (erf)  }
0xcc: {  	v30 =	vmul.f32 v31, v30;
	_ =	sdelay $0x1  }
0xcd: {  	v31 =	vmul.f32 v30, v30;
	_ =	sdelay $0x1  }
0xce: {  	v32 =	vmul.f32 $2.857142980e-01, v31;
	_ =	sdelay $0x1  }
0xcf: {  	v32 =	vadd.f32 $4.000000060e-01, v32;
	_ =	sdelay $0x1  }
0xd0: {  	v32 =	vmul.f32 v32, v31;
	_ =	sdelay $0x1  }
0xd1: {  	v32 =	vadd.f32 $6.666666860e-01, v32  }
0xd2: {  	v29 =	vshrl.u32 v29, $0x17  }
0xd3: {  	v29 =	vand.u32 $0xFF, v29;
	v33 =	vsel vm0, $0xFFFFFF82, v1;
	v31 =	vmul.f32 v32, v31  }
0xd4: {  	v29 =	vadd.s32 v29, v33  }
0xd5: {  	s24 =	simm.s32 $0x0;
	v63 =	vcvt.s32.f32 v29;
	v31 =	vadd.f32 $2.000000000e+00, v31  }
0xd6: {  	p1 =	sgt.s32 s22, $0x1;
	v29 =	vld [tilespmem:s24+$0x0]  }
.Ltmp7:
0xd7: {  	v30 =	vmul.f32 v31, v30;
	v31 =	vmul.f32 $6.931471820e-01, v63;
	(pc) =	sbr.rel @!p1 .LBB2_8-.Ltmp7, $3  }
0xd8: {  	_ = 	snop  }
0xd9: {  	v30 =	vadd.f32 v30, v31;
	_ =	sdelay $0x1  }
0xda: {  	s5 =	simm.s32 $0x3000;
	p0 =	por $0x0, $0x0;
	s23 =	simm.s32 $0x1;
	v32 =	vand.u32 $0x7FFFFFFF, v29;
	v31 =	vsub.f32 v29, v30;
	v30 =	vmul.f32 v28, v29  }
0xdb: {  	_ = 	snop  }
0xdc: {  	s24 =	simm.s32 $0x1010;
	[tilespmem:s5+$0x0] =	vst v31  }
0xdd: {  	v58 =	vld [tilespmem:s24+$0x0]  }
0xde: {  	v28 =	vsub.f32 $0.0e+00, v32;
	_ =	sdelay $0x1  }
0xdf: {  	v28 =	vmul.f32 $1.442695020e+00, v28;
	_ =	sdelay $0x1  }
0xe0: {  	(erf) = vpow2.f32 v28;
	v28 =	vmax.f32 v58, $1.000000010e-07  }
0xe1: {  	v28 =	vmin.f32 v28, $9.999998800e-01  }
0xe2: {  	v31 =	vsub.f32 $1.000000000e+00, v28;
	_ =	sdelay $0x1  }
0xe3: {  	(erf) = vrcp.f32 v31;
	_ =	sdelay $0x4  }
0xe4: {  	v31 =	vpop (erf)  }
0xe5: {  	v31 =	vadd.f32 $1.000000000e+00, v31;
	_ =	sdelay $0x1  }
0xe6: {  	v33 =	vand.u32 $0x7FFFFF, v31  }
0xe7: {  	v33 =	vor.u32 $0x3F800000, v33;
	v35 =	vpop (erf)  }
0xe8: {  	v34 =	vmul.f32 $5.000000000e-01, v33;
	v28 =	vmul.f32 v35, v28  }
0xe9: {  	vm0 =	vgt.f32 v33, $1.414213540e+00  }
0xea: {  	v33 =	vsel vm0, v34, v33;
	v35 =	vand.u32 $0x7FFFFF, v28  }
0xeb: {  	v34 =	vadd.f32 $1.000000000e+00, v33;
	v35 =	vor.u32 $0x3F800000, v35  }
0xec: {  	v59 =	vmul.f32 $5.000000000e-01, v35  }
0xed: {  	(erf) = vrcp.f32 v34;
	vm1 =	vgt.f32 v35, $1.414213540e+00  }
0xee: {  	v34 =	vsel vm1, v59, v35  }
0xef: {  	v35 =	vadd.f32 $1.000000000e+00, v34;
	_ =	sdelay $0x1  }
0xf0: {  	(erf) = vrcp.f32 v35;
	_ =	sdelay $0x3  }
0xf1: {  	v33 =	vadd.f32 $-1.000000000e+00, v33  }
0xf2: {  	v60 =	vpop (erf)  }
0xf3: {  	v33 =	vmul.f32 v60, v33;
	_ =	sdelay $0x1  }
0xf4: {  	v34 =	vadd.f32 $-1.000000000e+00, v34;
	v35 =	vmul.f32 v33, v33  }
0xf5: {  	v37 =	vpop (erf)  }
0xf6: {  	v36 =	vmul.f32 $2.857142980e-01, v35;
	v34 =	vmul.f32 v37, v34;
	_ =	sdelay $0x1  }
0xf7: {  	v36 =	vadd.f32 $4.000000060e-01, v36;
	v37 =	vmul.f32 v34, v34;
	_ =	sdelay $0x1  }
0xf8: {  	v36 =	vmul.f32 v36, v35;
	v38 =	vmul.f32 $2.857142980e-01, v37;
	_ =	sdelay $0x1  }
0xf9: {  	v31 =	vshrl.u32 v31, $0x17;
	v36 =	vadd.f32 $6.666666860e-01, v36;
	v38 =	vadd.f32 $4.000000060e-01, v38  }
0xfa: {  	v31 =	vand.u32 $0xFF, v31;
	v39 =	vsel vm0, $0xFFFFFF82, v1  }
0xfb: {  	v31 =	vadd.s32 v31, v39;
	v35 =	vmul.f32 v36, v35;
	v61 =	vmul.f32 v38, v37  }
0xfc: {  	v31 =	vcvt.s32.f32 v31  }
0xfd: {  	v28 =	vshrl.u32 v28, $0x17;
	v35 =	vadd.f32 $2.000000000e+00, v35;
	v36 =	vadd.f32 $6.666666860e-01, v61  }
0xfe: {  	v29 =	vmax.f32 v29, $0.0e+00;
	v31 =	vmul.f32 $6.931471820e-01, v31;
	v28 =	vand.u32 $0xFF, v28  }
0xff: {  	v62 =	vsel vm1, $0xFFFFFF82, v1;
	v33 =	vmul.f32 v35, v33;
	v36 =	vmul.f32 v36, v37  }
0x100: {  	s26 =	simm.s32 $0x10;
	v30 =	vsub.f32 v29, v30;
	v28 =	vadd.s32 v28, v62  }
0x101: {  	v29 =	vld [tilespmem:s26+$0x0];
	v28 =	vcvt.s32.f32 v28;
	v31 =	vadd.f32 v33, v31;
	v63 =	vadd.f32 $2.000000000e+00, v36  }
0x102: {  	p1 =	sgt.s32 s22, $0x2  }
.Ltmp8:
0x103: {  	v28 =	vmul.f32 $6.931471820e-01, v28;
	v30 =	vadd.f32 v31, v30;
	v31 =	vmul.f32 v63, v34;
	(pc) =	sbr.rel @!p1 .LBB2_10-.Ltmp8, $4  }
0x104: {  	_ = 	snop  }
0x105: {  	p0 =	por $0x1, $0x1;
	v31 =	vadd.f32 v31, v28  }
0x106: {  	v32 =	vand.u32 $0x7FFFFFFF, v29;
	v30 =	vpsel !p0, $0x0, v30  }
0x107: {  	s28 =	simm.s32 $0x2;
	s25 =	simm.s32 $0x3000;
	p0 =	por $0x1, $0x1;
	v28 =	vadd.f32 v30, v27;
	v30 =	vmul.f32 v58, v29;
	v31 =	vsub.f32 v29, v31  }
.LBB2_11:
0x108: {  	v29 =	vmax.f32 v29, $0.0e+00;
	v32 =	vsub.f32 $0.0e+00, v32;
	s25 =	sadd.s32 $0x10, s25;
	s29 =	smov.u32 s28;
	s28 =	sadd.s32 $0x1, s28  }
0x109: {  	s24 =	sadd.s32 $0x10, s24;
	p1 =	slt.s32 s28, s22;
	[tilespmem:s25+$0x0] =	vst v31;
	v29 =	vsub.f32 v29, v30  }
0x10a: {  	v30 =	vld [tilespmem:s24+$0x0];
	v31 =	vmul.f32 $1.442695020e+00, v32;
	_ =	sdelay $0x1  }
0x10b: {  	(erf) = vpow2.f32 v31;
	_ =	sdelay $0x2  }
0x10c: {  	v31 =	vmax.f32 v30, $1.000000010e-07  }
0x10d: {  	v31 =	vmin.f32 v31, $9.999998800e-01  }
0x10e: {  	v32 =	vsub.f32 $1.000000000e+00, v31;
	_ =	sdelay $0x1  }
0x10f: {  	(erf) = vrcp.f32 v32;
	_ =	sdelay $0x1  }
0x110: {  	v32 =	vpop (erf)  }
0x111: {  	v32 =	vadd.f32 $1.000000000e+00, v32;
	_ =	sdelay $0x1  }
0x112: {  	v33 =	vshrl.u32 v32, $0x17;
	v32 =	vand.u32 $0x7FFFFF, v32  }
0x113: {  	v33 =	vand.u32 $0xFF, v33;
	v32 =	vor.u32 $0x3F800000, v32  }
0x114: {  	vm0 =	vgt.f32 v32, $1.414213540e+00;
	v34 =	vmul.f32 $5.000000000e-01, v32  }
0x115: {  	v35 =	vsel vm0, $0xFFFFFF82, v1  }
0x116: {  	v36 =	vpop (erf);
	v32 =	vsel vm0, v34, v32;
	v33 =	vadd.s32 v33, v35  }
0x117: {  	v31 =	vmul.f32 v36, v31;
	v34 =	vadd.f32 $-1.000000000e+00, v32;
	v32 =	vadd.f32 $1.000000000e+00, v32  }
0x118: {  	v33 =	vcvt.s32.f32 v33  }
0x119: {  	v35 =	vand.u32 $0x7FFFFF, v31;
	(erf) = vrcp.f32 v32  }
0x11a: {  	v33 =	vmul.f32 $6.931471820e-01, v33;
	v32 =	vor.u32 $0x3F800000, v35  }
0x11b: {  	v35 =	vmul.f32 $5.000000000e-01, v32  }
0x11c: {  	vm0 =	vgt.f32 v32, $1.414213540e+00  }
0x11d: {  	v32 =	vsel vm0, v35, v32  }
0x11e: {  	v35 =	vadd.f32 $1.000000000e+00, v32;
	_ =	sdelay $0x1  }
0x11f: {  	(erf) = vrcp.f32 v35;
	_ =	sdelay $0x1  }
0x120: {  	v35 =	vpop (erf)  }
0x121: {  	v34 =	vmul.f32 v35, v34;
	_ =	sdelay $0x1  }
0x122: {  	v35 =	vmul.f32 v34, v34;
	_ =	sdelay $0x1  }
0x123: {  	v36 =	vmul.f32 $2.857142980e-01, v35  }
0x124: {  	v32 =	vadd.f32 $-1.000000000e+00, v32  }
0x125: {  	v37 =	vpop (erf);
	v36 =	vadd.f32 $4.000000060e-01, v36  }
0x126: {  	v32 =	vmul.f32 v37, v32  }
0x127: {  	v36 =	vmul.f32 v36, v35  }
0x128: {  	v37 =	vmul.f32 v32, v32  }
0x129: {  	v36 =	vadd.f32 $6.666666860e-01, v36  }
0x12a: {  	v38 =	vmul.f32 $2.857142980e-01, v37  }
0x12b: {  	v35 =	vmul.f32 v36, v35  }
0x12c: {  	v36 =	vadd.f32 $4.000000060e-01, v38  }
0x12d: {  	v35 =	vadd.f32 $2.000000000e+00, v35  }
0x12e: {  	v36 =	vmul.f32 v36, v37  }
0x12f: {  	v34 =	vmul.f32 v35, v34  }
0x130: {  	v35 =	vadd.f32 $6.666666860e-01, v36  }
0x131: {  	v31 =	vshrl.u32 v31, $0x17;
	v33 =	vadd.f32 v34, v33  }
0x132: {  	v31 =	vand.u32 $0xFF, v31;
	v34 =	vsel vm0, $0xFFFFFF82, v1;
	v35 =	vmul.f32 v35, v37  }
0x133: {  	v31 =	vadd.s32 v31, v34;
	v33 =	vadd.f32 v33, v29  }
0x134: {  	p2 =	slt.s32 s23, $0x8;
	s26 =	sadd.s32 $0x10, s26;
	s23 =	smov.u32 s29;
	v31 =	vcvt.s32.f32 v31;
	v34 =	vadd.f32 $2.000000000e+00, v35  }
0x135: {  	v29 =	vld [tilespmem:s26+$0x0];
	v33 =	vpsel !p2, $0x0, v33  }
.Ltmp9:
0x136: {  	v31 =	vmul.f32 $6.931471820e-01, v31;
	v32 =	vmul.f32 v34, v32;
	v28 =	vadd.f32 v33, v28;
	(pc) =	sbr.rel @p1 .LBB2_11-.Ltmp9, $3  }
0x137: {  	_ = 	snop  }
0x138: {  	v31 =	vadd.f32 v32, v31;
	_ =	sdelay $0x1  }
0x139: {  	v31 =	vsub.f32 v29, v31;
	v30 =	vmul.f32 v30, v29;
	v32 =	vand.u32 $0x7FFFFFFF, v29  }
0x13a: {  	s24 =	smov.u32 s23  }
.LBB2_13:
0x13b: {  	v32 =	vsub.f32 $0.0e+00, v32;
	_ =	sdelay $0x1  }
0x13c: {  	v32 =	vmul.f32 $1.442695020e+00, v32;
	_ =	sdelay $0x1  }
0x13d: {  	(erf) = vpow2.f32 v32;
	_ =	sdelay $0x8  }
0x13e: {  	v32 =	vpop (erf)  }
0x13f: {  	v32 =	vadd.f32 $1.000000000e+00, v32;
	_ =	sdelay $0x1  }
0x140: {  	v33 =	vand.u32 $0x7FFFFF, v32  }
0x141: {  	v33 =	vor.u32 $0x3F800000, v33  }
0x142: {  	v34 =	vmul.f32 $5.000000000e-01, v33  }
0x143: {  	vm0 =	vgt.f32 v33, $1.414213540e+00  }
0x144: {  	v33 =	vsel vm0, v34, v33  }
0x145: {  	v34 =	vadd.f32 $1.000000000e+00, v33;
	_ =	sdelay $0x1  }
0x146: {  	(erf) = vrcp.f32 v34;
	_ =	sdelay $0x7  }
0x147: {  	v33 =	vadd.f32 $-1.000000000e+00, v33  }
0x148: {  	v34 =	vpop (erf)  }
0x149: {  	v33 =	vmul.f32 v34, v33;
	_ =	sdelay $0x1  }
0x14a: {  	v34 =	vmul.f32 v33, v33;
	_ =	sdelay $0x1  }
0x14b: {  	v35 =	vmul.f32 $2.857142980e-01, v34;
	_ =	sdelay $0x1  }
0x14c: {  	v35 =	vadd.f32 $4.000000060e-01, v35;
	_ =	sdelay $0x1  }
0x14d: {  	v35 =	vmul.f32 v35, v34;
	_ =	sdelay $0x1  }
0x14e: {  	v35 =	vadd.f32 $6.666666860e-01, v35  }
0x14f: {  	v32 =	vshrl.u32 v32, $0x17  }
0x150: {  	v32 =	vand.u32 $0xFF, v32;
	v62 =	vsel vm0, $0xFFFFFF82, v1;
	v34 =	vmul.f32 v35, v34  }
0x151: {  	v32 =	vadd.s32 v32, v62  }
0x152: {  	v32 =	vcvt.s32.f32 v32;
	v34 =	vadd.f32 $2.000000000e+00, v34;
	_ =	sdelay $0x1  }
0x153: {  	v32 =	vmul.f32 $6.931471820e-01, v32;
	v33 =	vmul.f32 v34, v33  }
0x154: {  	v29 =	vmax.f32 v29, $0.0e+00  }
0x155: {  	v29 =	vsub.f32 v29, v30;
	v63 =	vadd.f32 v33, v32;
	_ =	sdelay $0x1  }
0x156: {  	v29 =	vadd.f32 v63, v29  }
0x157: {  	s22 =	sadd.s32 @p0 $0x10, s25;
	p1 =	slt.s32 s24, $0x8  }
0x158: {  	s5 =	smov.u32 @p0 s22;
	v29 =	vpsel !p1, $0x0, v29  }
0x159: {  	[tilespmem:s5+$0x0] =	vst v31;
	v0 =	vadd.f32 v29, v28  }
.LBB2_14:
.Ltmp10:
0x15a: {  	(pc) =	sbr.rel .LBB2_15-.Ltmp10, $3  }
0x15b: {  	_ =	sdelay $0x1  }
0x15c: {  	s22 =	simm.s32 $0x0  }
0x15d: {  	s23 =	simm.s32 $0x1000;
	s24 =	simm.s32 $0x2000;
	s5 =	simm.s32 $0x3000;
	v40 =	vimm.f32 $0.0e+00;
	v41 =	vimm.f32 $0.0e+00;
	v42 =	vimm.f32 $0.0e+00;
	[tilespmem:$0x1FF00] =	vst v0  }
.LBB2_18:
0x15e: {  	v3 =	vmov v32  }
.LBB2_19:
0x15f: {  	s22 =	sadd.s32 $0x1, s22  }
0x160: {  	p0 =	sne.s32 s22, $0x8  }
.Ltmp11:
0x161: {  	_ = 	snop;
	(pc) =	sbr.rel @!p0 .LBB2_20-.Ltmp11, $2  }
0x162: {  	_ =	sdelay $0x2  }
0x163: {  	s23 =	sadd.s32 $0x10, s23;
	s24 =	sadd.s32 $0x10, s24;
	s5 =	sadd.s32 $0x10, s5  }
.LBB2_15:
0x164: {  	v29 =	vld [tilespmem:s22+$0x4100];
	_ =	sdelay $0x4  }
0x165: {  	(v2sf) =	vpush v29, $0x0;
	_ =	sdelay $0xe  }
0x166: {  	s26 =	sor.u32 s8, s22;
	s28 =	spop (v2sf)  }
0x167: {  	p0 =	sge.s32 s26, s28  }
.Ltmp12:
0x168: {  	_ = 	snop;
	(pc) =	sbr.rel @p0 .LBB2_19-.Ltmp12, $4  }
0x169: {  	s25 =	sshll.u32 s22, $0x4  }
0x16a: {  	v30 =	vld [tilespmem:s25+$0x2000]  }
0x16b: {  	v31 =	vld [tilespmem:s25+$0x3000]  }
0x16c: {  	v29 =	vld [tilespmem:s25+$0x1000]  }
0x16d: {  	v0 =	vld [tilespmem:$0x1FFC0]  }
0x16e: {  	v1 =	vld [tilespmem:$0x1FFD0]  }
0x16f: {  	v2 =	vld [tilespmem:$0x1FFE0]  }
0x170: {  	v5 =	vld [tilespmem:$0x1FFF0]  }
0x171: {  	v58 =	vld [tilespmem:$0x1FF80]  }
0x172: {  	v59 =	vld [tilespmem:$0x1FF90]  }
0x173: {  	v60 =	vld [tilespmem:$0x1FFA0]  }
0x174: {  	v61 =	vld [tilespmem:$0x1FFB0]  }
0x175: {  	v62 =	vld [tilespmem:$0x1FF40]  }
0x176: {  	v63 =	vld [tilespmem:$0x1FF50]  }
0x177: {  	v16 =	vld [tilespmem:$0x1FF60]  }
0x178: {  	v17 =	vld [tilespmem:$0x1FF70]  }
0x179: {  	v18 =	vld [tilespmem:$0x1FF20]  }
0x17a: {  	v19 =	vld [tilespmem:$0x1FF30]  }
0x17b: {  	v43 =	vld [tilespmem:s24+$0x0]  }
0x17c: {  	v45 =	vld [tilespmem:s23+$0x0];
	v32 =	vcombine.low v0, v1;
	v34 =	vcombine.low v2, v5  }
0x17d: {  	v33 =	vcombine.low v58, v59;
	v35 =	vcombine.low v60, v61  }
0x17e: {  	v36 =	vcombine.low v62, v63;
	v37 =	vcombine.low v16, v17  }
0x17f: {  	v39 =	vcombine.low v5, v2;
	v38 =	vcombine.low v18, v19  }
0x180: {  	v55 =	vperm.xlane v43, v10;
	v59 =	vperm.xlane v43, v4  }
0x181: {  	v61 =	vperm.xlane v45, v10;
	v63 =	vperm.xlane v43, v9  }
0x182: {  	v16 =	vperm.xlane v45, v22;
	v19 =	vperm.xlane v45, v26  }
0x183: {  	v0 =	vand.u32 $0xF, v32;
	v1 =	vand.u32 $0xF, v33;
	v2 =	vand.u32 $0xF, v34  }
0x184: {  	v5 =	vand.u32 $0xF, v35;
	v32 =	vperm.xlane v43, v12;
	v33 =	vperm.xlane v43, v21  }
0x185: {  	v6 =	vand.u32 $0xF, v36;
	v34 =	vperm.xlane v43, v22;
	v35 =	vperm.xlane v45, v9  }
0x186: {  	v7 =	vand.u32 $0xF, v37;
	v36 =	vperm.xlane v45, v12;
	v37 =	vperm.xlane v43, v26  }
0x187: {  	v8 =	vand.u32 $0xF, v38;
	v38 =	vperm.xlane v45, v21;
	v44 =	vperm.xlane v43, v0  }
0x188: {  	v46 =	vperm.xlane v43, v2;
	v47 =	vperm.xlane v43, v1  }
0x189: {  	v48 =	vperm.xlane v43, v5;
	v49 =	vperm.xlane v45, v0  }
0x18a: {  	v11 =	vimm.s32 $0x0;
	v50 =	vperm.xlane v45, v2;
	v51 =	vperm.xlane v43, v6  }
0x18b: {  	v39 =	vand.u32 $0xF, v39;
	v52 =	vperm.xlane v43, v7;
	v53 =	vperm.xlane v45, v1  }
0x18c: {  	vm7 =	veq.s32 v55, v30;
	v54 =	vperm.xlane v45, v5;
	v56 =	vperm.xlane v43, v8  }
0x18d: {  	vm14 =	veq.s32 v59, v30;
	v57 =	vperm.xlane v45, v6;
	v58 =	vperm.xlane v45, v7  }
0x18e: {  	vm13 =	veq.s32 v63, v30;
	v60 =	vperm.xlane v43, v39;
	v62 =	vperm.xlane v45, v8  }
0x18f: {  	vm9 =	veq.s32 v32, v30;
	vm10 =	veq.s32 v33, v30;
	vm11 =	veq.s32 v34, v30  }
0x190: {  	vm8 =	veq.s32 v37, v30;
	v32 =	vsub.f32 v61, v29;
	v55 =	vsub.f32 v35, v29  }
0x191: {  	v35 =	vsub.f32 v38, v29;
	vm1 =	veq.s32 v44, v30;
	vm0 =	veq.s32 v46, v30  }
0x192: {  	vm3 =	veq.s32 v47, v30;
	v47 =	vperm.xlane v45, v4;
	vm2 =	veq.s32 v48, v30  }
0x193: {  	v48 =	vperm.xlane v45, v39;
	vm5 =	veq.s32 v51, v30;
	vm4 =	veq.s32 v52, v30  }
0x194: {  	vm6 =	veq.s32 v56, v30;
	vm12 =	veq.s32 v60, v30;
	v49 =	vsub.f32 v49, v29  }
0x195: {  	p0 =	seq.s32 s26, s26;
	v60 =	vperm.xlane v43, v3;
	v50 =	vsub.f32 v50, v29;
	v53 =	vsub.f32 v53, v29  }
0x196: {  	v43 =	vpsel !p0, $0x40000000, v23;
	v54 =	vsub.f32 v54, v29;
	v57 =	vsub.f32 v57, v29  }
0x197: {  	v45 =	vperm.xlane v45, v3;
	v58 =	vsub.f32 v58, v29;
	v33 =	vsub.f32 v62, v29  }
0x198: {  	v56 =	vsub.f32 v36, v29;
	v46 =	vsub.f32 v16, v29;
	v37 =	vand.u32 $0x7FFFFFFF, v32  }
0x199: {  	v59 =	vand.u32 $0x7FFFFFFF, v35;
	v49 =	vand.u32 $0x7FFFFFFF, v49;
	v47 =	vsub.f32 v47, v29  }
0x19a: {  	v44 =	vld [tilespmem:s5+$0x0];
	v50 =	vand.u32 $0x7FFFFFFF, v50;
	v48 =	vsub.f32 v48, v29;
	v53 =	vand.u32 $0x7FFFFFFF, v53  }
0x19b: {  	v45 =	vsub.f32 v45, v29;
	v54 =	vand.u32 $0x7FFFFFFF, v54;
	v57 =	vand.u32 $0x7FFFFFFF, v57  }
0x19c: {  	v58 =	vand.u32 $0x7FFFFFFF, v58;
	v38 =	vand.u32 $0x7FFFFFFF, v33;
	vm15 =	vge.f32 v49, $5.000000070e-02  }
0x19d: {  	v46 =	vand.u32 $0x7FFFFFFF, v46;
	v49 =	vsub.f32 v19, v29;
	vm1 =	vmand vm1, vm15  }
0x19e: {  	vm15 =	vge.f32 v50, $5.000000070e-02;
	v47 =	vand.u32 $0x7FFFFFFF, v47;
	v48 =	vand.u32 $0x7FFFFFFF, v48  }
0x19f: {  	v45 =	vand.u32 $0x7FFFFFFF, v45;
	v17 =	vperm.xlane v44, v21;
	v18 =	vperm.xlane v44, v22  }
0x1a0: {  	v34 =	vperm.xlane v44, v26;
	vm0 =	vmand vm0, vm15;
	v36 =	vperm.xlane v44, v3  }
0x1a1: {  	v61 =	vand.u32 $0x7FFFFFFF, v49;
	vm15 =	veq.s32 v60, v30;
	v19 =	vperm.xlane v44, v9  }
0x1a2: {  	v32 =	vperm.xlane v44, v12;
	v33 =	vperm.xlane v44, v4;
	v11 =	vsel vm0, $0xFFFFFFFF, v11  }
0x1a3: {  	vm0 =	vge.f32 v53, $5.000000070e-02;
	v51 =	vsub.f32 v17, v31;
	v50 =	vsub.f32 v34, v31  }
0x1a4: {  	vm3 =	vmand vm3, vm0;
	vm0 =	vge.f32 v54, $5.000000070e-02;
	v63 =	vsub.f32 v36, v31  }
0x1a5: {  	v18 =	vsub.f32 v18, v31;
	v52 =	vsub.f32 v32, v31;
	v34 =	vperm.xlane v44, v39  }
0x1a6: {  	v54 =	vsub.f32 v33, v31;
	v36 =	vperm.xlane v44, v10;
	v33 =	vperm.xlane v44, v7  }
0x1a7: {  	vm2 =	vmand vm2, vm0;
	vm0 =	vge.f32 v57, $5.000000070e-02;
	v57 =	vand.u32 $0x7FFFFFFF, v55  }
0x1a8: {  	vm5 =	vmand vm5, vm0;
	vm0 =	vge.f32 v58, $5.000000070e-02;
	v62 =	vmul.f32 v50, v50  }
0x1a9: {  	v58 =	vand.u32 $0x7FFFFFFF, v56;
	v17 =	vmul.f32 v51, v51;
	v49 =	vmul.f32 v18, v18  }
0x1aa: {  	v50 =	vsub.f32 v19, v31;
	v52 =	vmul.f32 v52, v52;
	v55 =	vsub.f32 v34, v31  }
0x1ab: {  	v54 =	vmul.f32 v54, v54;
	v19 =	vperm.xlane v44, v6;
	v60 =	vnsel vm2, $0x0, v43  }
0x1ac: {  	vm4 =	vmand vm4, vm0;
	vm0 =	vge.f32 v37, $5.000000070e-02;
	v16 =	vmul.f32 v62, v43  }
0x1ad: {  	vm7 =	vmand vm7, vm0;
	v49 =	vmul.f32 v49, v43;
	v50 =	vmul.f32 v50, v50  }
0x1ae: {  	vm0 =	vge.f32 v38, $5.000000070e-02;
	v52 =	vmul.f32 v52, v43;
	v55 =	vmul.f32 v55, v55  }
0x1af: {  	v54 =	vmul.f32 v54, v43;
	v38 =	vperm.xlane v44, v8;
	v62 =	vnsel vm1, $0x0, v43  }
0x1b0: {  	vm6 =	vmand vm6, vm0;
	vm0 =	vge.f32 v47, $5.000000070e-02;
	v32 =	vnsel vm7, $0x0, v43  }
0x1b1: {  	vm14 =	vmand vm14, vm0;
	vm0 =	vge.f32 v48, $5.000000070e-02;
	v50 =	vmul.f32 v50, v43  }
0x1b2: {  	v55 =	vmul.f32 v55, v43;
	v18 =	vsub.f32 v38, v31;
	v34 =	vnsel vm6, $0x0, v43  }
0x1b3: {  	v38 =	vnsel vm4, $0x0, v43;
	vm12 =	vmand vm12, vm0;
	vm0 =	vge.f32 v57, $5.000000070e-02  }
0x1b4: {  	v57 =	vsub.f32 v36, v31;
	v54 =	vnsel vm14, $0x0, v54;
	v36 =	vnsel vm5, $0x0, v43  }
0x1b5: {  	vm13 =	vmand vm13, vm0;
	vm0 =	vge.f32 v58, $5.000000070e-02;
	v55 =	vnsel vm12, $0x0, v55  }
0x1b6: {  	v58 =	vperm.xlane v44, v0;
	vm9 =	vmand vm9, vm0;
	vm0 =	vge.f32 v59, $5.000000070e-02  }
0x1b7: {  	v37 =	vnsel vm13, $0x0, v43;
	v50 =	vnsel vm13, $0x0, v50;
	v57 =	vmul.f32 v57, v57  }
0x1b8: {  	vm10 =	vmand vm10, vm0;
	vm0 =	vge.f32 v46, $5.000000070e-02;
	v46 =	vmul.f32 v63, v63  }
0x1b9: {  	v59 =	vnsel vm9, $0x0, v43;
	v52 =	vnsel vm9, $0x0, v52;
	vm11 =	vmand vm11, vm0  }
0x1ba: {  	vm0 =	vge.f32 v61, $5.000000070e-02;
	v53 =	vnsel vm10, $0x0, v43;
	v57 =	vmul.f32 v57, v43  }
0x1bb: {  	vm8 =	vmand vm8, vm0;
	vm0 =	vge.f32 v45, $5.000000070e-02;
	v46 =	vmul.f32 v46, v43  }
0x1bc: {  	[tilespmem:$0x1FEF0] =	vst v11;
	v45 =	vmul.f32 v17, v43;
	v35 =	vnsel vm11, $0x0, v43;
	v49 =	vnsel vm11, $0x0, v49  }
0x1bd: {  	v63 =	vld [tilespmem:$0x1FEF0];
	v17 =	vnsel vm12, $0x0, v43;
	vm0 =	vmand vm15, vm0;
	v47 =	vnsel vm8, $0x0, v16  }
0x1be: {  	v48 =	vnsel vm8, $0x0, v43;
	v16 =	vnsel vm14, $0x0, v43;
	v57 =	vnsel vm7, $0x0, v57  }
0x1bf: {  	v51 =	vnsel vm0, $0x0, v43;
	v46 =	vnsel vm0, $0x0, v46;
	v42 =	vadd.f32 v47, v42  }
0x1c0: {  	v40 =	vadd.f32 v48, v40;
	v47 =	vmul.f32 v18, v18;
	v48 =	vsub.f32 v19, v31  }
0x1c1: {  	v45 =	vnsel vm10, $0x0, v45;
	v41 =	vadd.f32 v46, v41;
	v27 =	vadd.f32 v51, v27  }
0x1c2: {  	vm15 =	vnez.u8 v63;
	v42 =	vadd.f32 v45, v42;
	v47 =	vmul.f32 v47, v43  }
0x1c3: {  	v48 =	vmul.f32 v48, v48;
	v40 =	vadd.f32 v53, v40;
	v45 =	vsub.f32 v33, v31  }
0x1c4: {  	v41 =	vadd.f32 v49, v41;
	v27 =	vadd.f32 v35, v27;
	v35 =	vperm.xlane v44, v1  }
0x1c5: {  	v47 =	vnsel vm6, $0x0, v47;
	v48 =	vmul.f32 v48, v43;
	v45 =	vmul.f32 v45, v45  }
0x1c6: {  	v42 =	vadd.f32 v50, v42;
	v40 =	vadd.f32 v37, v40;
	v37 =	vperm.xlane v44, v5  }
0x1c7: {  	v44 =	vperm.xlane v44, v2;
	v49 =	vsub.f32 v35, v31;
	v41 =	vadd.f32 v52, v41  }
0x1c8: {  	v27 =	vadd.f32 v59, v27;
	v59 =	vnsel vm3, $0x0, v43;
	v42 =	vadd.f32 v54, v42  }
0x1c9: {  	v48 =	vnsel vm5, $0x0, v48;
	v52 =	vsub.f32 v37, v31;
	v40 =	vadd.f32 v16, v40  }
0x1ca: {  	v45 =	vmul.f32 v45, v43;
	v54 =	vsub.f32 v58, v31;
	v44 =	vsub.f32 v44, v31  }
0x1cb: {  	v49 =	vmul.f32 v49, v49;
	v41 =	vadd.f32 v55, v41;
	v27 =	vadd.f32 v17, v27  }
0x1cc: {  	v45 =	vnsel vm4, $0x0, v45;
	v52 =	vmul.f32 v52, v52;
	v42 =	vadd.f32 v57, v42  }
0x1cd: {  	v54 =	vmul.f32 v54, v54;
	v40 =	vadd.f32 v32, v40;
	v44 =	vmul.f32 v44, v44  }
0x1ce: {  	v49 =	vmul.f32 v49, v43;
	v41 =	vadd.f32 v47, v41;
	v27 =	vadd.f32 v34, v27  }
0x1cf: {  	s29 =	sadd.s32 $0x1, s26;
	[tilespmem:$0x1FE80] =	vst v8;
	v52 =	vmul.f32 v52, v43;
	v42 =	vadd.f32 v48, v42;
	v61 =	vmul.f32 v54, v43  }
0x1d0: {  	[tilespmem:$0x1FE90] =	vst v6;
	p0 =	slt.s32 s29, s28;
	v40 =	vadd.f32 v36, v40;
	v44 =	vmul.f32 v44, v43;
	v43 =	vnsel vm15, $0x0, v43  }
.Ltmp13:
0x1d1: {  	[tilespmem:$0x1FEA0] =	vst v7;
	v49 =	vnsel vm3, $0x0, v49;
	v41 =	vadd.f32 v45, v41;
	v27 =	vadd.f32 v38, v27;
	(pc) =	sbr.rel @!p0 .LBB2_18-.Ltmp13, $4  }
0x1d2: {  	[tilespmem:$0x1FEB0] =	vst v1;
	v52 =	vnsel vm2, $0x0, v52;
	v42 =	vadd.f32 v49, v42;
	v40 =	vadd.f32 v59, v40  }
0x1d3: {  	[tilespmem:$0x1FEC0] =	vst v5;
	v47 =	vnsel vm1, $0x0, v61;
	v41 =	vadd.f32 v52, v41;
	v27 =	vadd.f32 v60, v27  }
0x1d4: {  	[tilespmem:$0x1FED0] =	vst v0;
	v44 =	vnsel vm15, $0x0, v44;
	v42 =	vadd.f32 v47, v42;
	v40 =	vadd.f32 v62, v40  }
0x1d5: {  	s30 =	sadd.s32 $0x10, s24;
	s31 =	smov.u32 s23;
	s25 =	smov.u32 s5;
	[tilespmem:$0x1FEE0] =	vst v2;
	v32 =	vmov v3;
	v41 =	vadd.f32 v44, v41;
	v27 =	vadd.f32 v43, v27  }
.LBB2_17:
0x1d6: {  	v43 =	vld [tilespmem:s30+$0x0]  }
0x1d7: {  	v0 =	vld [tilespmem:$0x1FED0]  }
0x1d8: {  	v2 =	vld [tilespmem:$0x1FEE0]  }
0x1d9: {  	v1 =	vld [tilespmem:$0x1FEB0]  }
0x1da: {  	v3 =	vld [tilespmem:$0x1FEC0]  }
0x1db: {  	v5 =	vld [tilespmem:$0x1FE90]  }
0x1dc: {  	v6 =	vld [tilespmem:$0x1FEA0]  }
0x1dd: {  	v11 =	vld [tilespmem:$0x1FE80]  }
0x1de: {  	s31 =	sadd.s32 $0x10, s31;
	v46 =	vperm.xlane v43, v0  }
0x1df: {  	s25 =	sadd.s32 $0x10, s25;
	v44 =	vld [tilespmem:s31+$0x0];
	v47 =	vperm.xlane v43, v2;
	v48 =	vperm.xlane v43, v1  }
0x1e0: {  	v45 =	vld [tilespmem:s25+$0x0];
	v49 =	vperm.xlane v43, v3;
	v52 =	vperm.xlane v43, v5  }
0x1e1: {  	v53 =	vperm.xlane v43, v6;
	v58 =	vperm.xlane v43, v10  }
0x1e2: {  	v59 =	vperm.xlane v43, v11;
	v7 =	vperm.xlane v43, v9  }
0x1e3: {  	v8 =	vperm.xlane v43, v12;
	v17 =	vperm.xlane v43, v21  }
0x1e4: {  	v18 =	vperm.xlane v43, v22;
	v50 =	vperm.xlane v44, v0  }
0x1e5: {  	v51 =	vperm.xlane v44, v2;
	v54 =	vperm.xlane v45, v0  }
0x1e6: {  	v55 =	vperm.xlane v45, v2;
	v56 =	vperm.xlane v44, v1  }
0x1e7: {  	v57 =	vperm.xlane v44, v3;
	v60 =	vperm.xlane v45, v1  }
0x1e8: {  	v61 =	vperm.xlane v45, v3;
	v62 =	vperm.xlane v44, v5  }
0x1e9: {  	v63 =	vperm.xlane v44, v6;
	v1 =	vperm.xlane v43, v4  }
0x1ea: {  	v2 =	vperm.xlane v43, v39;
	v0 =	vperm.xlane v45, v5  }
0x1eb: {  	v28 =	vperm.xlane v45, v6;
	v5 =	vperm.xlane v44, v10  }
0x1ec: {  	v38 =	vmov v10;
	v6 =	vperm.xlane v44, v11;
	v10 =	vperm.xlane v45, v10  }
0x1ed: {  	v11 =	vperm.xlane v45, v11;
	v14 =	vperm.xlane v44, v4  }
0x1ee: {  	v15 =	vperm.xlane v44, v39;
	v19 =	vperm.xlane v45, v4  }
0x1ef: {  	v24 =	vperm.xlane v44, v9;
	v25 =	vperm.xlane v44, v12  }
0x1f0: {  	v37 =	vmov v4;
	v3 =	vperm.xlane v43, v26;
	v4 =	vperm.xlane v43, v32  }
0x1f1: {  	p0 =	seq.s32 s29, s26;
	v13 =	vperm.xlane v44, v21;
	v16 =	vperm.xlane v44, v22  }
0x1f2: {  	v33 =	vmovc v21;
	v34 =	vmovc v22;
	v21 =	vperm.xlane v45, v21;
	v22 =	vperm.xlane v45, v22;
	v43 =	vpsel !p0, $0x40000000, v23  }
0x1f3: {  	v23 =	vperm.xlane v44, v26;
	v44 =	vperm.xlane v44, v32;
	v26 =	vlaneseq.u32  }
0x1f4: {  	v26 =	vperm.xlane v45, v26;
	vm0 =	veq.s32 v46, v30;
	v46 =	vimm.s32 $0x0  }
0x1f5: {  	vm7 =	veq.s32 v47, v30;
	vm8 =	veq.s32 v48, v30;
	v48 =	vimm.s32 $0x0  }
0x1f6: {  	vm9 =	veq.s32 v49, v30;
	vm10 =	veq.s32 v52, v30;
	vm11 =	veq.s32 v53, v30  }
0x1f7: {  	vm12 =	veq.s32 v58, v30;
	vm13 =	veq.s32 v59, v30;
	vm4 =	veq.s32 v7, v30  }
0x1f8: {  	v7 =	vimm.s32 $0x0;
	vm5 =	veq.s32 v8, v30;
	v8 =	vimm.s32 $0x0  }
0x1f9: {  	vm6 =	veq.s32 v17, v30;
	v46 =	vsel vm0, $0xFFFFFFFF, v46;
	v48 =	vsel vm8, $0xFFFFFFFF, v48  }
0x1fa: {  	v5 =	vsub.f32 v5, v29;
	v6 =	vsub.f32 v6, v29;
	vm14 =	veq.s32 v1, v30  }
0x1fb: {  	vm15 =	veq.s32 v2, v30;
	v7 =	vsel vm4, $0xFFFFFFFF, v7;
	v8 =	vsel vm5, $0xFFFFFFFF, v8  }
0x1fc: {  	v13 =	vsub.f32 v13, v29;
	v16 =	vsub.f32 v16, v29;
	vm8 =	veq.s32 v3, v30  }
0x1fd: {  	v3 =	vimm.s32 $0x0;
	v58 =	vsub.f32 v23, v29;
	[tilespmem:$0x1FD00] =	vst v46;
	v46 =	vsub.f32 v50, v29  }
0x1fe: {  	v50 =	vimm.s32 $0x0;
	[tilespmem:$0x1FD20] =	vst v48;
	v48 =	vsub.f32 v54, v31;
	v54 =	vsub.f32 v61, v31  }
0x1ff: {  	v61 =	vimm.s32 $0x0;
	[tilespmem:$0x1FDD0] =	vst v8;
	v8 =	vsub.f32 v25, v29;
	v3 =	vsel vm8, $0xFFFFFFFF, v3  }
0x200: {  	v59 =	vsub.f32 v26, v31;
	v47 =	vsel vm7, $0xFFFFFFFF, v50;
	v50 =	vsub.f32 v55, v31  }
0x201: {  	v55 =	vsub.f32 v62, v29;
	v62 =	vimm.s32 $0x0;
	v1 =	vsel vm14, $0xFFFFFFFF, v61  }
0x202: {  	vm7 =	veq.s32 v18, v30;
	[tilespmem:$0x1FE20] =	vst v3;
	v3 =	vsub.f32 v21, v31;
	v5 =	vand.u32 $0x7FFFFFFF, v5  }
0x203: {  	v6 =	vand.u32 $0x7FFFFFFF, v6;
	v13 =	vand.u32 $0x7FFFFFFF, v13;
	v16 =	vand.u32 $0x7FFFFFFF, v16  }
0x204: {  	v18 =	vand.u32 $0x7FFFFFFF, v58;
	[tilespmem:$0x1FD10] =	vst v47;
	v47 =	vsub.f32 v51, v29;
	v51 =	vsub.f32 v56, v29  }
0x205: {  	v56 =	vimm.s32 $0x0;
	v53 =	vsel vm11, $0xFFFFFFFF, v62;
	[tilespmem:$0x1FD80] =	vst v1;
	v1 =	vsub.f32 v10, v31  }
0x206: {  	v10 =	vsub.f32 v11, v31;
	v11 =	vsub.f32 v14, v29;
	v62 =	vimm.s32 $0x0  }
0x207: {  	v21 =	vand.u32 $0x7FFFFFFF, v46;
	v8 =	vand.u32 $0x7FFFFFFF, v8;
	vm5 =	vge.f32 v5, $5.000000070e-02  }
0x208: {  	vm11 =	vge.f32 v6, $5.000000070e-02;
	v5 =	vimm.s32 $0x0;
	vm14 =	vge.f32 v16, $5.000000070e-02  }
0x209: {  	v49 =	vsel vm9, $0xFFFFFFFF, v56;
	[tilespmem:$0x1FD50] =	vst v53;
	v53 =	vsub.f32 v63, v29;
	v63 =	vimm.s32 $0x0  }
0x20a: {  	v2 =	vsel vm15, $0xFFFFFFFF, v62;
	vm9 =	veq.s32 v4, v30;
	v4 =	vimm.s32 $0x0  }
0x20b: {  	vm0 =	vge.f32 v21, $5.000000070e-02;
	vm15 =	vge.f32 v18, $5.000000070e-02;
	[tilespmem:$0x1FD30] =	vst v49;
	v49 =	vsub.f32 v57, v29  }
0x20c: {  	v57 =	vimm.s32 $0x0;
	v56 =	vsel vm12, $0xFFFFFFFF, v63;
	[tilespmem:$0x1FD90] =	vst v2;
	v2 =	vsub.f32 v15, v29  }
0x20d: {  	v15 =	vsub.f32 v24, v29;
	v63 =	vimm.s32 $0x0;
	v4 =	vsel vm9, $0xFFFFFFFF, v4  }
0x20e: {  	v23 =	vand.u32 $0x7FFFFFFF, v47;
	v24 =	vmul.f32 v50, v50;
	v25 =	vand.u32 $0x7FFFFFFF, v51  }
0x20f: {  	v11 =	vand.u32 $0x7FFFFFFF, v11;
	v50 =	vimm.s32 $0x0;
	v51 =	vimm.s32 $0x0;
	v6 =	vld [tilespmem:$0x1FD30]  }
0x210: {  	v52 =	vsel vm10, $0xFFFFFFFF, v57;
	v17 =	vsel vm6, $0xFFFFFFFF, v63;
	[tilespmem:$0x1FE40] =	vst v4;
	v4 =	vsub.f32 v44, v29  }
0x211: {  	v57 =	vsub.f32 v22, v31;
	v22 =	vmul.f32 v48, v48;
	v2 =	vand.u32 $0x7FFFFFFF, v2  }
0x212: {  	v48 =	vimm.s32 $0x0;
	v4 =	vand.u32 $0x7FFFFFFF, v4;
	vm10 =	vge.f32 v2, $5.000000070e-02  }
0x213: {  	v62 =	vand.u32 $0x7FFFFFFF, v53;
	[tilespmem:$0x1FD40] =	vst v52;
	v2 =	vsel vm10, $0xFFFFFFFF, v48;
	vm10 =	vge.f32 v4, $5.000000070e-02;
	v4 =	vld [tilespmem:$0x1FD10]  }
0x214: {  	vm1 =	vge.f32 v23, $5.000000070e-02;
	v15 =	vand.u32 $0x7FFFFFFF, v15;
	vm8 =	vnez.u8 v6;
	v6 =	vld [tilespmem:$0x1FD40]  }
0x215: {  	v52 =	vsub.f32 v60, v31;
	v60 =	vimm.s32 $0x0;
	vm6 =	vge.f32 v15, $5.000000070e-02  }
0x216: {  	[tilespmem:$0x1FD60] =	vst v56;
	vm2 =	vge.f32 v25, $5.000000070e-02;
	v56 =	vsel vm13, $0xFFFFFFFF, v60;
	v5 =	vsel vm6, $0xFFFFFFFF, v5  }
0x217: {  	v53 =	vld [tilespmem:$0x1FD00];
	v60 =	vand.u32 $0x7FFFFFFF, v49;
	vm13 =	vge.f32 v13, $5.000000070e-02;
	v49 =	vimm.s32 $0x0;
	[tilespmem:$0x1FDC0] =	vst v5  }
0x218: {  	vm12 =	vge.f32 v11, $5.000000070e-02;
	[tilespmem:$0x1FDA0] =	vst v2;
	v2 =	vsel vm13, $0xFFFFFFFF, v49;
	v5 =	vld [tilespmem:$0x1FD20];
	vm13 =	vnez.u8 v4  }
0x219: {  	vm3 =	vge.f32 v62, $5.000000070e-02;
	[tilespmem:$0x1FD70] =	vst v56;
	vm6 =	vmand vm13, vm1;
	vm13 =	vnez.u8 v6;
	v6 =	vld [tilespmem:$0x1FD50]  }
0x21a: {  	v56 =	vimm.s32 $0x0;
	[tilespmem:$0x1FDF0] =	vst v2;
	v2 =	vsel vm14, $0xFFFFFFFF, v50;
	vm14 =	vge.f32 v8, $5.000000070e-02;
	v8 =	vld [tilespmem:$0x1FD60]  }
0x21b: {  	[tilespmem:$0x1FDE0] =	vst v17;
	v26 =	vmul.f32 v52, v52;
	vm4 =	vge.f32 v60, $5.000000070e-02;
	v52 =	vimm.s32 $0x0;
	v11 =	vld [tilespmem:$0x1FD70]  }
0x21c: {  	v17 =	vsel vm7, $0xFFFFFFFF, v56;
	[tilespmem:$0x1FE10] =	vst v2;
	v2 =	vsel vm15, $0xFFFFFFFF, v51;
	vm15 =	vnez.u8 v53  }
0x21d: {  	vm8 =	vmand vm8, vm4;
	vm7 =	vmand vm15, vm0;
	vm15 =	vnez.u8 v5  }
0x21e: {  	[tilespmem:$0x1FE30] =	vst v2;
	v2 =	vsel vm10, $0xFFFFFFFF, v52;
	vm10 =	vmand vm15, vm2;
	vm15 =	vnez.u8 v6  }
0x21f: {  	vm4 =	vnez.u8 v8;
	v6 =	vimm.s32 $0x0;
	vm0 =	vmand vm15, vm3  }
0x220: {  	v6 =	vsel vm0, $0xFFFFFFFF, v6;
	vm0 =	vmand vm4, vm5;
	vm5 =	vnez.u8 v11;
	v11 =	vld [tilespmem:$0x1FD80];
	_ =	sdelay $0x2  }
0x221: {  	v61 =	vand.u32 $0x7FFFFFFF, v55  }
0x222: {  	vm9 =	vge.f32 v61, $5.000000070e-02  }
0x223: {  	vm13 =	vmand vm13, vm9;
	vm9 =	vnez.u8 v11;
	v11 =	vld [tilespmem:$0x1FD90];
	_ =	sdelay $0x4  }
0x224: {  	vm1 =	vmand vm5, vm11;
	vm11 =	vnez.u8 v11;
	v11 =	vld [tilespmem:$0x1FDA0];
	_ =	sdelay $0x3  }
0x225: {  	[tilespmem:$0x1FDB0] =	vst v7  }
0x226: {  	vm2 =	vmand vm9, vm12;
	vm12 =	vnez.u8 v11;
	v11 =	vld [tilespmem:$0x1FDB0];
	_ =	sdelay $0x4  }
0x227: {  	vm15 =	vnez.u8 v11;
	v11 =	vld [tilespmem:$0x1FDC0];
	_ =	sdelay $0x4  }
0x228: {  	vm9 =	vmand vm11, vm12;
	vm11 =	vnez.u8 v11;
	v11 =	vld [tilespmem:$0x1FDD0]  }
0x229: {  	v13 =	vld [tilespmem:$0x1FDE0];
	_ =	sdelay $0x2  }
0x22a: {  	v35 =	vmov v9;
	v9 =	vperm.xlane v45, v9;
	v8 =	vimm.s32 $0x0  }
0x22b: {  	v36 =	vmovc v12;
	v12 =	vperm.xlane v45, v12;
	v8 =	vsel vm0, $0xFFFFFFFF, v8;
	vm12 =	vnez.u8 v11  }
0x22c: {  	vm0 =	vmand vm15, vm11;
	vm11 =	vmand vm12, vm14;
	vm14 =	vnez.u8 v13;
	v13 =	vld [tilespmem:$0x1FDF0]  }
0x22d: {  	v20 =	vperm.xlane v45, v39;
	v0 =	vsub.f32 v0, v31;
	v28 =	vsub.f32 v28, v31  }
0x22e: {  	v45 =	vperm.xlane v45, v32;
	v9 =	vsub.f32 v9, v31;
	v12 =	vsub.f32 v12, v31  }
0x22f: {  	v7 =	vsub.f32 v19, v31;
	v0 =	vmul.f32 v0, v0;
	v28 =	vmul.f32 v28, v28  }
0x230: {  	v9 =	vmul.f32 v9, v9;
	v12 =	vmul.f32 v12, v12;
	[tilespmem:$0x1FE00] =	vst v17  }
0x231: {  	v7 =	vmul.f32 v7, v7;
	v19 =	vmul.f32 v59, v59;
	vm15 =	vnez.u8 v13;
	v13 =	vld [tilespmem:$0x1FE00]  }
0x232: {  	v14 =	vsub.f32 v20, v31;
	v3 =	vmul.f32 v3, v3;
	v0 =	vmul.f32 v0, v43  }
0x233: {  	v20 =	vsub.f32 v45, v31;
	v9 =	vmul.f32 v9, v43;
	v12 =	vmul.f32 v12, v43  }
0x234: {  	v1 =	vmul.f32 v1, v1;
	v10 =	vmul.f32 v10, v10  }
0x235: {  	v14 =	vmul.f32 v14, v14;
	v20 =	vmul.f32 v20, v20  }
0x236: {  	v7 =	vmul.f32 v7, v43;
	v63 =	vmul.f32 v54, v54;
	vm12 =	vnez.u8 v13;
	v13 =	vld [tilespmem:$0x1FE10]  }
0x237: {  	v3 =	vmul.f32 v3, v43;
	v11 =	vmul.f32 v14, v43;
	v14 =	vld [tilespmem:$0x1FE20]  }
0x238: {  	v1 =	vmul.f32 v1, v43;
	v54 =	vmul.f32 v22, v43;
	v15 =	vld [tilespmem:$0x1FE40]  }
0x239: {  	v10 =	vmul.f32 v10, v43;
	v17 =	vmul.f32 v57, v57  }
0x23a: {  	[tilespmem:$0x1FE50] =	vst v2;
	v4 =	vmul.f32 v24, v43;
	v55 =	vnsel vm7, $0x0, v43;
	v2 =	vnsel vm7, $0x0, v54  }
0x23b: {  	v5 =	vmul.f32 v26, v43;
	vm15 =	vmand vm14, vm15;
	vm14 =	vnez.u8 v13  }
0x23c: {  	v56 =	vnsel vm6, $0x0, v43;
	vm3 =	vmand vm12, vm14;
	vm12 =	vnez.u8 v14;
	v14 =	vld [tilespmem:$0x1FE30]  }
0x23d: {  	v58 =	vnsel vm10, $0x0, v43;
	v57 =	vnsel vm13, $0x0, v43;
	vm5 =	vnez.u8 v15;
	v15 =	vld [tilespmem:$0x1FE50];
	[tilespmem:$0x1FE60] =	vst v8  }
0x23e: {  	[tilespmem:$0x1FE70] =	vst v6;
	v6 =	vmul.f32 v63, v43;
	v8 =	vmul.f32 v28, v43;
	v22 =	vnsel vm1, $0x0, v43;
	v21 =	vld [tilespmem:$0x1FE60]  }
0x23f: {  	v23 =	vld [tilespmem:$0x1FE70];
	v25 =	vnsel vm2, $0x0, v43;
	v26 =	vnsel vm9, $0x0, v43;
	v24 =	vnsel vm0, $0x0, v43  }
0x240: {  	v60 =	vnsel vm11, $0x0, v43;
	v28 =	vnsel vm15, $0x0, v43;
	v13 =	vmul.f32 v17, v43  }
0x241: {  	v59 =	vnsel vm3, $0x0, v43;
	vm14 =	vnez.u8 v14;
	v14 =	vmul.f32 v19, v43  }
0x242: {  	vm4 =	vmand vm12, vm14;
	vm12 =	vnez.u8 v15;
	v15 =	vmul.f32 v20, v43  }
0x243: {  	v20 =	vnsel vm8, $0x0, v43;
	vm14 =	vnez.u8 v21;
	vm5 =	vmand vm5, vm12  }
0x244: {  	v21 =	vnsel vm14, $0x0, v43;
	vm12 =	vnez.u8 v23;
	v14 =	vnsel vm4, $0x0, v14  }
0x245: {  	v61 =	vnsel vm4, $0x0, v43;
	v23 =	vnsel vm12, $0x0, v43;
	v43 =	vnsel vm5, $0x0, v43  }
0x246: {  	v14 =	vadd.f32 v14, v42;
	v40 =	vadd.f32 v61, v40;
	v15 =	vnsel vm5, $0x0, v15  }
0x247: {  	v3 =	vnsel vm15, $0x0, v3;
	v15 =	vadd.f32 v15, v41;
	v27 =	vadd.f32 v43, v27  }
0x248: {  	v13 =	vnsel vm3, $0x0, v13;
	v3 =	vadd.f32 v3, v14;
	v14 =	vadd.f32 v28, v40  }
0x249: {  	v9 =	vnsel vm0, $0x0, v9;
	v13 =	vadd.f32 v13, v15;
	v15 =	vadd.f32 v59, v27  }
0x24a: {  	v12 =	vnsel vm11, $0x0, v12;
	v3 =	vadd.f32 v9, v3;
	v9 =	vadd.f32 v24, v14  }
0x24b: {  	v7 =	vnsel vm2, $0x0, v7;
	v14 =	vadd.f32 v12, v13;
	v13 =	vadd.f32 v60, v15  }
0x24c: {  	v3 =	vadd.f32 v7, v3;
	v7 =	vadd.f32 v25, v9;
	v9 =	vnsel vm9, $0x0, v11  }
0x24d: {  	v1 =	vnsel vm14, $0x0, v1;
	v9 =	vadd.f32 v9, v14;
	v11 =	vadd.f32 v26, v13  }
0x24e: {  	v1 =	vadd.f32 v1, v3;
	v3 =	vadd.f32 v21, v7;
	v7 =	vnsel vm1, $0x0, v10  }
0x24f: {  	s29 =	sadd.s32 $0x1, s29;
	v0 =	vnsel vm13, $0x0, v0;
	v7 =	vadd.f32 v7, v9;
	v11 =	vadd.f32 v22, v11  }
0x250: {  	p0 =	slt.s32 s29, s28;
	v0 =	vadd.f32 v0, v1;
	v62 =	vadd.f32 v57, v3;
	v3 =	vnsel vm12, $0x0, v8  }
.Ltmp14:
0x251: {  	v5 =	vnsel vm10, $0x0, v5;
	v3 =	vadd.f32 v3, v7;
	v7 =	vadd.f32 v23, v11;
	(pc) =	sbr.rel @p0 .LBB2_17-.Ltmp14, $4  }
0x252: {  	v0 =	vadd.f32 v5, v0;
	v1 =	vadd.f32 v58, v62;
	v5 =	vnsel vm8, $0x0, v6  }
0x253: {  	v63 =	vnsel vm6, $0x0, v4;
	v4 =	vmovc v37;
	v12 =	vmovc v36;
	v3 =	vadd.f32 v5, v3;
	v5 =	vadd.f32 v20, v7  }
0x254: {  	v26 =	vlaneseq.u32;
	v21 =	vmovc v33;
	v10 =	vmovc v38;
	v42 =	vadd.f32 v2, v0;
	v40 =	vadd.f32 v55, v1  }
0x255: {  	s30 =	sadd.s32 $0x10, s30;
	v22 =	vmovc v34;
	v9 =	vmovc v35;
	v23 =	vimm.f32 $1.000000000e+00;
	v41 =	vadd.f32 v63, v3;
	v27 =	vadd.f32 v56, v5  }
.Ltmp15:
0x256: {  	_ = 	snop;
	(pc) =	sbr.rel .LBB2_18-.Ltmp15, $1  }
0x257: {  	_ =	sdelay $0x3  }
.LBB2_8:
.Ltmp16:
0x258: {  	(pc) =	sbr.rel .LBB2_13-.Ltmp16, $2  }
0x259: {  	_ =	sdelay $0x2  }
0x25a: {  	s25 =	simm.s32 $0x3000;
	v28 =	vimm.f32 $0.0e+00  }
.LBB2_10:
.Ltmp17:
0x25b: {  	(pc) =	sbr.rel .LBB2_13-.Ltmp17, $2  }
0x25c: {  	_ =	sdelay $0x2  }
0x25d: {  	s25 =	simm.s32 $0x3000;
	s24 =	simm.s32 $0x1  }
.LBB2_21:
0x25e: {  	_ =	sfence.sel $0x180000  }
0x25f: {  	[bflag:$0x0] =	sbarrier.arrive $0xFFFF  }
0x260: {  	_ =	strace $0x90000047  }
0x261: {  	[bflag:$0x2] =	sbarrier.arrive $0xFFFF  }
0x262: {  	p0 =	sne.s32 s4, $0x0;
	s0 =	rddreg [dreg:$0x4]  }
0x263: {  	s0 =	sadd.s32 @!p0 $0x100000, s0  }
0x264: {  	[sflag:s0] =	ssyncadd.tile.s32 @!p0 $0x1;
	_ =	shalt  }
.Lfunc_end2:
_tile_overlayer_lowered:
.L_overlay_start_2:
0x265: {  	(tag) =	ssettag $0x2  }
0x266: {  	s0 =	rddreg [dreg:$0x0];
	s2 =	stileid.u32  }
0x267: {  	s1 =	rddreg [dreg:$0x1];
	p0 =	sne.s32 s2, $0x0  }
0x268: {  	s3 =	rddreg [dreg:$0x2];
	[bflag:$0x3] =	sbarrier.arrive $0xFFFF;
	s2 =	simm.s32 @!p0 $0x1C02  }
0x269: {  	[timem:s3], [sflag:s2] =	dma.local @!p0 [hbm:s0], s1  }
0x26a: {  	s0 =	simm.s32 @!p0 $0x2  }
0x26b: {  	_ =	swait.ge @!p0 [sflag:s0], s1  }
0x26c: {  	s1 =	ssub.s32 @!p0 $0x0, s1;
	[sflag:s0] =	ssyncset.done @!p0 $0x0  }
0x26d: {  	[sflag:s0] =	ssyncadd.s32 @!p0 s1  }
0x26e: {  	[bflag:$0x3] =	sbarrier.arrive $0xFFFF  }
0x26f: {  	_ =	shalt  }

</sc_bundles>
